<compile_context>
chip_gen: v7x
topology: tpu7x:2x2x1
jax: 0.10.2.dev20260603
libtpu: 0.0.44.dev20260713+nightly
codegen_flags: <defaults>
</compile_context>

<pallas_src>
import functools

import jax
import jax.numpy as jnp
from jax import lax
from jax.experimental import pallas as pl
from jax.experimental.pallas import tpu as pltpu
from jax.experimental.pallas import tpu_sc as plsc

_N = 10000
_D = 128
_L = 16
_DV = _D // _L
_S = 51
_G = _S + 1
_PW = 2 * _G
_NC, _NS = 2, 16
_NW = _NC * _NS
_PAIRS = (_N + 1) // 2
_PPW = -(-_PAIRS // _NW)
if _PPW % 2:
    _PPW += 1
_PAIRS_PAD = _PPW * _NW
_OW = 112
_EPS = 1e-8


def _normalize_body(x_ref, o_ref):
    x = x_ref[...]
    n = jnp.sqrt(jnp.sum(x * x, axis=-1, keepdims=True))
    o_ref[...] = x / jnp.maximum(n, _EPS)


def _normalize(features):
    return pl.pallas_call(
        _normalize_body,
        grid=(10,),
        in_specs=[pl.BlockSpec((_N // 10, _D), lambda i: (i, 0))],
        out_specs=pl.BlockSpec((_N // 10, _D), lambda i: (i, 0)),
        out_shape=jax.ShapeDtypeStruct((_N, _D), jnp.float32),
    )(features)


def _sim_body(fn_hbm, idx_hbm, sims_hbm, idx_v, buf_a, buf_b, out_a, out_b,
              acc, gsem_a, gsem_b, osem_a, osem_b):
    wid = lax.axis_index("s") * _NC + lax.axis_index("c")
    pair0 = wid * _PPW

    pltpu.make_async_copy(
        idx_hbm.at[pl.ds(pair0 * _PW, _PPW * _PW)], idx_v, gsem_a).start()
    pltpu.make_async_copy(
        idx_hbm.at[pl.ds(pair0 * _PW, _PPW * _PW)], idx_v, gsem_a).wait()

    def fire_gather(p_local, buf, sem):
        idx = idx_v.at[pl.ds(p_local * _PW, _PW)]
        pltpu.make_async_copy(fn_hbm.at[idx], buf, sem).start()

    def wait_gather(p_local, buf, sem):
        idx = idx_v.at[pl.ds(p_local * _PW, _PW)]
        pltpu.make_async_copy(fn_hbm.at[idx], buf, sem).wait()

    def fire_out(out_v, p_global, sem):
        pltpu.make_async_copy(
            out_v, sims_hbm.at[pl.ds(p_global * _OW, _OW)], sem).start()

    def wait_out(out_v, sem):
        pltpu.make_async_copy(
            out_v, sims_hbm.at[pl.ds(pair0 * _OW, _OW)], sem).wait()

    def dots(buf, qbase):
        q = [buf[qbase, pl.ds(_L * k, _L)] for k in range(_DV)]

        @pl.loop(qbase, qbase + _G)
        def _(j):
            parts = [buf[j, pl.ds(_L * k, _L)] * q[k] for k in range(_DV)]
            while len(parts) > 1:
                parts = [a + b for a, b in zip(parts[::2], parts[1::2])]
            acc[j, pl.ds(0, _L)] = parts[0]

    def compute_pair(buf, out_v):
        dots(buf, 0)
        dots(buf, _G)
        lane = lax.iota(jnp.int32, _L)
        for g in range(_OW // _L):
            rows_idx = lane + (_L * g)
            tot = plsc.load_gather(acc, [rows_idx, jnp.zeros_like(lane)])
            for l in range(1, _L):
                tot = tot + plsc.load_gather(
                    acc, [rows_idx, jnp.full_like(lane, l)])
            out_v[pl.ds(_L * g, _L)] = tot

    fire_gather(0, buf_a, gsem_a)

    @pl.loop(0, _PPW // 2)
    def _(k):
        p0 = 2 * k
        p1 = p0 + 1

        @pl.when(k > 0)
        def _():
            wait_out(out_a, osem_a)
            wait_out(out_b, osem_b)

        wait_gather(p0, buf_a, gsem_a)
        fire_gather(p1, buf_b, gsem_b)
        compute_pair(buf_a, out_a)
        fire_out(out_a, pair0 + p0, osem_a)

        wait_gather(p1, buf_b, gsem_b)

        @pl.when(k < _PPW // 2 - 1)
        def _():
            fire_gather(p0 + 2, buf_a, gsem_a)

        compute_pair(buf_b, out_b)
        fire_out(out_b, pair0 + p1, osem_b)

    wait_out(out_a, osem_a)
    wait_out(out_b, osem_b)


def _similarities(fn, idx):
    k = pl.kernel(
        _sim_body,
        mesh=plsc.VectorSubcoreMesh(core_axis_name="c", subcore_axis_name="s"),
        compiler_params=pltpu.CompilerParams(needs_layout_passes=False),
        out_type=jax.ShapeDtypeStruct((_PAIRS_PAD * _OW,), jnp.float32),
        scratch_types=[
            pltpu.VMEM((_PPW * _PW,), jnp.int32),
            pltpu.VMEM((_PW, _D), jnp.float32),
            pltpu.VMEM((_PW, _D), jnp.float32),
            pltpu.VMEM((_OW,), jnp.float32),
            pltpu.VMEM((_OW,), jnp.float32),
            pltpu.VMEM((_OW, _L), jnp.float32),
            pltpu.SemaphoreType.DMA,
            pltpu.SemaphoreType.DMA,
            pltpu.SemaphoreType.DMA,
            pltpu.SemaphoreType.DMA,
        ],
    )
    return k(fn, idx)


_RB = _PAIRS_PAD // 8


def _loss_body(s_ref, o_ref):
    i = pl.program_id(0)
    x = s_ref[...]
    row = i * _RB + lax.broadcasted_iota(jnp.int32, (_RB, 1), 0)

    def half_loss(base, qrow):
        pos = x[:, base + 1:base + 2]
        neg = jnp.sum(jnp.exp(x[:, base + 2:base + _G]), axis=1, keepdims=True)
        li = jnp.log(neg + _EPS) - pos
        return jnp.where(qrow < _N, li, 0.0)

    total = jnp.sum(half_loss(0, 2 * row)) + jnp.sum(half_loss(_G, 2 * row + 1))

    @pl.when(i == 0)
    def _():
        o_ref[...] = jnp.zeros_like(o_ref)

    o_ref[...] += total

    @pl.when(i == pl.num_programs(0) - 1)
    def _():
        o_ref[...] = o_ref[...] / _N


def _loss(sims):
    out = pl.pallas_call(
        _loss_body,
        grid=(8,),
        in_specs=[pl.BlockSpec((_RB, _OW), lambda i: (i, 0))],
        out_specs=pl.BlockSpec((1, 1), lambda i: (0, 0)),
        out_shape=jax.ShapeDtypeStruct((1, 1), jnp.float32),
    )(sims)
    return out[0, 0]


def kernel(features, samples):
    features = features.astype(jnp.float32)
    samples = samples.astype(jnp.int32)

    fn = _normalize(features)

    self_col = jnp.arange(_N, dtype=jnp.int32)[:, None]
    idx = jnp.concatenate([self_col, samples], axis=1)
    idx = idx.reshape(_PAIRS, _PW)
    idx = jnp.pad(idx, ((0, _PAIRS_PAD - _PAIRS), (0, 0)))

    sims_flat = _similarities(fn, idx.reshape(-1))
    return _loss(sims_flat.reshape(_PAIRS_PAD, _OW))

# --- scband reference (transcript-rebuilt; emitter-appended) ---
"""Pipeline reference for scband-lp-gpt-38439957299947 (READ-ONLY COPY).

The authoritative reference and input builder live on the scoring server;
editing this copy changes nothing except your own understanding.
"""

import jax, jax.numpy as jnp
import numpy as np

N = 10000
D = 128
N_SAMPLES = 51  # 1 positive + 50 negatives
TEMPERATURE = 1.0


def setup_inputs(seed: int = 0) -> dict:
    key = jax.random.key(seed)
    k1, k2 = jax.random.split(key)
    features = jax.random.normal(k1, (N, D), dtype=jnp.float32)
    samples = jax.random.randint(k2, (N, N_SAMPLES), 0, N, dtype=jnp.int64)
    return {"features": features, "samples": samples}


def reference(features, samples):
    # Faithful translation of LpGPT.compare_loss:
    #   sim = F.cosine_similarity(features.unsqueeze(1), features[samples], dim=2)
    gathered = jnp.take(features, samples, axis=0)  # [N, 51, D] gather
    eps = 1e-8
    f_norm = jnp.maximum(jnp.linalg.norm(features, axis=-1, keepdims=True), eps)
    g_norm = jnp.maximum(jnp.linalg.norm(gathered, axis=-1, keepdims=True), eps)
    fn = features / f_norm              # [N, D]
    gn = gathered / g_norm              # [N, 51, D]
    sim_matrix = jnp.sum(fn[:, None, :] * gn, axis=2)  # [N, 51]
    exp_sim = jnp.exp(sim_matrix / TEMPERATURE)
    pos = exp_sim[:, 0]
    neg = jnp.sum(exp_sim[:, 1:], axis=1)
    loss = -jnp.log(pos / (neg + 1e-08))
    return jnp.mean(loss)

if __name__ == "__main__":
    import jax
    _d = setup_inputs()
    print(jax.jit(kernel)(*tuple(_d.values())))

</pallas_src>

<mosaic_0001>
#map = affine_map<(d0, d1) -> (0, 0)>
#map1 = affine_map<(d0, d1) -> (0)>
module attributes {stable_mosaic.version = 14 : i64} {
  func.func @_sim_body(%arg0: i32, %arg1: i32, %arg2: memref<10000x128xf32, #tpu.memory_space<hbm>>, %arg3: memref<525824xi32, #tpu.memory_space<hbm>>, %arg4: memref<566272xf32, #tpu.memory_space<hbm>>, %arg5: memref<16432xi32, #tpu.memory_space<vmem>>, %arg6: memref<104x128xf32, #tpu.memory_space<vmem>>, %arg7: memref<104x128xf32, #tpu.memory_space<vmem>>, %arg8: memref<112xf32, #tpu.memory_space<vmem>>, %arg9: memref<112xf32, #tpu.memory_space<vmem>>, %arg10: memref<112x16xf32, #tpu.memory_space<vmem>>, %arg11: memref<!tpu.dma_semaphore, #tpu.memory_space<semaphore_mem>>, %arg12: memref<!tpu.dma_semaphore, #tpu.memory_space<semaphore_mem>>, %arg13: memref<!tpu.dma_semaphore, #tpu.memory_space<semaphore_mem>>, %arg14: memref<!tpu.dma_semaphore, #tpu.memory_space<semaphore_mem>>) attributes {dimension_semantics = [#tpu.dimension_semantics<core_parallel>, #tpu.dimension_semantics<subcore_parallel>], iteration_bounds = array<i64: 2, 16>, scalar_prefetch = 0 : i64, scratch_operands = 10 : i64, tpu.core_type = #tpu.core_type<sc_vector_subcore>, window_params = [{transform_indices = #map}, {transform_indices = #map1}, {transform_indices = #map1}]} {
    %mul3A = arith.constant 2 : i32
    %mul3A_0 = arith.muli %arg1, %mul3A : i32
    %add3A = arith.addi %mul3A_0, %arg0 : i32
    %mul3A_1 = arith.constant 158 : i32
    %mul3A_2 = arith.muli %add3A, %mul3A_1 : i32
    %mul3A_3 = arith.constant 104 : i32
    %mul3A_4 = arith.muli %mul3A_2, %mul3A_3 : i32
    %dma_start3A = tpu.memref_slice %arg3[%mul3A_4] : memref<525824xi32, #tpu.memory_space<hbm>> -> memref<16432xi32, #tpu.memory_space<hbm>>
    %dma_start3A_5 = tpu.memref_slice %arg3[%mul3A_4] : memref<525824xi32, #tpu.memory_space<hbm>> -> memref<16432xi32, #tpu.memory_space<hbm>>
    tpu.enqueue_dma source(%dma_start3A_5 : memref<16432xi32, #tpu.memory_space<hbm>>) target(%arg5 : memref<16432xi32, #tpu.memory_space<vmem>>) target_semaphore(%arg11 : memref<!tpu.dma_semaphore, #tpu.memory_space<semaphore_mem>>)
    %mul3A_6 = arith.constant 104 : i32
    %mul3A_7 = arith.muli %mul3A_2, %mul3A_6 : i32
    %dma_wait3A = tpu.memref_slice %arg3[%mul3A_7] : memref<525824xi32, #tpu.memory_space<hbm>> -> memref<16432xi32, #tpu.memory_space<hbm>>
    %dma_wait3A_8 = tpu.memref_slice %arg3[%mul3A_7] : memref<525824xi32, #tpu.memory_space<hbm>> -> memref<16432xi32, #tpu.memory_space<hbm>>
    tpu.wait_dma2 semaphore(%arg11 : memref<!tpu.dma_semaphore, #tpu.memory_space<semaphore_mem>>) src(%dma_wait3A_8 : memref<16432xi32, #tpu.memory_space<hbm>>) dst(%arg5 : memref<16432xi32, #tpu.memory_space<vmem>>)
    %dma_start3A_9 = arith.constant 0 : i32
    %dma_start3A_10 = tpu.memref_slice %arg5[%dma_start3A_9] : memref<16432xi32, #tpu.memory_space<vmem>> -> memref<104xi32, #tpu.memory_space<vmem>>
    %dma_start3A_11 = arith.constant 0 : i32
    %dma_start3A_12 = arith.constant 0 : i32
    %dma_start3A_13 = tpu.memref_slice %arg2[%dma_start3A_11, %dma_start3A_12] : memref<10000x128xf32, #tpu.memory_space<hbm>> -> memref<10000x128xf32, #tpu.memory_space<hbm>>
    tpu.enqueue_indirect_dma source(%dma_start3A_13 : memref<10000x128xf32, #tpu.memory_space<hbm>>) target(%arg6 : memref<104x128xf32, #tpu.memory_space<vmem>>) offsets(%dma_start3A_10 : memref<104xi32, #tpu.memory_space<vmem>>) semaphore(%arg11 : memref<!tpu.dma_semaphore, #tpu.memory_space<semaphore_mem>>)
    %scan3A = arith.constant 0 : i32
    %scan3A_14 = arith.constant 79 : i32
    %scan3A_15 = arith.addi %scan3A, %scan3A_14 : i32
    %scan3A_16 = arith.constant 1 : i32
    scf.for %scan3A_26 = %scan3A to %scan3A_15 step %scan3A_16  : i32 {
      %mul3A_27 = arith.constant 1 : i32
      %mul3A_28 = arith.muli %scan3A_26, %mul3A_27 : i32
      %add3A_29 = arith.constant 0 : i32
      %add3A_30 = arith.addi %add3A_29, %mul3A_28 : i32
      %mul3A_31 = arith.constant 2 : i32
      %mul3A_32 = arith.muli %mul3A_31, %add3A_30 : i32
      %add3A_33 = arith.constant 1 : i32
      %add3A_34 = arith.addi %mul3A_32, %add3A_33 : i32
      %gt3A = arith.constant 0 : i32
      %gt3A_35 = arith.cmpi sgt, %add3A_30, %gt3A : i32
      %convert_element_type3A = arith.extui %gt3A_35 : i1 to i32
      %cond3A = arith.constant 0 : i32
      %cond3A_36 = arith.cmpi ne, %convert_element_type3A, %cond3A : i32
      scf.if %cond3A_36 {
        %mul3A_1166 = arith.constant 112 : i32
        %mul3A_1167 = arith.muli %mul3A_2, %mul3A_1166 : i32
        %dma_wait3A_1168 = tpu.memref_slice %arg4[%mul3A_1167] : memref<566272xf32, #tpu.memory_space<hbm>> -> memref<112xf32, #tpu.memory_space<hbm>>
        %dma_wait3A_1169 = tpu.memref_slice %arg4[%mul3A_1167] : memref<566272xf32, #tpu.memory_space<hbm>> -> memref<112xf32, #tpu.memory_space<hbm>>
        tpu.wait_dma2 semaphore(%arg13 : memref<!tpu.dma_semaphore, #tpu.memory_space<semaphore_mem>>) src(%arg8 : memref<112xf32, #tpu.memory_space<vmem>>) dst(%dma_wait3A_1169 : memref<112xf32, #tpu.memory_space<hbm>>)
        %mul3A_1170 = arith.constant 112 : i32
        %mul3A_1171 = arith.muli %mul3A_2, %mul3A_1170 : i32
        %dma_wait3A_1172 = tpu.memref_slice %arg4[%mul3A_1171] : memref<566272xf32, #tpu.memory_space<hbm>> -> memref<112xf32, #tpu.memory_space<hbm>>
        %dma_wait3A_1173 = tpu.memref_slice %arg4[%mul3A_1171] : memref<566272xf32, #tpu.memory_space<hbm>> -> memref<112xf32, #tpu.memory_space<hbm>>
        tpu.wait_dma2 semaphore(%arg14 : memref<!tpu.dma_semaphore, #tpu.memory_space<semaphore_mem>>) src(%arg9 : memref<112xf32, #tpu.memory_space<vmem>>) dst(%dma_wait3A_1173 : memref<112xf32, #tpu.memory_space<hbm>>)
      } else {
      }
      %mul3A_37 = arith.constant 104 : i32
      %mul3A_38 = arith.muli %mul3A_32, %mul3A_37 : i32
      %dma_wait3A_39 = tpu.memref_slice %arg5[%mul3A_38] : memref<16432xi32, #tpu.memory_space<vmem>> -> memref<104xi32, #tpu.memory_space<vmem>>
      %dma_wait3A_40 = arith.constant 0 : i32
      %dma_wait3A_41 = arith.constant 0 : i32
      %dma_wait3A_42 = tpu.memref_slice %arg2[%dma_wait3A_40, %dma_wait3A_41] : memref<10000x128xf32, #tpu.memory_space<hbm>> -> memref<10000x128xf32, #tpu.memory_space<hbm>>
      tpu.wait_indirect_dma semaphore(%arg11 : memref<!tpu.dma_semaphore, #tpu.memory_space<semaphore_mem>>) src(%dma_wait3A_42 : memref<10000x128xf32, #tpu.memory_space<hbm>>) dst(%arg6 : memref<104x128xf32, #tpu.memory_space<vmem>>)
      %mul3A_43 = arith.constant 104 : i32
      %mul3A_44 = arith.muli %add3A_34, %mul3A_43 : i32
      %dma_start3A_45 = tpu.memref_slice %arg5[%mul3A_44] : memref<16432xi32, #tpu.memory_space<vmem>> -> memref<104xi32, #tpu.memory_space<vmem>>
      %dma_start3A_46 = arith.constant 0 : i32
      %dma_start3A_47 = arith.constant 0 : i32
      %dma_start3A_48 = tpu.memref_slice %arg2[%dma_start3A_46, %dma_start3A_47] : memref<10000x128xf32, #tpu.memory_space<hbm>> -> memref<10000x128xf32, #tpu.memory_space<hbm>>
      tpu.enqueue_indirect_dma source(%dma_start3A_48 : memref<10000x128xf32, #tpu.memory_space<hbm>>) target(%arg7 : memref<104x128xf32, #tpu.memory_space<vmem>>) offsets(%dma_start3A_45 : memref<104xi32, #tpu.memory_space<vmem>>) semaphore(%arg12 : memref<!tpu.dma_semaphore, #tpu.memory_space<semaphore_mem>>)
      %get3A = arith.constant 0 : i32
      %get3A_49 = arith.index_cast %get3A : i32 to index
      %get3A_50 = arith.constant 0 : index
      %get3A_51 = tpu.vector_load %arg6[%get3A_49, %get3A_50] {strides = array<i32>} : memref<104x128xf32, #tpu.memory_space<vmem>>, vector<16xf32>,
      %get3A_52 = arith.constant 0 : i32
      %get3A_53 = arith.index_cast %get3A_52 : i32 to index
      %get3A_54 = arith.constant 16 : index
      %get3A_55 = tpu.vector_load %arg6[%get3A_53, %get3A_54] {strides = array<i32>} : memref<104x128xf32, #tpu.memory_space<vmem>>, vector<16xf32>,
      %get3A_56 = arith.constant 0 : i32
      %get3A_57 = arith.index_cast %get3A_56 : i32 to index
      %get3A_58 = arith.constant 32 : index
      %get3A_59 = tpu.vector_load %arg6[%get3A_57, %get3A_58] {strides = array<i32>} : memref<104x128xf32, #tpu.memory_space<vmem>>, vector<16xf32>,
      %get3A_60 = arith.constant 0 : i32
      %get3A_61 = arith.index_cast %get3A_60 : i32 to index
      %get3A_62 = arith.constant 48 : index
      %get3A_63 = tpu.vector_load %arg6[%get3A_61, %get3A_62] {strides = array<i32>} : memref<104x128xf32, #tpu.memory_space<vmem>>, vector<16xf32>,
      %get3A_64 = arith.constant 0 : i32
      %get3A_65 = arith.index_cast %get3A_64 : i32 to index
      %get3A_66 = arith.constant 64 : index
      %get3A_67 = tpu.vector_load %arg6[%get3A_65, %get3A_66] {strides = array<i32>} : memref<104x128xf32, #tpu.memory_space<vmem>>, vector<16xf32>,
      %get3A_68 = arith.constant 0 : i32
      %get3A_69 = arith.index_cast %get3A_68 : i32 to index
      %get3A_70 = arith.constant 80 : index
      %get3A_71 = tpu.vector_load %arg6[%get3A_69, %get3A_70] {strides = array<i32>} : memref<104x128xf32, #tpu.memory_space<vmem>>, vector<16xf32>,
      %get3A_72 = arith.constant 0 : i32
      %get3A_73 = arith.index_cast %get3A_72 : i32 to index
      %get3A_74 = arith.constant 96 : index
      %get3A_75 = tpu.vector_load %arg6[%get3A_73, %get3A_74] {strides = array<i32>} : memref<104x128xf32, #tpu.memory_space<vmem>>, vector<16xf32>,
      %get3A_76 = arith.constant 0 : i32
      %get3A_77 = arith.index_cast %get3A_76 : i32 to index
      %get3A_78 = arith.constant 112 : index
      %get3A_79 = tpu.vector_load %arg6[%get3A_77, %get3A_78] {strides = array<i32>} : memref<104x128xf32, #tpu.memory_space<vmem>>, vector<16xf32>,
      %scan3A_80 = arith.constant 0 : i32
      %scan3A_81 = arith.constant 52 : i32
      %scan3A_82 = arith.addi %scan3A_80, %scan3A_81 : i32
      %scan3A_83 = arith.constant 1 : i32
      scf.for %scan3A_1166 = %scan3A_80 to %scan3A_82 step %scan3A_83  : i32 {
        %mul3A_1167 = arith.constant 1 : i32
        %mul3A_1168 = arith.muli %scan3A_1166, %mul3A_1167 : i32
        %add3A_1169 = arith.constant 0 : i32
        %add3A_1170 = arith.addi %add3A_1169, %mul3A_1168 : i32
        %get3A_1171 = arith.index_cast %add3A_1170 : i32 to index
        %get3A_1172 = arith.constant 0 : index
        %get3A_1173 = tpu.vector_load %arg6[%get3A_1171, %get3A_1172] {strides = array<i32>} : memref<104x128xf32, #tpu.memory_space<vmem>>, vector<16xf32>,
        %mul3A_1174 = arith.mulf %get3A_1173, %get3A_51 : vector<16xf32>
        %get3A_1175 = arith.index_cast %add3A_1170 : i32 to index
        %get3A_1176 = arith.constant 16 : index
        %get3A_1177 = tpu.vector_load %arg6[%get3A_1175, %get3A_1176] {strides = array<i32>} : memref<104x128xf32, #tpu.memory_space<vmem>>, vector<16xf32>,
        %mul3A_1178 = arith.mulf %get3A_1177, %get3A_55 : vector<16xf32>
        %get3A_1179 = arith.index_cast %add3A_1170 : i32 to index
        %get3A_1180 = arith.constant 32 : index
        %get3A_1181 = tpu.vector_load %arg6[%get3A_1179, %get3A_1180] {strides = array<i32>} : memref<104x128xf32, #tpu.memory_space<vmem>>, vector<16xf32>,
        %mul3A_1182 = arith.mulf %get3A_1181, %get3A_59 : vector<16xf32>
        %get3A_1183 = arith.index_cast %add3A_1170 : i32 to index
        %get3A_1184 = arith.constant 48 : index
        %get3A_1185 = tpu.vector_load %arg6[%get3A_1183, %get3A_1184] {strides = array<i32>} : memref<104x128xf32, #tpu.memory_space<vmem>>, vector<16xf32>,
        %mul3A_1186 = arith.mulf %get3A_1185, %get3A_63 : vector<16xf32>
        %get3A_1187 = arith.index_cast %add3A_1170 : i32 to index
        %get3A_1188 = arith.constant 64 : index
        %get3A_1189 = tpu.vector_load %arg6[%get3A_1187, %get3A_1188] {strides = array<i32>} : memref<104x128xf32, #tpu.memory_space<vmem>>, vector<16xf32>,
        %mul3A_1190 = arith.mulf %get3A_1189, %get3A_67 : vector<16xf32>
        %get3A_1191 = arith.index_cast %add3A_1170 : i32 to index
        %get3A_1192 = arith.constant 80 : index
        %get3A_1193 = tpu.vector_load %arg6[%get3A_1191, %get3A_1192] {strides = array<i32>} : memref<104x128xf32, #tpu.memory_space<vmem>>, vector<16xf32>,
        %mul3A_1194 = arith.mulf %get3A_1193, %get3A_71 : vector<16xf32>
        %get3A_1195 = arith.index_cast %add3A_1170 : i32 to index
        %get3A_1196 = arith.constant 96 : index
        %get3A_1197 = tpu.vector_load %arg6[%get3A_1195, %get3A_1196] {strides = array<i32>} : memref<104x128xf32, #tpu.memory_space<vmem>>, vector<16xf32>,
        %mul3A_1198 = arith.mulf %get3A_1197, %get3A_75 : vector<16xf32>
        %get3A_1199 = arith.index_cast %add3A_1170 : i32 to index
        %get3A_1200 = arith.constant 112 : index
        %get3A_1201 = tpu.vector_load %arg6[%get3A_1199, %get3A_1200] {strides = array<i32>} : memref<104x128xf32, #tpu.memory_space<vmem>>, vector<16xf32>,
        %mul3A_1202 = arith.mulf %get3A_1201, %get3A_79 : vector<16xf32>
        %add3A_1203 = arith.addf %mul3A_1174, %mul3A_1178 : vector<16xf32>
        %add3A_1204 = arith.addf %mul3A_1182, %mul3A_1186 : vector<16xf32>
        %add3A_1205 = arith.addf %mul3A_1190, %mul3A_1194 : vector<16xf32>
        %add3A_1206 = arith.addf %mul3A_1198, %mul3A_1202 : vector<16xf32>
        %add3A_1207 = arith.addf %add3A_1203, %add3A_1204 : vector<16xf32>
        %add3A_1208 = arith.addf %add3A_1205, %add3A_1206 : vector<16xf32>
        %add3A_1209 = arith.addf %add3A_1207, %add3A_1208 : vector<16xf32>
        %swap3A_1210 = arith.index_cast %add3A_1170 : i32 to index
        %swap3A_1211 = arith.constant 0 : index
        %swap3A_1212 = tpu.vector_load %arg10[%swap3A_1210, %swap3A_1211] {strides = array<i32>} : memref<112x16xf32, #tpu.memory_space<vmem>>, vector<16xf32>,
        tpu.vector_store %arg10[%swap3A_1210, %swap3A_1211], %add3A_1209 {strides = array<i32>} : memref<112x16xf32, #tpu.memory_space<vmem>>, vector<16xf32>,
      }
      %scan3A_84 = arith.constant 52 : i32
      %get3A_85 = arith.constant 52 : i32
      %get3A_86 = arith.index_cast %get3A_85 : i32 to index
      %get3A_87 = arith.constant 0 : index
      %get3A_88 = tpu.vector_load %arg6[%get3A_86, %get3A_87] {strides = array<i32>} : memref<104x128xf32, #tpu.memory_space<vmem>>, vector<16xf32>,
      %get3A_89 = arith.constant 52 : i32
      %get3A_90 = arith.index_cast %get3A_89 : i32 to index
      %get3A_91 = arith.constant 16 : index
      %get3A_92 = tpu.vector_load %arg6[%get3A_90, %get3A_91] {strides = array<i32>} : memref<104x128xf32, #tpu.memory_space<vmem>>, vector<16xf32>,
      %get3A_93 = arith.constant 52 : i32
      %get3A_94 = arith.index_cast %get3A_93 : i32 to index
      %get3A_95 = arith.constant 32 : index
      %get3A_96 = tpu.vector_load %arg6[%get3A_94, %get3A_95] {strides = array<i32>} : memref<104x128xf32, #tpu.memory_space<vmem>>, vector<16xf32>,
      %get3A_97 = arith.constant 52 : i32
      %get3A_98 = arith.index_cast %get3A_97 : i32 to index
      %get3A_99 = arith.constant 48 : index
      %get3A_100 = tpu.vector_load %arg6[%get3A_98, %get3A_99] {strides = array<i32>} : memref<104x128xf32, #tpu.memory_space<vmem>>, vector<16xf32>,
      %get3A_101 = arith.constant 52 : i32
      %get3A_102 = arith.index_cast %get3A_101 : i32 to index
      %get3A_103 = arith.constant 64 : index
      %get3A_104 = tpu.vector_load %arg6[%get3A_102, %get3A_103] {strides = array<i32>} : memref<104x128xf32, #tpu.memory_space<vmem>>, vector<16xf32>,
      %get3A_105 = arith.constant 52 : i32
      %get3A_106 = arith.index_cast %get3A_105 : i32 to index
      %get3A_107 = arith.constant 80 : index
      %get3A_108 = tpu.vector_load %arg6[%get3A_106, %get3A_107] {strides = array<i32>} : memref<104x128xf32, #tpu.memory_space<vmem>>, vector<16xf32>,
      %get3A_109 = arith.constant 52 : i32
      %get3A_110 = arith.index_cast %get3A_109 : i32 to index
      %get3A_111 = arith.constant 96 : index
      %get3A_112 = tpu.vector_load %arg6[%get3A_110, %get3A_111] {strides = array<i32>} : memref<104x128xf32, #tpu.memory_space<vmem>>, vector<16xf32>,
      %get3A_113 = arith.constant 52 : i32
      %get3A_114 = arith.index_cast %get3A_113 : i32 to index
      %get3A_115 = arith.constant 112 : index
      %get3A_116 = tpu.vector_load %arg6[%get3A_114, %get3A_115] {strides = array<i32>} : memref<104x128xf32, #tpu.memory_space<vmem>>, vector<16xf32>,
      %scan3A_117 = arith.constant 0 : i32
      %scan3A_118 = arith.constant 52 : i32
      %scan3A_119 = arith.addi %scan3A_117, %scan3A_118 : i32
      %scan3A_120 = arith.constant 1 : i32
      scf.for %scan3A_1166 = %scan3A_117 to %scan3A_119 step %scan3A_120  : i32 {
        %mul3A_1167 = arith.constant 1 : i32
        %mul3A_1168 = arith.muli %scan3A_1166, %mul3A_1167 : i32
        %add3A_1169 = arith.constant 52 : i32
        %add3A_1170 = arith.addi %add3A_1169, %mul3A_1168 : i32
        %get3A_1171 = arith.index_cast %add3A_1170 : i32 to index
        %get3A_1172 = arith.constant 0 : index
        %get3A_1173 = tpu.vector_load %arg6[%get3A_1171, %get3A_1172] {strides = array<i32>} : memref<104x128xf32, #tpu.memory_space<vmem>>, vector<16xf32>,
        %mul3A_1174 = arith.mulf %get3A_1173, %get3A_88 : vector<16xf32>
        %get3A_1175 = arith.index_cast %add3A_1170 : i32 to index
        %get3A_1176 = arith.constant 16 : index
        %get3A_1177 = tpu.vector_load %arg6[%get3A_1175, %get3A_1176] {strides = array<i32>} : memref<104x128xf32, #tpu.memory_space<vmem>>, vector<16xf32>,
        %mul3A_1178 = arith.mulf %get3A_1177, %get3A_92 : vector<16xf32>
        %get3A_1179 = arith.index_cast %add3A_1170 : i32 to index
        %get3A_1180 = arith.constant 32 : index
        %get3A_1181 = tpu.vector_load %arg6[%get3A_1179, %get3A_1180] {strides = array<i32>} : memref<104x128xf32, #tpu.memory_space<vmem>>, vector<16xf32>,
        %mul3A_1182 = arith.mulf %get3A_1181, %get3A_96 : vector<16xf32>
        %get3A_1183 = arith.index_cast %add3A_1170 : i32 to index
        %get3A_1184 = arith.constant 48 : index
        %get3A_1185 = tpu.vector_load %arg6[%get3A_1183, %get3A_1184] {strides = array<i32>} : memref<104x128xf32, #tpu.memory_space<vmem>>, vector<16xf32>,
        %mul3A_1186 = arith.mulf %get3A_1185, %get3A_100 : vector<16xf32>
        %get3A_1187 = arith.index_cast %add3A_1170 : i32 to index
        %get3A_1188 = arith.constant 64 : index
        %get3A_1189 = tpu.vector_load %arg6[%get3A_1187, %get3A_1188] {strides = array<i32>} : memref<104x128xf32, #tpu.memory_space<vmem>>, vector<16xf32>,
        %mul3A_1190 = arith.mulf %get3A_1189, %get3A_104 : vector<16xf32>
        %get3A_1191 = arith.index_cast %add3A_1170 : i32 to index
        %get3A_1192 = arith.constant 80 : index
        %get3A_1193 = tpu.vector_load %arg6[%get3A_1191, %get3A_1192] {strides = array<i32>} : memref<104x128xf32, #tpu.memory_space<vmem>>, vector<16xf32>,
        %mul3A_1194 = arith.mulf %get3A_1193, %get3A_108 : vector<16xf32>
        %get3A_1195 = arith.index_cast %add3A_1170 : i32 to index
        %get3A_1196 = arith.constant 96 : index
        %get3A_1197 = tpu.vector_load %arg6[%get3A_1195, %get3A_1196] {strides = array<i32>} : memref<104x128xf32, #tpu.memory_space<vmem>>, vector<16xf32>,
        %mul3A_1198 = arith.mulf %get3A_1197, %get3A_112 : vector<16xf32>
        %get3A_1199 = arith.index_cast %add3A_1170 : i32 to index
        %get3A_1200 = arith.constant 112 : index
        %get3A_1201 = tpu.vector_load %arg6[%get3A_1199, %get3A_1200] {strides = array<i32>} : memref<104x128xf32, #tpu.memory_space<vmem>>, vector<16xf32>,
        %mul3A_1202 = arith.mulf %get3A_1201, %get3A_116 : vector<16xf32>
        %add3A_1203 = arith.addf %mul3A_1174, %mul3A_1178 : vector<16xf32>
        %add3A_1204 = arith.addf %mul3A_1182, %mul3A_1186 : vector<16xf32>
        %add3A_1205 = arith.addf %mul3A_1190, %mul3A_1194 : vector<16xf32>
        %add3A_1206 = arith.addf %mul3A_1198, %mul3A_1202 : vector<16xf32>
        %add3A_1207 = arith.addf %add3A_1203, %add3A_1204 : vector<16xf32>
        %add3A_1208 = arith.addf %add3A_1205, %add3A_1206 : vector<16xf32>
        %add3A_1209 = arith.addf %add3A_1207, %add3A_1208 : vector<16xf32>
        %swap3A_1210 = arith.index_cast %add3A_1170 : i32 to index
        %swap3A_1211 = arith.constant 0 : index
        %swap3A_1212 = tpu.vector_load %arg10[%swap3A_1210, %swap3A_1211] {strides = array<i32>} : memref<112x16xf32, #tpu.memory_space<vmem>>, vector<16xf32>,
        tpu.vector_store %arg10[%swap3A_1210, %swap3A_1211], %add3A_1209 {strides = array<i32>} : memref<112x16xf32, #tpu.memory_space<vmem>>, vector<16xf32>,
      }
      %scan3A_121 = arith.constant 52 : i32
      %iota3A = tpu.iota {dimensions = array<i32: 0>} : vector<16xi32>
      %add3A_122 = arith.constant 0 : i32
      %add3A_123 = vector.broadcast %add3A_122 : i32 to vector<16xi32>
      %add3A_124 = arith.addi %iota3A, %add3A_123 : vector<16xi32>
      %broadcast_in_dim3A = arith.constant 0 : i32
      %broadcast_in_dim3A_125 = vector.broadcast %broadcast_in_dim3A : i32 to vector<16xi32>
      %gather3A = tpu.vector_load_idx %arg10[%add3A_124, %broadcast_in_dim3A_125] : memref<112x16xf32, #tpu.memory_space<vmem>>[vector<16xi32>, vector<16xi32>], vector<16xf32>,
      %broadcast_in_dim3A_126 = arith.constant 1 : i32
      %broadcast_in_dim3A_127 = vector.broadcast %broadcast_in_dim3A_126 : i32 to vector<16xi32>
      %gather3A_128 = tpu.vector_load_idx %arg10[%add3A_124, %broadcast_in_dim3A_127] : memref<112x16xf32, #tpu.memory_space<vmem>>[vector<16xi32>, vector<16xi32>], vector<16xf32>,
      %add3A_129 = arith.addf %gather3A, %gather3A_128 : vector<16xf32>
      %broadcast_in_dim3A_130 = arith.constant 2 : i32
      %broadcast_in_dim3A_131 = vector.broadcast %broadcast_in_dim3A_130 : i32 to vector<16xi32>
      %gather3A_132 = tpu.vector_load_idx %arg10[%add3A_124, %broadcast_in_dim3A_131] : memref<112x16xf32, #tpu.memory_space<vmem>>[vector<16xi32>, vector<16xi32>], vector<16xf32>,
      %add3A_133 = arith.addf %add3A_129, %gather3A_132 : vector<16xf32>
      %broadcast_in_dim3A_134 = arith.constant 3 : i32
      %broadcast_in_dim3A_135 = vector.broadcast %broadcast_in_dim3A_134 : i32 to vector<16xi32>
      %gather3A_136 = tpu.vector_load_idx %arg10[%add3A_124, %broadcast_in_dim3A_135] : memref<112x16xf32, #tpu.memory_space<vmem>>[vector<16xi32>, vector<16xi32>], vector<16xf32>,
      %add3A_137 = arith.addf %add3A_133, %gather3A_136 : vector<16xf32>
      %broadcast_in_dim3A_138 = arith.constant 4 : i32
      %broadcast_in_dim3A_139 = vector.broadcast %broadcast_in_dim3A_138 : i32 to vector<16xi32>
      %gather3A_140 = tpu.vector_load_idx %arg10[%add3A_124, %broadcast_in_dim3A_139] : memref<112x16xf32, #tpu.memory_space<vmem>>[vector<16xi32>, vector<16xi32>], vector<16xf32>,
      %add3A_141 = arith.addf %add3A_137, %gather3A_140 : vector<16xf32>
      %broadcast_in_dim3A_142 = arith.constant 5 : i32
      %broadcast_in_dim3A_143 = vector.broadcast %broadcast_in_dim3A_142 : i32 to vector<16xi32>
      %gather3A_144 = tpu.vector_load_idx %arg10[%add3A_124, %broadcast_in_dim3A_143] : memref<112x16xf32, #tpu.memory_space<vmem>>[vector<16xi32>, vector<16xi32>], vector<16xf32>,
      %add3A_145 = arith.addf %add3A_141, %gather3A_144 : vector<16xf32>
      %broadcast_in_dim3A_146 = arith.constant 6 : i32
      %broadcast_in_dim3A_147 = vector.broadcast %broadcast_in_dim3A_146 : i32 to vector<16xi32>
      %gather3A_148 = tpu.vector_load_idx %arg10[%add3A_124, %broadcast_in_dim3A_147] : memref<112x16xf32, #tpu.memory_space<vmem>>[vector<16xi32>, vector<16xi32>], vector<16xf32>,
      %add3A_149 = arith.addf %add3A_145, %gather3A_148 : vector<16xf32>
      %broadcast_in_dim3A_150 = arith.constant 7 : i32
      %broadcast_in_dim3A_151 = vector.broadcast %broadcast_in_dim3A_150 : i32 to vector<16xi32>
      %gather3A_152 = tpu.vector_load_idx %arg10[%add3A_124, %broadcast_in_dim3A_151] : memref<112x16xf32, #tpu.memory_space<vmem>>[vector<16xi32>, vector<16xi32>], vector<16xf32>,
      %add3A_153 = arith.addf %add3A_149, %gather3A_152 : vector<16xf32>
      %broadcast_in_dim3A_154 = arith.constant 8 : i32
      %broadcast_in_dim3A_155 = vector.broadcast %broadcast_in_dim3A_154 : i32 to vector<16xi32>
      %gather3A_156 = tpu.vector_load_idx %arg10[%add3A_124, %broadcast_in_dim3A_155] : memref<112x16xf32, #tpu.memory_space<vmem>>[vector<16xi32>, vector<16xi32>], vector<16xf32>,
      %add3A_157 = arith.addf %add3A_153, %gather3A_156 : vector<16xf32>
      %broadcast_in_dim3A_158 = arith.constant 9 : i32
      %broadcast_in_dim3A_159 = vector.broadcast %broadcast_in_dim3A_158 : i32 to vector<16xi32>
      %gather3A_160 = tpu.vector_load_idx %arg10[%add3A_124, %broadcast_in_dim3A_159] : memref<112x16xf32, #tpu.memory_space<vmem>>[vector<16xi32>, vector<16xi32>], vector<16xf32>,
      %add3A_161 = arith.addf %add3A_157, %gather3A_160 : vector<16xf32>
      %broadcast_in_dim3A_162 = arith.constant 10 : i32
      %broadcast_in_dim3A_163 = vector.broadcast %broadcast_in_dim3A_162 : i32 to vector<16xi32>
      %gather3A_164 = tpu.vector_load_idx %arg10[%add3A_124, %broadcast_in_dim3A_163] : memref<112x16xf32, #tpu.memory_space<vmem>>[vector<16xi32>, vector<16xi32>], vector<16xf32>,
      %add3A_165 = arith.addf %add3A_161, %gather3A_164 : vector<16xf32>
      %broadcast_in_dim3A_166 = arith.constant 11 : i32
      %broadcast_in_dim3A_167 = vector.broadcast %broadcast_in_dim3A_166 : i32 to vector<16xi32>
      %gather3A_168 = tpu.vector_load_idx %arg10[%add3A_124, %broadcast_in_dim3A_167] : memref<112x16xf32, #tpu.memory_space<vmem>>[vector<16xi32>, vector<16xi32>], vector<16xf32>,
      %add3A_169 = arith.addf %add3A_165, %gather3A_168 : vector<16xf32>
      %broadcast_in_dim3A_170 = arith.constant 12 : i32
      %broadcast_in_dim3A_171 = vector.broadcast %broadcast_in_dim3A_170 : i32 to vector<16xi32>
      %gather3A_172 = tpu.vector_load_idx %arg10[%add3A_124, %broadcast_in_dim3A_171] : memref<112x16xf32, #tpu.memory_space<vmem>>[vector<16xi32>, vector<16xi32>], vector<16xf32>,
      %add3A_173 = arith.addf %add3A_169, %gather3A_172 : vector<16xf32>
      %broadcast_in_dim3A_174 = arith.constant 13 : i32
      %broadcast_in_dim3A_175 = vector.broadcast %broadcast_in_dim3A_174 : i32 to vector<16xi32>
      %gather3A_176 = tpu.vector_load_idx %arg10[%add3A_124, %broadcast_in_dim3A_175] : memref<112x16xf32, #tpu.memory_space<vmem>>[vector<16xi32>, vector<16xi32>], vector<16xf32>,
      %add3A_177 = arith.addf %add3A_173, %gather3A_176 : vector<16xf32>
      %broadcast_in_dim3A_178 = arith.constant 14 : i32
      %broadcast_in_dim3A_179 = vector.broadcast %broadcast_in_dim3A_178 : i32 to vector<16xi32>
      %gather3A_180 = tpu.vector_load_idx %arg10[%add3A_124, %broadcast_in_dim3A_179] : memref<112x16xf32, #tpu.memory_space<vmem>>[vector<16xi32>, vector<16xi32>], vector<16xf32>,
      %add3A_181 = arith.addf %add3A_177, %gather3A_180 : vector<16xf32>
      %broadcast_in_dim3A_182 = arith.constant 15 : i32
      %broadcast_in_dim3A_183 = vector.broadcast %broadcast_in_dim3A_182 : i32 to vector<16xi32>
      %gather3A_184 = tpu.vector_load_idx %arg10[%add3A_124, %broadcast_in_dim3A_183] : memref<112x16xf32, #tpu.memory_space<vmem>>[vector<16xi32>, vector<16xi32>], vector<16xf32>,
      %add3A_185 = arith.addf %add3A_181, %gather3A_184 : vector<16xf32>
      %swap3A = arith.constant 0 : index
      %swap3A_186 = tpu.vector_load %arg8[%swap3A] {strides = array<i32>} : memref<112xf32, #tpu.memory_space<vmem>>, vector<16xf32>,
      tpu.vector_store %arg8[%swap3A], %add3A_185 {strides = array<i32>} : memref<112xf32, #tpu.memory_space<vmem>>, vector<16xf32>,
      %add3A_187 = arith.constant 16 : i32
      %add3A_188 = vector.broadcast %add3A_187 : i32 to vector<16xi32>
      %add3A_189 = arith.addi %iota3A, %add3A_188 : vector<16xi32>
      %broadcast_in_dim3A_190 = arith.constant 0 : i32
      %broadcast_in_dim3A_191 = vector.broadcast %broadcast_in_dim3A_190 : i32 to vector<16xi32>
      %gather3A_192 = tpu.vector_load_idx %arg10[%add3A_189, %broadcast_in_dim3A_191] : memref<112x16xf32, #tpu.memory_space<vmem>>[vector<16xi32>, vector<16xi32>], vector<16xf32>,
      %broadcast_in_dim3A_193 = arith.constant 1 : i32
      %broadcast_in_dim3A_194 = vector.broadcast %broadcast_in_dim3A_193 : i32 to vector<16xi32>
      %gather3A_195 = tpu.vector_load_idx %arg10[%add3A_189, %broadcast_in_dim3A_194] : memref<112x16xf32, #tpu.memory_space<vmem>>[vector<16xi32>, vector<16xi32>], vector<16xf32>,
      %add3A_196 = arith.addf %gather3A_192, %gather3A_195 : vector<16xf32>
      %broadcast_in_dim3A_197 = arith.constant 2 : i32
      %broadcast_in_dim3A_198 = vector.broadcast %broadcast_in_dim3A_197 : i32 to vector<16xi32>
      %gather3A_199 = tpu.vector_load_idx %arg10[%add3A_189, %broadcast_in_dim3A_198] : memref<112x16xf32, #tpu.memory_space<vmem>>[vector<16xi32>, vector<16xi32>], vector<16xf32>,
      %add3A_200 = arith.addf %add3A_196, %gather3A_199 : vector<16xf32>
      %broadcast_in_dim3A_201 = arith.constant 3 : i32
      %broadcast_in_dim3A_202 = vector.broadcast %broadcast_in_dim3A_201 : i32 to vector<16xi32>
      %gather3A_203 = tpu.vector_load_idx %arg10[%add3A_189, %broadcast_in_dim3A_202] : memref<112x16xf32, #tpu.memory_space<vmem>>[vector<16xi32>, vector<16xi32>], vector<16xf32>,
      %add3A_204 = arith.addf %add3A_200, %gather3A_203 : vector<16xf32>
      %broadcast_in_dim3A_205 = arith.constant 4 : i32
      %broadcast_in_dim3A_206 = vector.broadcast %broadcast_in_dim3A_205 : i32 to vector<16xi32>
      %gather3A_207 = tpu.vector_load_idx %arg10[%add3A_189, %broadcast_in_dim3A_206] : memref<112x16xf32, #tpu.memory_space<vmem>>[vector<16xi32>, vector<16xi32>], vector<16xf32>,
      %add3A_208 = arith.addf %add3A_204, %gather3A_207 : vector<16xf32>
      %broadcast_in_dim3A_209 = arith.constant 5 : i32
      %broadcast_in_dim3A_210 = vector.broadcast %broadcast_in_dim3A_209 : i32 to vector<16xi32>
      %gather3A_211 = tpu.vector_load_idx %arg10[%add3A_189, %broadcast_in_dim3A_210] : memref<112x16xf32, #tpu.memory_space<vmem>>[vector<16xi32>, vector<16xi32>], vector<16xf32>,
      %add3A_212 = arith.addf %add3A_208, %gather3A_211 : vector<16xf32>
      %broadcast_in_dim3A_213 = arith.constant 6 : i32
      %broadcast_in_dim3A_214 = vector.broadcast %broadcast_in_dim3A_213 : i32 to vector<16xi32>
      %gather3A_215 = tpu.vector_load_idx %arg10[%add3A_189, %broadcast_in_dim3A_214] : memref<112x16xf32, #tpu.memory_space<vmem>>[vector<16xi32>, vector<16xi32>], vector<16xf32>,
      %add3A_216 = arith.addf %add3A_212, %gather3A_215 : vector<16xf32>
      %broadcast_in_dim3A_217 = arith.constant 7 : i32
      %broadcast_in_dim3A_218 = vector.broadcast %broadcast_in_dim3A_217 : i32 to vector<16xi32>
      %gather3A_219 = tpu.vector_load_idx %arg10[%add3A_189, %broadcast_in_dim3A_218] : memref<112x16xf32, #tpu.memory_space<vmem>>[vector<16xi32>, vector<16xi32>], vector<16xf32>,
      %add3A_220 = arith.addf %add3A_216, %gather3A_219 : vector<16xf32>
      %broadcast_in_dim3A_221 = arith.constant 8 : i32
      %broadcast_in_dim3A_222 = vector.broadcast %broadcast_in_dim3A_221 : i32 to vector<16xi32>
      %gather3A_223 = tpu.vector_load_idx %arg10[%add3A_189, %broadcast_in_dim3A_222] : memref<112x16xf32, #tpu.memory_space<vmem>>[vector<16xi32>, vector<16xi32>], vector<16xf32>,
      %add3A_224 = arith.addf %add3A_220, %gather3A_223 : vector<16xf32>
      %broadcast_in_dim3A_225 = arith.constant 9 : i32
      %broadcast_in_dim3A_226 = vector.broadcast %broadcast_in_dim3A_225 : i32 to vector<16xi32>
      %gather3A_227 = tpu.vector_load_idx %arg10[%add3A_189, %broadcast_in_dim3A_226] : memref<112x16xf32, #tpu.memory_space<vmem>>[vector<16xi32>, vector<16xi32>], vector<16xf32>,
      %add3A_228 = arith.addf %add3A_224, %gather3A_227 : vector<16xf32>
      %broadcast_in_dim3A_229 = arith.constant 10 : i32
      %broadcast_in_dim3A_230 = vector.broadcast %broadcast_in_dim3A_229 : i32 to vector<16xi32>
      %gather3A_231 = tpu.vector_load_idx %arg10[%add3A_189, %broadcast_in_dim3A_230] : memref<112x16xf32, #tpu.memory_space<vmem>>[vector<16xi32>, vector<16xi32>], vector<16xf32>,
      %add3A_232 = arith.addf %add3A_228, %gather3A_231 : vector<16xf32>
      %broadcast_in_dim3A_233 = arith.constant 11 : i32
      %broadcast_in_dim3A_234 = vector.broadcast %broadcast_in_dim3A_233 : i32 to vector<16xi32>
      %gather3A_235 = tpu.vector_load_idx %arg10[%add3A_189, %broadcast_in_dim3A_234] : memref<112x16xf32, #tpu.memory_space<vmem>>[vector<16xi32>, vector<16xi32>], vector<16xf32>,
      %add3A_236 = arith.addf %add3A_232, %gather3A_235 : vector<16xf32>
      %broadcast_in_dim3A_237 = arith.constant 12 : i32
      %broadcast_in_dim3A_238 = vector.broadcast %broadcast_in_dim3A_237 : i32 to vector<16xi32>
      %gather3A_239 = tpu.vector_load_idx %arg10[%add3A_189, %broadcast_in_dim3A_238] : memref<112x16xf32, #tpu.memory_space<vmem>>[vector<16xi32>, vector<16xi32>], vector<16xf32>,
      %add3A_240 = arith.addf %add3A_236, %gather3A_239 : vector<16xf32>
      %broadcast_in_dim3A_241 = arith.constant 13 : i32
      %broadcast_in_dim3A_242 = vector.broadcast %broadcast_in_dim3A_241 : i32 to vector<16xi32>
      %gather3A_243 = tpu.vector_load_idx %arg10[%add3A_189, %broadcast_in_dim3A_242] : memref<112x16xf32, #tpu.memory_space<vmem>>[vector<16xi32>, vector<16xi32>], vector<16xf32>,
      %add3A_244 = arith.addf %add3A_240, %gather3A_243 : vector<16xf32>
      %broadcast_in_dim3A_245 = arith.constant 14 : i32
      %broadcast_in_dim3A_246 = vector.broadcast %broadcast_in_dim3A_245 : i32 to vector<16xi32>
      %gather3A_247 = tpu.vector_load_idx %arg10[%add3A_189, %broadcast_in_dim3A_246] : memref<112x16xf32, #tpu.memory_space<vmem>>[vector<16xi32>, vector<16xi32>], vector<16xf32>,
      %add3A_248 = arith.addf %add3A_244, %gather3A_247 : vector<16xf32>
      %broadcast_in_dim3A_249 = arith.constant 15 : i32
      %broadcast_in_dim3A_250 = vector.broadcast %broadcast_in_dim3A_249 : i32 to vector<16xi32>
      %gather3A_251 = tpu.vector_load_idx %arg10[%add3A_189, %broadcast_in_dim3A_250] : memref<112x16xf32, #tpu.memory_space<vmem>>[vector<16xi32>, vector<16xi32>], vector<16xf32>,
      %add3A_252 = arith.addf %add3A_248, %gather3A_251 : vector<16xf32>
      %swap3A_253 = arith.constant 16 : index
      %swap3A_254 = tpu.vector_load %arg8[%swap3A_253] {strides = array<i32>} : memref<112xf32, #tpu.memory_space<vmem>>, vector<16xf32>,
      tpu.vector_store %arg8[%swap3A_253], %add3A_252 {strides = array<i32>} : memref<112xf32, #tpu.memory_space<vmem>>, vector<16xf32>,
      %add3A_255 = arith.constant 32 : i32
      %add3A_256 = vector.broadcast %add3A_255 : i32 to vector<16xi32>
      %add3A_257 = arith.addi %iota3A, %add3A_256 : vector<16xi32>
      %broadcast_in_dim3A_258 = arith.constant 0 : i32
      %broadcast_in_dim3A_259 = vector.broadcast %broadcast_in_dim3A_258 : i32 to vector<16xi32>
      %gather3A_260 = tpu.vector_load_idx %arg10[%add3A_257, %broadcast_in_dim3A_259] : memref<112x16xf32, #tpu.memory_space<vmem>>[vector<16xi32>, vector<16xi32>], vector<16xf32>,
      %broadcast_in_dim3A_261 = arith.constant 1 : i32
      %broadcast_in_dim3A_262 = vector.broadcast %broadcast_in_dim3A_261 : i32 to vector<16xi32>
      %gather3A_263 = tpu.vector_load_idx %arg10[%add3A_257, %broadcast_in_dim3A_262] : memref<112x16xf32, #tpu.memory_space<vmem>>[vector<16xi32>, vector<16xi32>], vector<16xf32>,
      %add3A_264 = arith.addf %gather3A_260, %gather3A_263 : vector<16xf32>
      %broadcast_in_dim3A_265 = arith.constant 2 : i32
      %broadcast_in_dim3A_266 = vector.broadcast %broadcast_in_dim3A_265 : i32 to vector<16xi32>
      %gather3A_267 = tpu.vector_load_idx %arg10[%add3A_257, %broadcast_in_dim3A_266] : memref<112x16xf32, #tpu.memory_space<vmem>>[vector<16xi32>, vector<16xi32>], vector<16xf32>,
      %add3A_268 = arith.addf %add3A_264, %gather3A_267 : vector<16xf32>
      %broadcast_in_dim3A_269 = arith.constant 3 : i32
      %broadcast_in_dim3A_270 = vector.broadcast %broadcast_in_dim3A_269 : i32 to vector<16xi32>
      %gather3A_271 = tpu.vector_load_idx %arg10[%add3A_257, %broadcast_in_dim3A_270] : memref<112x16xf32, #tpu.memory_space<vmem>>[vector<16xi32>, vector<16xi32>], vector<16xf32>,
      %add3A_272 = arith.addf %add3A_268, %gather3A_271 : vector<16xf32>
      %broadcast_in_dim3A_273 = arith.constant 4 : i32
      %broadcast_in_dim3A_274 = vector.broadcast %broadcast_in_dim3A_273 : i32 to vector<16xi32>
      %gather3A_275 = tpu.vector_load_idx %arg10[%add3A_257, %broadcast_in_dim3A_274] : memref<112x16xf32, #tpu.memory_space<vmem>>[vector<16xi32>, vector<16xi32>], vector<16xf32>,
      %add3A_276 = arith.addf %add3A_272, %gather3A_275 : vector<16xf32>
      %broadcast_in_dim3A_277 = arith.constant 5 : i32
      %broadcast_in_dim3A_278 = vector.broadcast %broadcast_in_dim3A_277 : i32 to vector<16xi32>
      %gather3A_279 = tpu.vector_load_idx %arg10[%add3A_257, %broadcast_in_dim3A_278] : memref<112x16xf32, #tpu.memory_space<vmem>>[vector<16xi32>, vector<16xi32>], vector<16xf32>,
      %add3A_280 = arith.addf %add3A_276, %gather3A_279 : vector<16xf32>
      %broadcast_in_dim3A_281 = arith.constant 6 : i32
      %broadcast_in_dim3A_282 = vector.broadcast %broadcast_in_dim3A_281 : i32 to vector<16xi32>
      %gather3A_283 = tpu.vector_load_idx %arg10[%add3A_257, %broadcast_in_dim3A_282] : memref<112x16xf32, #tpu.memory_space<vmem>>[vector<16xi32>, vector<16xi32>], vector<16xf32>,
      %add3A_284 = arith.addf %add3A_280, %gather3A_283 : vector<16xf32>
      %broadcast_in_dim3A_285 = arith.constant 7 : i32
      %broadcast_in_dim3A_286 = vector.broadcast %broadcast_in_dim3A_285 : i32 to vector<16xi32>
      %gather3A_287 = tpu.vector_load_idx %arg10[%add3A_257, %broadcast_in_dim3A_286] : memref<112x16xf32, #tpu.memory_space<vmem>>[vector<16xi32>, vector<16xi32>], vector<16xf32>,
      %add3A_288 = arith.addf %add3A_284, %gather3A_287 : vector<16xf32>
      %broadcast_in_dim3A_289 = arith.constant 8 : i32
      %broadcast_in_dim3A_290 = vector.broadcast %broadcast_in_dim3A_289 : i32 to vector<16xi32>
      %gather3A_291 = tpu.vector_load_idx %arg10[%add3A_257, %broadcast_in_dim3A_290] : memref<112x16xf32, #tpu.memory_space<vmem>>[vector<16xi32>, vector<16xi32>], vector<16xf32>,
      %add3A_292 = arith.addf %add3A_288, %gather3A_291 : vector<16xf32>
      %broadcast_in_dim3A_293 = arith.constant 9 : i32
      %broadcast_in_dim3A_294 = vector.broadcast %broadcast_in_dim3A_293 : i32 to vector<16xi32>
      %gather3A_295 = tpu.vector_load_idx %arg10[%add3A_257, %broadcast_in_dim3A_294] : memref<112x16xf32, #tpu.memory_space<vmem>>[vector<16xi32>, vector<16xi32>], vector<16xf32>,
      %add3A_296 = arith.addf %add3A_292, %gather3A_295 : vector<16xf32>
      %broadcast_in_dim3A_297 = arith.constant 10 : i32
      %broadcast_in_dim3A_298 = vector.broadcast %broadcast_in_dim3A_297 : i32 to vector<16xi32>
      %gather3A_299 = tpu.vector_load_idx %arg10[%add3A_257, %broadcast_in_dim3A_298] : memref<112x16xf32, #tpu.memory_space<vmem>>[vector<16xi32>, vector<16xi32>], vector<16xf32>,
      %add3A_300 = arith.addf %add3A_296, %gather3A_299 : vector<16xf32>
      %broadcast_in_dim3A_301 = arith.constant 11 : i32
      %broadcast_in_dim3A_302 = vector.broadcast %broadcast_in_dim3A_301 : i32 to vector<16xi32>
      %gather3A_303 = tpu.vector_load_idx %arg10[%add3A_257, %broadcast_in_dim3A_302] : memref<112x16xf32, #tpu.memory_space<vmem>>[vector<16xi32>, vector<16xi32>], vector<16xf32>,
      %add3A_304 = arith.addf %add3A_300, %gather3A_303 : vector<16xf32>
      %broadcast_in_dim3A_305 = arith.constant 12 : i32
      %broadcast_in_dim3A_306 = vector.broadcast %broadcast_in_dim3A_305 : i32 to vector<16xi32>
      %gather3A_307 = tpu.vector_load_idx %arg10[%add3A_257, %broadcast_in_dim3A_306] : memref<112x16xf32, #tpu.memory_space<vmem>>[vector<16xi32>, vector<16xi32>], vector<16xf32>,
      %add3A_308 = arith.addf %add3A_304, %gather3A_307 : vector<16xf32>
      %broadcast_in_dim3A_309 = arith.constant 13 : i32
      %broadcast_in_dim3A_310 = vector.broadcast %broadcast_in_dim3A_309 : i32 to vector<16xi32>
      %gather3A_311 = tpu.vector_load_idx %arg10[%add3A_257, %broadcast_in_dim3A_310] : memref<112x16xf32, #tpu.memory_space<vmem>>[vector<16xi32>, vector<16xi32>], vector<16xf32>,
      %add3A_312 = arith.addf %add3A_308, %gather3A_311 : vector<16xf32>
      %broadcast_in_dim3A_313 = arith.constant 14 : i32
      %broadcast_in_dim3A_314 = vector.broadcast %broadcast_in_dim3A_313 : i32 to vector<16xi32>
      %gather3A_315 = tpu.vector_load_idx %arg10[%add3A_257, %broadcast_in_dim3A_314] : memref<112x16xf32, #tpu.memory_space<vmem>>[vector<16xi32>, vector<16xi32>], vector<16xf32>,
      %add3A_316 = arith.addf %add3A_312, %gather3A_315 : vector<16xf32>
      %broadcast_in_dim3A_317 = arith.constant 15 : i32
      %broadcast_in_dim3A_318 = vector.broadcast %broadcast_in_dim3A_317 : i32 to vector<16xi32>
      %gather3A_319 = tpu.vector_load_idx %arg10[%add3A_257, %broadcast_in_dim3A_318] : memref<112x16xf32, #tpu.memory_space<vmem>>[vector<16xi32>, vector<16xi32>], vector<16xf32>,
      %add3A_320 = arith.addf %add3A_316, %gather3A_319 : vector<16xf32>
      %swap3A_321 = arith.constant 32 : index
      %swap3A_322 = tpu.vector_load %arg8[%swap3A_321] {strides = array<i32>} : memref<112xf32, #tpu.memory_space<vmem>>, vector<16xf32>,
      tpu.vector_store %arg8[%swap3A_321], %add3A_320 {strides = array<i32>} : memref<112xf32, #tpu.memory_space<vmem>>, vector<16xf32>,
      %add3A_323 = arith.constant 48 : i32
      %add3A_324 = vector.broadcast %add3A_323 : i32 to vector<16xi32>
      %add3A_325 = arith.addi %iota3A, %add3A_324 : vector<16xi32>
      %broadcast_in_dim3A_326 = arith.constant 0 : i32
      %broadcast_in_dim3A_327 = vector.broadcast %broadcast_in_dim3A_326 : i32 to vector<16xi32>
      %gather3A_328 = tpu.vector_load_idx %arg10[%add3A_325, %broadcast_in_dim3A_327] : memref<112x16xf32, #tpu.memory_space<vmem>>[vector<16xi32>, vector<16xi32>], vector<16xf32>,
      %broadcast_in_dim3A_329 = arith.constant 1 : i32
      %broadcast_in_dim3A_330 = vector.broadcast %broadcast_in_dim3A_329 : i32 to vector<16xi32>
      %gather3A_331 = tpu.vector_load_idx %arg10[%add3A_325, %broadcast_in_dim3A_330] : memref<112x16xf32, #tpu.memory_space<vmem>>[vector<16xi32>, vector<16xi32>], vector<16xf32>,
      %add3A_332 = arith.addf %gather3A_328, %gather3A_331 : vector<16xf32>
      %broadcast_in_dim3A_333 = arith.constant 2 : i32
      %broadcast_in_dim3A_334 = vector.broadcast %broadcast_in_dim3A_333 : i32 to vector<16xi32>
      %gather3A_335 = tpu.vector_load_idx %arg10[%add3A_325, %broadcast_in_dim3A_334] : memref<112x16xf32, #tpu.memory_space<vmem>>[vector<16xi32>, vector<16xi32>], vector<16xf32>,
      %add3A_336 = arith.addf %add3A_332, %gather3A_335 : vector<16xf32>
      %broadcast_in_dim3A_337 = arith.constant 3 : i32
      %broadcast_in_dim3A_338 = vector.broadcast %broadcast_in_dim3A_337 : i32 to vector<16xi32>
      %gather3A_339 = tpu.vector_load_idx %arg10[%add3A_325, %broadcast_in_dim3A_338] : memref<112x16xf32, #tpu.memory_space<vmem>>[vector<16xi32>, vector<16xi32>], vector<16xf32>,
      %add3A_340 = arith.addf %add3A_336, %gather3A_339 : vector<16xf32>
      %broadcast_in_dim3A_341 = arith.constant 4 : i32
      %broadcast_in_dim3A_342 = vector.broadcast %broadcast_in_dim3A_341 : i32 to vector<16xi32>
      %gather3A_343 = tpu.vector_load_idx %arg10[%add3A_325, %broadcast_in_dim3A_342] : memref<112x16xf32, #tpu.memory_space<vmem>>[vector<16xi32>, vector<16xi32>], vector<16xf32>,
      %add3A_344 = arith.addf %add3A_340, %gather3A_343 : vector<16xf32>
      %broadcast_in_dim3A_345 = arith.constant 5 : i32
      %broadcast_in_dim3A_346 = vector.broadcast %broadcast_in_dim3A_345 : i32 to vector<16xi32>
      %gather3A_347 = tpu.vector_load_idx %arg10[%add3A_325, %broadcast_in_dim3A_346] : memref<112x16xf32, #tpu.memory_space<vmem>>[vector<16xi32>, vector<16xi32>], vector<16xf32>,
      %add3A_348 = arith.addf %add3A_344, %gather3A_347 : vector<16xf32>
      %broadcast_in_dim3A_349 = arith.constant 6 : i32
      %broadcast_in_dim3A_350 = vector.broadcast %broadcast_in_dim3A_349 : i32 to vector<16xi32>
      %gather3A_351 = tpu.vector_load_idx %arg10[%add3A_325, %broadcast_in_dim3A_350] : memref<112x16xf32, #tpu.memory_space<vmem>>[vector<16xi32>, vector<16xi32>], vector<16xf32>,
      %add3A_352 = arith.addf %add3A_348, %gather3A_351 : vector<16xf32>
      %broadcast_in_dim3A_353 = arith.constant 7 : i32
      %broadcast_in_dim3A_354 = vector.broadcast %broadcast_in_dim3A_353 : i32 to vector<16xi32>
      %gather3A_355 = tpu.vector_load_idx %arg10[%add3A_325, %broadcast_in_dim3A_354] : memref<112x16xf32, #tpu.memory_space<vmem>>[vector<16xi32>, vector<16xi32>], vector<16xf32>,
      %add3A_356 = arith.addf %add3A_352, %gather3A_355 : vector<16xf32>
      %broadcast_in_dim3A_357 = arith.constant 8 : i32
      %broadcast_in_dim3A_358 = vector.broadcast %broadcast_in_dim3A_357 : i32 to vector<16xi32>
      %gather3A_359 = tpu.vector_load_idx %arg10[%add3A_325, %broadcast_in_dim3A_358] : memref<112x16xf32, #tpu.memory_space<vmem>>[vector<16xi32>, vector<16xi32>], vector<16xf32>,
      %add3A_360 = arith.addf %add3A_356, %gather3A_359 : vector<16xf32>
      %broadcast_in_dim3A_361 = arith.constant 9 : i32
      %broadcast_in_dim3A_362 = vector.broadcast %broadcast_in_dim3A_361 : i32 to vector<16xi32>
      %gather3A_363 = tpu.vector_load_idx %arg10[%add3A_325, %broadcast_in_dim3A_362] : memref<112x16xf32, #tpu.memory_space<vmem>>[vector<16xi32>, vector<16xi32>], vector<16xf32>,
      %add3A_364 = arith.addf %add3A_360, %gather3A_363 : vector<16xf32>
      %broadcast_in_dim3A_365 = arith.constant 10 : i32
      %broadcast_in_dim3A_366 = vector.broadcast %broadcast_in_dim3A_365 : i32 to vector<16xi32>
      %gather3A_367 = tpu.vector_load_idx %arg10[%add3A_325, %broadcast_in_dim3A_366] : memref<112x16xf32, #tpu.memory_space<vmem>>[vector<16xi32>, vector<16xi32>], vector<16xf32>,
      %add3A_368 = arith.addf %add3A_364, %gather3A_367 : vector<16xf32>
      %broadcast_in_dim3A_369 = arith.constant 11 : i32
      %broadcast_in_dim3A_370 = vector.broadcast %broadcast_in_dim3A_369 : i32 to vector<16xi32>
      %gather3A_371 = tpu.vector_load_idx %arg10[%add3A_325, %broadcast_in_dim3A_370] : memref<112x16xf32, #tpu.memory_space<vmem>>[vector<16xi32>, vector<16xi32>], vector<16xf32>,
      %add3A_372 = arith.addf %add3A_368, %gather3A_371 : vector<16xf32>
      %broadcast_in_dim3A_373 = arith.constant 12 : i32
      %broadcast_in_dim3A_374 = vector.broadcast %broadcast_in_dim3A_373 : i32 to vector<16xi32>
      %gather3A_375 = tpu.vector_load_idx %arg10[%add3A_325, %broadcast_in_dim3A_374] : memref<112x16xf32, #tpu.memory_space<vmem>>[vector<16xi32>, vector<16xi32>], vector<16xf32>,
      %add3A_376 = arith.addf %add3A_372, %gather3A_375 : vector<16xf32>
      %broadcast_in_dim3A_377 = arith.constant 13 : i32
      %broadcast_in_dim3A_378 = vector.broadcast %broadcast_in_dim3A_377 : i32 to vector<16xi32>
      %gather3A_379 = tpu.vector_load_idx %arg10[%add3A_325, %broadcast_in_dim3A_378] : memref<112x16xf32, #tpu.memory_space<vmem>>[vector<16xi32>, vector<16xi32>], vector<16xf32>,
      %add3A_380 = arith.addf %add3A_376, %gather3A_379 : vector<16xf32>
      %broadcast_in_dim3A_381 = arith.constant 14 : i32
      %broadcast_in_dim3A_382 = vector.broadcast %broadcast_in_dim3A_381 : i32 to vector<16xi32>
      %gather3A_383 = tpu.vector_load_idx %arg10[%add3A_325, %broadcast_in_dim3A_382] : memref<112x16xf32, #tpu.memory_space<vmem>>[vector<16xi32>, vector<16xi32>], vector<16xf32>,
      %add3A_384 = arith.addf %add3A_380, %gather3A_383 : vector<16xf32>
      %broadcast_in_dim3A_385 = arith.constant 15 : i32
      %broadcast_in_dim3A_386 = vector.broadcast %broadcast_in_dim3A_385 : i32 to vector<16xi32>
      %gather3A_387 = tpu.vector_load_idx %arg10[%add3A_325, %broadcast_in_dim3A_386] : memref<112x16xf32, #tpu.memory_space<vmem>>[vector<16xi32>, vector<16xi32>], vector<16xf32>,
      %add3A_388 = arith.addf %add3A_384, %gather3A_387 : vector<16xf32>
      %swap3A_389 = arith.constant 48 : index
      %swap3A_390 = tpu.vector_load %arg8[%swap3A_389] {strides = array<i32>} : memref<112xf32, #tpu.memory_space<vmem>>, vector<16xf32>,
      tpu.vector_store %arg8[%swap3A_389], %add3A_388 {strides = array<i32>} : memref<112xf32, #tpu.memory_space<vmem>>, vector<16xf32>,
      %add3A_391 = arith.constant 64 : i32
      %add3A_392 = vector.broadcast %add3A_391 : i32 to vector<16xi32>
      %add3A_393 = arith.addi %iota3A, %add3A_392 : vector<16xi32>
      %broadcast_in_dim3A_394 = arith.constant 0 : i32
      %broadcast_in_dim3A_395 = vector.broadcast %broadcast_in_dim3A_394 : i32 to vector<16xi32>
      %gather3A_396 = tpu.vector_load_idx %arg10[%add3A_393, %broadcast_in_dim3A_395] : memref<112x16xf32, #tpu.memory_space<vmem>>[vector<16xi32>, vector<16xi32>], vector<16xf32>,
      %broadcast_in_dim3A_397 = arith.constant 1 : i32
      %broadcast_in_dim3A_398 = vector.broadcast %broadcast_in_dim3A_397 : i32 to vector<16xi32>
      %gather3A_399 = tpu.vector_load_idx %arg10[%add3A_393, %broadcast_in_dim3A_398] : memref<112x16xf32, #tpu.memory_space<vmem>>[vector<16xi32>, vector<16xi32>], vector<16xf32>,
      %add3A_400 = arith.addf %gather3A_396, %gather3A_399 : vector<16xf32>
      %broadcast_in_dim3A_401 = arith.constant 2 : i32
      %broadcast_in_dim3A_402 = vector.broadcast %broadcast_in_dim3A_401 : i32 to vector<16xi32>
      %gather3A_403 = tpu.vector_load_idx %arg10[%add3A_393, %broadcast_in_dim3A_402] : memref<112x16xf32, #tpu.memory_space<vmem>>[vector<16xi32>, vector<16xi32>], vector<16xf32>,
      %add3A_404 = arith.addf %add3A_400, %gather3A_403 : vector<16xf32>
      %broadcast_in_dim3A_405 = arith.constant 3 : i32
      %broadcast_in_dim3A_406 = vector.broadcast %broadcast_in_dim3A_405 : i32 to vector<16xi32>
      %gather3A_407 = tpu.vector_load_idx %arg10[%add3A_393, %broadcast_in_dim3A_406] : memref<112x16xf32, #tpu.memory_space<vmem>>[vector<16xi32>, vector<16xi32>], vector<16xf32>,
      %add3A_408 = arith.addf %add3A_404, %gather3A_407 : vector<16xf32>
      %broadcast_in_dim3A_409 = arith.constant 4 : i32
      %broadcast_in_dim3A_410 = vector.broadcast %broadcast_in_dim3A_409 : i32 to vector<16xi32>
      %gather3A_411 = tpu.vector_load_idx %arg10[%add3A_393, %broadcast_in_dim3A_410] : memref<112x16xf32, #tpu.memory_space<vmem>>[vector<16xi32>, vector<16xi32>], vector<16xf32>,
      %add3A_412 = arith.addf %add3A_408, %gather3A_411 : vector<16xf32>
      %broadcast_in_dim3A_413 = arith.constant 5 : i32
      %broadcast_in_dim3A_414 = vector.broadcast %broadcast_in_dim3A_413 : i32 to vector<16xi32>
      %gather3A_415 = tpu.vector_load_idx %arg10[%add3A_393, %broadcast_in_dim3A_414] : memref<112x16xf32, #tpu.memory_space<vmem>>[vector<16xi32>, vector<16xi32>], vector<16xf32>,
      %add3A_416 = arith.addf %add3A_412, %gather3A_415 : vector<16xf32>
      %broadcast_in_dim3A_417 = arith.constant 6 : i32
      %broadcast_in_dim3A_418 = vector.broadcast %broadcast_in_dim3A_417 : i32 to vector<16xi32>
      %gather3A_419 = tpu.vector_load_idx %arg10[%add3A_393, %broadcast_in_dim3A_418] : memref<112x16xf32, #tpu.memory_space<vmem>>[vector<16xi32>, vector<16xi32>], vector<16xf32>,
      %add3A_420 = arith.addf %add3A_416, %gather3A_419 : vector<16xf32>
      %broadcast_in_dim3A_421 = arith.constant 7 : i32
      %broadcast_in_dim3A_422 = vector.broadcast %broadcast_in_dim3A_421 : i32 to vector<16xi32>
      %gather3A_423 = tpu.vector_load_idx %arg10[%add3A_393, %broadcast_in_dim3A_422] : memref<112x16xf32, #tpu.memory_space<vmem>>[vector<16xi32>, vector<16xi32>], vector<16xf32>,
      %add3A_424 = arith.addf %add3A_420, %gather3A_423 : vector<16xf32>
      %broadcast_in_dim3A_425 = arith.constant 8 : i32
      %broadcast_in_dim3A_426 = vector.broadcast %broadcast_in_dim3A_425 : i32 to vector<16xi32>
      %gather3A_427 = tpu.vector_load_idx %arg10[%add3A_393, %broadcast_in_dim3A_426] : memref<112x16xf32, #tpu.memory_space<vmem>>[vector<16xi32>, vector<16xi32>], vector<16xf32>,
      %add3A_428 = arith.addf %add3A_424, %gather3A_427 : vector<16xf32>
      %broadcast_in_dim3A_429 = arith.constant 9 : i32
      %broadcast_in_dim3A_430 = vector.broadcast %broadcast_in_dim3A_429 : i32 to vector<16xi32>
      %gather3A_431 = tpu.vector_load_idx %arg10[%add3A_393, %broadcast_in_dim3A_430] : memref<112x16xf32, #tpu.memory_space<vmem>>[vector<16xi32>, vector<16xi32>], vector<16xf32>,
      %add3A_432 = arith.addf %add3A_428, %gather3A_431 : vector<16xf32>
      %broadcast_in_dim3A_433 = arith.constant 10 : i32
      %broadcast_in_dim3A_434 = vector.broadcast %broadcast_in_dim3A_433 : i32 to vector<16xi32>
      %gather3A_435 = tpu.vector_load_idx %arg10[%add3A_393, %broadcast_in_dim3A_434] : memref<112x16xf32, #tpu.memory_space<vmem>>[vector<16xi32>, vector<16xi32>], vector<16xf32>,
      %add3A_436 = arith.addf %add3A_432, %gather3A_435 : vector<16xf32>
      %broadcast_in_dim3A_437 = arith.constant 11 : i32
      %broadcast_in_dim3A_438 = vector.broadcast %broadcast_in_dim3A_437 : i32 to vector<16xi32>
      %gather3A_439 = tpu.vector_load_idx %arg10[%add3A_393, %broadcast_in_dim3A_438] : memref<112x16xf32, #tpu.memory_space<vmem>>[vector<16xi32>, vector<16xi32>], vector<16xf32>,
      %add3A_440 = arith.addf %add3A_436, %gather3A_439 : vector<16xf32>
      %broadcast_in_dim3A_441 = arith.constant 12 : i32
      %broadcast_in_dim3A_442 = vector.broadcast %broadcast_in_dim3A_441 : i32 to vector<16xi32>
      %gather3A_443 = tpu.vector_load_idx %arg10[%add3A_393, %broadcast_in_dim3A_442] : memref<112x16xf32, #tpu.memory_space<vmem>>[vector<16xi32>, vector<16xi32>], vector<16xf32>,
      %add3A_444 = arith.addf %add3A_440, %gather3A_443 : vector<16xf32>
      %broadcast_in_dim3A_445 = arith.constant 13 : i32
      %broadcast_in_dim3A_446 = vector.broadcast %broadcast_in_dim3A_445 : i32 to vector<16xi32>
      %gather3A_447 = tpu.vector_load_idx %arg10[%add3A_393, %broadcast_in_dim3A_446] : memref<112x16xf32, #tpu.memory_space<vmem>>[vector<16xi32>, vector<16xi32>], vector<16xf32>,
      %add3A_448 = arith.addf %add3A_444, %gather3A_447 : vector<16xf32>
      %broadcast_in_dim3A_449 = arith.constant 14 : i32
      %broadcast_in_dim3A_450 = vector.broadcast %broadcast_in_dim3A_449 : i32 to vector<16xi32>
      %gather3A_451 = tpu.vector_load_idx %arg10[%add3A_393, %broadcast_in_dim3A_450] : memref<112x16xf32, #tpu.memory_space<vmem>>[vector<16xi32>, vector<16xi32>], vector<16xf32>,
      %add3A_452 = arith.addf %add3A_448, %gather3A_451 : vector<16xf32>
      %broadcast_in_dim3A_453 = arith.constant 15 : i32
      %broadcast_in_dim3A_454 = vector.broadcast %broadcast_in_dim3A_453 : i32 to vector<16xi32>
      %gather3A_455 = tpu.vector_load_idx %arg10[%add3A_393, %broadcast_in_dim3A_454] : memref<112x16xf32, #tpu.memory_space<vmem>>[vector<16xi32>, vector<16xi32>], vector<16xf32>,
      %add3A_456 = arith.addf %add3A_452, %gather3A_455 : vector<16xf32>
      %swap3A_457 = arith.constant 64 : index
      %swap3A_458 = tpu.vector_load %arg8[%swap3A_457] {strides = array<i32>} : memref<112xf32, #tpu.memory_space<vmem>>, vector<16xf32>,
      tpu.vector_store %arg8[%swap3A_457], %add3A_456 {strides = array<i32>} : memref<112xf32, #tpu.memory_space<vmem>>, vector<16xf32>,
      %add3A_459 = arith.constant 80 : i32
      %add3A_460 = vector.broadcast %add3A_459 : i32 to vector<16xi32>
      %add3A_461 = arith.addi %iota3A, %add3A_460 : vector<16xi32>
      %broadcast_in_dim3A_462 = arith.constant 0 : i32
      %broadcast_in_dim3A_463 = vector.broadcast %broadcast_in_dim3A_462 : i32 to vector<16xi32>
      %gather3A_464 = tpu.vector_load_idx %arg10[%add3A_461, %broadcast_in_dim3A_463] : memref<112x16xf32, #tpu.memory_space<vmem>>[vector<16xi32>, vector<16xi32>], vector<16xf32>,
      %broadcast_in_dim3A_465 = arith.constant 1 : i32
      %broadcast_in_dim3A_466 = vector.broadcast %broadcast_in_dim3A_465 : i32 to vector<16xi32>
      %gather3A_467 = tpu.vector_load_idx %arg10[%add3A_461, %broadcast_in_dim3A_466] : memref<112x16xf32, #tpu.memory_space<vmem>>[vector<16xi32>, vector<16xi32>], vector<16xf32>,
      %add3A_468 = arith.addf %gather3A_464, %gather3A_467 : vector<16xf32>
      %broadcast_in_dim3A_469 = arith.constant 2 : i32
      %broadcast_in_dim3A_470 = vector.broadcast %broadcast_in_dim3A_469 : i32 to vector<16xi32>
      %gather3A_471 = tpu.vector_load_idx %arg10[%add3A_461, %broadcast_in_dim3A_470] : memref<112x16xf32, #tpu.memory_space<vmem>>[vector<16xi32>, vector<16xi32>], vector<16xf32>,
      %add3A_472 = arith.addf %add3A_468, %gather3A_471 : vector<16xf32>
      %broadcast_in_dim3A_473 = arith.constant 3 : i32
      %broadcast_in_dim3A_474 = vector.broadcast %broadcast_in_dim3A_473 : i32 to vector<16xi32>
      %gather3A_475 = tpu.vector_load_idx %arg10[%add3A_461, %broadcast_in_dim3A_474] : memref<112x16xf32, #tpu.memory_space<vmem>>[vector<16xi32>, vector<16xi32>], vector<16xf32>,
      %add3A_476 = arith.addf %add3A_472, %gather3A_475 : vector<16xf32>
      %broadcast_in_dim3A_477 = arith.constant 4 : i32
      %broadcast_in_dim3A_478 = vector.broadcast %broadcast_in_dim3A_477 : i32 to vector<16xi32>
      %gather3A_479 = tpu.vector_load_idx %arg10[%add3A_461, %broadcast_in_dim3A_478] : memref<112x16xf32, #tpu.memory_space<vmem>>[vector<16xi32>, vector<16xi32>], vector<16xf32>,
      %add3A_480 = arith.addf %add3A_476, %gather3A_479 : vector<16xf32>
      %broadcast_in_dim3A_481 = arith.constant 5 : i32
      %broadcast_in_dim3A_482 = vector.broadcast %broadcast_in_dim3A_481 : i32 to vector<16xi32>
      %gather3A_483 = tpu.vector_load_idx %arg10[%add3A_461, %broadcast_in_dim3A_482] : memref<112x16xf32, #tpu.memory_space<vmem>>[vector<16xi32>, vector<16xi32>], vector<16xf32>,
      %add3A_484 = arith.addf %add3A_480, %gather3A_483 : vector<16xf32>
      %broadcast_in_dim3A_485 = arith.constant 6 : i32
      %broadcast_in_dim3A_486 = vector.broadcast %broadcast_in_dim3A_485 : i32 to vector<16xi32>
      %gather3A_487 = tpu.vector_load_idx %arg10[%add3A_461, %broadcast_in_dim3A_486] : memref<112x16xf32, #tpu.memory_space<vmem>>[vector<16xi32>, vector<16xi32>], vector<16xf32>,
      %add3A_488 = arith.addf %add3A_484, %gather3A_487 : vector<16xf32>
      %broadcast_in_dim3A_489 = arith.constant 7 : i32
      %broadcast_in_dim3A_490 = vector.broadcast %broadcast_in_dim3A_489 : i32 to vector<16xi32>
      %gather3A_491 = tpu.vector_load_idx %arg10[%add3A_461, %broadcast_in_dim3A_490] : memref<112x16xf32, #tpu.memory_space<vmem>>[vector<16xi32>, vector<16xi32>], vector<16xf32>,
      %add3A_492 = arith.addf %add3A_488, %gather3A_491 : vector<16xf32>
      %broadcast_in_dim3A_493 = arith.constant 8 : i32
      %broadcast_in_dim3A_494 = vector.broadcast %broadcast_in_dim3A_493 : i32 to vector<16xi32>
      %gather3A_495 = tpu.vector_load_idx %arg10[%add3A_461, %broadcast_in_dim3A_494] : memref<112x16xf32, #tpu.memory_space<vmem>>[vector<16xi32>, vector<16xi32>], vector<16xf32>,
      %add3A_496 = arith.addf %add3A_492, %gather3A_495 : vector<16xf32>
      %broadcast_in_dim3A_497 = arith.constant 9 : i32
      %broadcast_in_dim3A_498 = vector.broadcast %broadcast_in_dim3A_497 : i32 to vector<16xi32>
      %gather3A_499 = tpu.vector_load_idx %arg10[%add3A_461, %broadcast_in_dim3A_498] : memref<112x16xf32, #tpu.memory_space<vmem>>[vector<16xi32>, vector<16xi32>], vector<16xf32>,
      %add3A_500 = arith.addf %add3A_496, %gather3A_499 : vector<16xf32>
      %broadcast_in_dim3A_501 = arith.constant 10 : i32
      %broadcast_in_dim3A_502 = vector.broadcast %broadcast_in_dim3A_501 : i32 to vector<16xi32>
      %gather3A_503 = tpu.vector_load_idx %arg10[%add3A_461, %broadcast_in_dim3A_502] : memref<112x16xf32, #tpu.memory_space<vmem>>[vector<16xi32>, vector<16xi32>], vector<16xf32>,
      %add3A_504 = arith.addf %add3A_500, %gather3A_503 : vector<16xf32>
      %broadcast_in_dim3A_505 = arith.constant 11 : i32
      %broadcast_in_dim3A_506 = vector.broadcast %broadcast_in_dim3A_505 : i32 to vector<16xi32>
      %gather3A_507 = tpu.vector_load_idx %arg10[%add3A_461, %broadcast_in_dim3A_506] : memref<112x16xf32, #tpu.memory_space<vmem>>[vector<16xi32>, vector<16xi32>], vector<16xf32>,
      %add3A_508 = arith.addf %add3A_504, %gather3A_507 : vector<16xf32>
      %broadcast_in_dim3A_509 = arith.constant 12 : i32
      %broadcast_in_dim3A_510 = vector.broadcast %broadcast_in_dim3A_509 : i32 to vector<16xi32>
      %gather3A_511 = tpu.vector_load_idx %arg10[%add3A_461, %broadcast_in_dim3A_510] : memref<112x16xf32, #tpu.memory_space<vmem>>[vector<16xi32>, vector<16xi32>], vector<16xf32>,
      %add3A_512 = arith.addf %add3A_508, %gather3A_511 : vector<16xf32>
      %broadcast_in_dim3A_513 = arith.constant 13 : i32
      %broadcast_in_dim3A_514 = vector.broadcast %broadcast_in_dim3A_513 : i32 to vector<16xi32>
      %gather3A_515 = tpu.vector_load_idx %arg10[%add3A_461, %broadcast_in_dim3A_514] : memref<112x16xf32, #tpu.memory_space<vmem>>[vector<16xi32>, vector<16xi32>], vector<16xf32>,
      %add3A_516 = arith.addf %add3A_512, %gather3A_515 : vector<16xf32>
      %broadcast_in_dim3A_517 = arith.constant 14 : i32
      %broadcast_in_dim3A_518 = vector.broadcast %broadcast_in_dim3A_517 : i32 to vector<16xi32>
      %gather3A_519 = tpu.vector_load_idx %arg10[%add3A_461, %broadcast_in_dim3A_518] : memref<112x16xf32, #tpu.memory_space<vmem>>[vector<16xi32>, vector<16xi32>], vector<16xf32>,
      %add3A_520 = arith.addf %add3A_516, %gather3A_519 : vector<16xf32>
      %broadcast_in_dim3A_521 = arith.constant 15 : i32
      %broadcast_in_dim3A_522 = vector.broadcast %broadcast_in_dim3A_521 : i32 to vector<16xi32>
      %gather3A_523 = tpu.vector_load_idx %arg10[%add3A_461, %broadcast_in_dim3A_522] : memref<112x16xf32, #tpu.memory_space<vmem>>[vector<16xi32>, vector<16xi32>], vector<16xf32>,
      %add3A_524 = arith.addf %add3A_520, %gather3A_523 : vector<16xf32>
      %swap3A_525 = arith.constant 80 : index
      %swap3A_526 = tpu.vector_load %arg8[%swap3A_525] {strides = array<i32>} : memref<112xf32, #tpu.memory_space<vmem>>, vector<16xf32>,
      tpu.vector_store %arg8[%swap3A_525], %add3A_524 {strides = array<i32>} : memref<112xf32, #tpu.memory_space<vmem>>, vector<16xf32>,
      %add3A_527 = arith.constant 96 : i32
      %add3A_528 = vector.broadcast %add3A_527 : i32 to vector<16xi32>
      %add3A_529 = arith.addi %iota3A, %add3A_528 : vector<16xi32>
      %broadcast_in_dim3A_530 = arith.constant 0 : i32
      %broadcast_in_dim3A_531 = vector.broadcast %broadcast_in_dim3A_530 : i32 to vector<16xi32>
      %gather3A_532 = tpu.vector_load_idx %arg10[%add3A_529, %broadcast_in_dim3A_531] : memref<112x16xf32, #tpu.memory_space<vmem>>[vector<16xi32>, vector<16xi32>], vector<16xf32>,
      %broadcast_in_dim3A_533 = arith.constant 1 : i32
      %broadcast_in_dim3A_534 = vector.broadcast %broadcast_in_dim3A_533 : i32 to vector<16xi32>
      %gather3A_535 = tpu.vector_load_idx %arg10[%add3A_529, %broadcast_in_dim3A_534] : memref<112x16xf32, #tpu.memory_space<vmem>>[vector<16xi32>, vector<16xi32>], vector<16xf32>,
      %add3A_536 = arith.addf %gather3A_532, %gather3A_535 : vector<16xf32>
      %broadcast_in_dim3A_537 = arith.constant 2 : i32
      %broadcast_in_dim3A_538 = vector.broadcast %broadcast_in_dim3A_537 : i32 to vector<16xi32>
      %gather3A_539 = tpu.vector_load_idx %arg10[%add3A_529, %broadcast_in_dim3A_538] : memref<112x16xf32, #tpu.memory_space<vmem>>[vector<16xi32>, vector<16xi32>], vector<16xf32>,
      %add3A_540 = arith.addf %add3A_536, %gather3A_539 : vector<16xf32>
      %broadcast_in_dim3A_541 = arith.constant 3 : i32
      %broadcast_in_dim3A_542 = vector.broadcast %broadcast_in_dim3A_541 : i32 to vector<16xi32>
      %gather3A_543 = tpu.vector_load_idx %arg10[%add3A_529, %broadcast_in_dim3A_542] : memref<112x16xf32, #tpu.memory_space<vmem>>[vector<16xi32>, vector<16xi32>], vector<16xf32>,
      %add3A_544 = arith.addf %add3A_540, %gather3A_543 : vector<16xf32>
      %broadcast_in_dim3A_545 = arith.constant 4 : i32
      %broadcast_in_dim3A_546 = vector.broadcast %broadcast_in_dim3A_545 : i32 to vector<16xi32>
      %gather3A_547 = tpu.vector_load_idx %arg10[%add3A_529, %broadcast_in_dim3A_546] : memref<112x16xf32, #tpu.memory_space<vmem>>[vector<16xi32>, vector<16xi32>], vector<16xf32>,
      %add3A_548 = arith.addf %add3A_544, %gather3A_547 : vector<16xf32>
      %broadcast_in_dim3A_549 = arith.constant 5 : i32
      %broadcast_in_dim3A_550 = vector.broadcast %broadcast_in_dim3A_549 : i32 to vector<16xi32>
      %gather3A_551 = tpu.vector_load_idx %arg10[%add3A_529, %broadcast_in_dim3A_550] : memref<112x16xf32, #tpu.memory_space<vmem>>[vector<16xi32>, vector<16xi32>], vector<16xf32>,
      %add3A_552 = arith.addf %add3A_548, %gather3A_551 : vector<16xf32>
      %broadcast_in_dim3A_553 = arith.constant 6 : i32
      %broadcast_in_dim3A_554 = vector.broadcast %broadcast_in_dim3A_553 : i32 to vector<16xi32>
      %gather3A_555 = tpu.vector_load_idx %arg10[%add3A_529, %broadcast_in_dim3A_554] : memref<112x16xf32, #tpu.memory_space<vmem>>[vector<16xi32>, vector<16xi32>], vector<16xf32>,
      %add3A_556 = arith.addf %add3A_552, %gather3A_555 : vector<16xf32>
      %broadcast_in_dim3A_557 = arith.constant 7 : i32
      %broadcast_in_dim3A_558 = vector.broadcast %broadcast_in_dim3A_557 : i32 to vector<16xi32>
      %gather3A_559 = tpu.vector_load_idx %arg10[%add3A_529, %broadcast_in_dim3A_558] : memref<112x16xf32, #tpu.memory_space<vmem>>[vector<16xi32>, vector<16xi32>], vector<16xf32>,
      %add3A_560 = arith.addf %add3A_556, %gather3A_559 : vector<16xf32>
      %broadcast_in_dim3A_561 = arith.constant 8 : i32
      %broadcast_in_dim3A_562 = vector.broadcast %broadcast_in_dim3A_561 : i32 to vector<16xi32>
      %gather3A_563 = tpu.vector_load_idx %arg10[%add3A_529, %broadcast_in_dim3A_562] : memref<112x16xf32, #tpu.memory_space<vmem>>[vector<16xi32>, vector<16xi32>], vector<16xf32>,
      %add3A_564 = arith.addf %add3A_560, %gather3A_563 : vector<16xf32>
      %broadcast_in_dim3A_565 = arith.constant 9 : i32
      %broadcast_in_dim3A_566 = vector.broadcast %broadcast_in_dim3A_565 : i32 to vector<16xi32>
      %gather3A_567 = tpu.vector_load_idx %arg10[%add3A_529, %broadcast_in_dim3A_566] : memref<112x16xf32, #tpu.memory_space<vmem>>[vector<16xi32>, vector<16xi32>], vector<16xf32>,
      %add3A_568 = arith.addf %add3A_564, %gather3A_567 : vector<16xf32>
      %broadcast_in_dim3A_569 = arith.constant 10 : i32
      %broadcast_in_dim3A_570 = vector.broadcast %broadcast_in_dim3A_569 : i32 to vector<16xi32>
      %gather3A_571 = tpu.vector_load_idx %arg10[%add3A_529, %broadcast_in_dim3A_570] : memref<112x16xf32, #tpu.memory_space<vmem>>[vector<16xi32>, vector<16xi32>], vector<16xf32>,
      %add3A_572 = arith.addf %add3A_568, %gather3A_571 : vector<16xf32>
      %broadcast_in_dim3A_573 = arith.constant 11 : i32
      %broadcast_in_dim3A_574 = vector.broadcast %broadcast_in_dim3A_573 : i32 to vector<16xi32>
      %gather3A_575 = tpu.vector_load_idx %arg10[%add3A_529, %broadcast_in_dim3A_574] : memref<112x16xf32, #tpu.memory_space<vmem>>[vector<16xi32>, vector<16xi32>], vector<16xf32>,
      %add3A_576 = arith.addf %add3A_572, %gather3A_575 : vector<16xf32>
      %broadcast_in_dim3A_577 = arith.constant 12 : i32
      %broadcast_in_dim3A_578 = vector.broadcast %broadcast_in_dim3A_577 : i32 to vector<16xi32>
      %gather3A_579 = tpu.vector_load_idx %arg10[%add3A_529, %broadcast_in_dim3A_578] : memref<112x16xf32, #tpu.memory_space<vmem>>[vector<16xi32>, vector<16xi32>], vector<16xf32>,
      %add3A_580 = arith.addf %add3A_576, %gather3A_579 : vector<16xf32>
      %broadcast_in_dim3A_581 = arith.constant 13 : i32
      %broadcast_in_dim3A_582 = vector.broadcast %broadcast_in_dim3A_581 : i32 to vector<16xi32>
      %gather3A_583 = tpu.vector_load_idx %arg10[%add3A_529, %broadcast_in_dim3A_582] : memref<112x16xf32, #tpu.memory_space<vmem>>[vector<16xi32>, vector<16xi32>], vector<16xf32>,
      %add3A_584 = arith.addf %add3A_580, %gather3A_583 : vector<16xf32>
      %broadcast_in_dim3A_585 = arith.constant 14 : i32
      %broadcast_in_dim3A_586 = vector.broadcast %broadcast_in_dim3A_585 : i32 to vector<16xi32>
      %gather3A_587 = tpu.vector_load_idx %arg10[%add3A_529, %broadcast_in_dim3A_586] : memref<112x16xf32, #tpu.memory_space<vmem>>[vector<16xi32>, vector<16xi32>], vector<16xf32>,
      %add3A_588 = arith.addf %add3A_584, %gather3A_587 : vector<16xf32>
      %broadcast_in_dim3A_589 = arith.constant 15 : i32
      %broadcast_in_dim3A_590 = vector.broadcast %broadcast_in_dim3A_589 : i32 to vector<16xi32>
      %gather3A_591 = tpu.vector_load_idx %arg10[%add3A_529, %broadcast_in_dim3A_590] : memref<112x16xf32, #tpu.memory_space<vmem>>[vector<16xi32>, vector<16xi32>], vector<16xf32>,
      %add3A_592 = arith.addf %add3A_588, %gather3A_591 : vector<16xf32>
      %swap3A_593 = arith.constant 96 : index
      %swap3A_594 = tpu.vector_load %arg8[%swap3A_593] {strides = array<i32>} : memref<112xf32, #tpu.memory_space<vmem>>, vector<16xf32>,
      tpu.vector_store %arg8[%swap3A_593], %add3A_592 {strides = array<i32>} : memref<112xf32, #tpu.memory_space<vmem>>, vector<16xf32>,
      %add3A_595 = arith.addi %mul3A_2, %mul3A_32 : i32
      %mul3A_596 = arith.constant 112 : i32
      %mul3A_597 = arith.muli %add3A_595, %mul3A_596 : i32
      %dma_start3A_598 = tpu.memref_slice %arg4[%mul3A_597] : memref<566272xf32, #tpu.memory_space<hbm>> -> memref<112xf32, #tpu.memory_space<hbm>>
      %dma_start3A_599 = tpu.memref_slice %arg4[%mul3A_597] : memref<566272xf32, #tpu.memory_space<hbm>> -> memref<112xf32, #tpu.memory_space<hbm>>
      tpu.enqueue_dma source(%arg8 : memref<112xf32, #tpu.memory_space<vmem>>) target(%dma_start3A_599 : memref<112xf32, #tpu.memory_space<hbm>>) target_semaphore(%arg13 : memref<!tpu.dma_semaphore, #tpu.memory_space<semaphore_mem>>)
      %mul3A_600 = arith.constant 104 : i32
      %mul3A_601 = arith.muli %add3A_34, %mul3A_600 : i32
      %dma_wait3A_602 = tpu.memref_slice %arg5[%mul3A_601] : memref<16432xi32, #tpu.memory_space<vmem>> -> memref<104xi32, #tpu.memory_space<vmem>>
      %dma_wait3A_603 = arith.constant 0 : i32
      %dma_wait3A_604 = arith.constant 0 : i32
      %dma_wait3A_605 = tpu.memref_slice %arg2[%dma_wait3A_603, %dma_wait3A_604] : memref<10000x128xf32, #tpu.memory_space<hbm>> -> memref<10000x128xf32, #tpu.memory_space<hbm>>
      tpu.wait_indirect_dma semaphore(%arg12 : memref<!tpu.dma_semaphore, #tpu.memory_space<semaphore_mem>>) src(%dma_wait3A_605 : memref<10000x128xf32, #tpu.memory_space<hbm>>) dst(%arg7 : memref<104x128xf32, #tpu.memory_space<vmem>>)
      %lt3A = arith.constant 78 : i32
      %lt3A_606 = arith.cmpi slt, %add3A_30, %lt3A : i32
      %convert_element_type3A_607 = arith.extui %lt3A_606 : i1 to i32
      %cond3A_608 = arith.constant 0 : i32
      %cond3A_609 = arith.cmpi ne, %convert_element_type3A_607, %cond3A_608 : i32
      scf.if %cond3A_609 {
        %add3A_1166 = arith.constant 2 : i32
        %add3A_1167 = arith.addi %mul3A_32, %add3A_1166 : i32
        %mul3A_1168 = arith.constant 104 : i32
        %mul3A_1169 = arith.muli %add3A_1167, %mul3A_1168 : i32
        %dma_start3A_1170 = tpu.memref_slice %arg5[%mul3A_1169] : memref<16432xi32, #tpu.memory_space<vmem>> -> memref<104xi32, #tpu.memory_space<vmem>>
        %dma_start3A_1171 = arith.constant 0 : i32
        %dma_start3A_1172 = arith.constant 0 : i32
        %dma_start3A_1173 = tpu.memref_slice %arg2[%dma_start3A_1171, %dma_start3A_1172] : memref<10000x128xf32, #tpu.memory_space<hbm>> -> memref<10000x128xf32, #tpu.memory_space<hbm>>
        tpu.enqueue_indirect_dma source(%dma_start3A_1173 : memref<10000x128xf32, #tpu.memory_space<hbm>>) target(%arg6 : memref<104x128xf32, #tpu.memory_space<vmem>>) offsets(%dma_start3A_1170 : memref<104xi32, #tpu.memory_space<vmem>>) semaphore(%arg11 : memref<!tpu.dma_semaphore, #tpu.memory_space<semaphore_mem>>)
      } else {
      }
      %get3A_610 = arith.constant 0 : i32
      %get3A_611 = arith.index_cast %get3A_610 : i32 to index
      %get3A_612 = arith.constant 0 : index
      %get3A_613 = tpu.vector_load %arg7[%get3A_611, %get3A_612] {strides = array<i32>} : memref<104x128xf32, #tpu.memory_space<vmem>>, vector<16xf32>,
      %get3A_614 = arith.constant 0 : i32
      %get3A_615 = arith.index_cast %get3A_614 : i32 to index
      %get3A_616 = arith.constant 16 : index
      %get3A_617 = tpu.vector_load %arg7[%get3A_615, %get3A_616] {strides = array<i32>} : memref<104x128xf32, #tpu.memory_space<vmem>>, vector<16xf32>,
      %get3A_618 = arith.constant 0 : i32
      %get3A_619 = arith.index_cast %get3A_618 : i32 to index
      %get3A_620 = arith.constant 32 : index
      %get3A_621 = tpu.vector_load %arg7[%get3A_619, %get3A_620] {strides = array<i32>} : memref<104x128xf32, #tpu.memory_space<vmem>>, vector<16xf32>,
      %get3A_622 = arith.constant 0 : i32
      %get3A_623 = arith.index_cast %get3A_622 : i32 to index
      %get3A_624 = arith.constant 48 : index
      %get3A_625 = tpu.vector_load %arg7[%get3A_623, %get3A_624] {strides = array<i32>} : memref<104x128xf32, #tpu.memory_space<vmem>>, vector<16xf32>,
      %get3A_626 = arith.constant 0 : i32
      %get3A_627 = arith.index_cast %get3A_626 : i32 to index
      %get3A_628 = arith.constant 64 : index
      %get3A_629 = tpu.vector_load %arg7[%get3A_627, %get3A_628] {strides = array<i32>} : memref<104x128xf32, #tpu.memory_space<vmem>>, vector<16xf32>,
      %get3A_630 = arith.constant 0 : i32
      %get3A_631 = arith.index_cast %get3A_630 : i32 to index
      %get3A_632 = arith.constant 80 : index
      %get3A_633 = tpu.vector_load %arg7[%get3A_631, %get3A_632] {strides = array<i32>} : memref<104x128xf32, #tpu.memory_space<vmem>>, vector<16xf32>,
      %get3A_634 = arith.constant 0 : i32
      %get3A_635 = arith.index_cast %get3A_634 : i32 to index
      %get3A_636 = arith.constant 96 : index
      %get3A_637 = tpu.vector_load %arg7[%get3A_635, %get3A_636] {strides = array<i32>} : memref<104x128xf32, #tpu.memory_space<vmem>>, vector<16xf32>,
      %get3A_638 = arith.constant 0 : i32
      %get3A_639 = arith.index_cast %get3A_638 : i32 to index
      %get3A_640 = arith.constant 112 : index
      %get3A_641 = tpu.vector_load %arg7[%get3A_639, %get3A_640] {strides = array<i32>} : memref<104x128xf32, #tpu.memory_space<vmem>>, vector<16xf32>,
      %scan3A_642 = arith.constant 0 : i32
      %scan3A_643 = arith.constant 52 : i32
      %scan3A_644 = arith.addi %scan3A_642, %scan3A_643 : i32
      %scan3A_645 = arith.constant 1 : i32
      scf.for %scan3A_1166 = %scan3A_642 to %scan3A_644 step %scan3A_645  : i32 {
        %mul3A_1167 = arith.constant 1 : i32
        %mul3A_1168 = arith.muli %scan3A_1166, %mul3A_1167 : i32
        %add3A_1169 = arith.constant 0 : i32
        %add3A_1170 = arith.addi %add3A_1169, %mul3A_1168 : i32
        %get3A_1171 = arith.index_cast %add3A_1170 : i32 to index
        %get3A_1172 = arith.constant 0 : index
        %get3A_1173 = tpu.vector_load %arg7[%get3A_1171, %get3A_1172] {strides = array<i32>} : memref<104x128xf32, #tpu.memory_space<vmem>>, vector<16xf32>,
        %mul3A_1174 = arith.mulf %get3A_1173, %get3A_613 : vector<16xf32>
        %get3A_1175 = arith.index_cast %add3A_1170 : i32 to index
        %get3A_1176 = arith.constant 16 : index
        %get3A_1177 = tpu.vector_load %arg7[%get3A_1175, %get3A_1176] {strides = array<i32>} : memref<104x128xf32, #tpu.memory_space<vmem>>, vector<16xf32>,
        %mul3A_1178 = arith.mulf %get3A_1177, %get3A_617 : vector<16xf32>
        %get3A_1179 = arith.index_cast %add3A_1170 : i32 to index
        %get3A_1180 = arith.constant 32 : index
        %get3A_1181 = tpu.vector_load %arg7[%get3A_1179, %get3A_1180] {strides = array<i32>} : memref<104x128xf32, #tpu.memory_space<vmem>>, vector<16xf32>,
        %mul3A_1182 = arith.mulf %get3A_1181, %get3A_621 : vector<16xf32>
        %get3A_1183 = arith.index_cast %add3A_1170 : i32 to index
        %get3A_1184 = arith.constant 48 : index
        %get3A_1185 = tpu.vector_load %arg7[%get3A_1183, %get3A_1184] {strides = array<i32>} : memref<104x128xf32, #tpu.memory_space<vmem>>, vector<16xf32>,
        %mul3A_1186 = arith.mulf %get3A_1185, %get3A_625 : vector<16xf32>
        %get3A_1187 = arith.index_cast %add3A_1170 : i32 to index
        %get3A_1188 = arith.constant 64 : index
        %get3A_1189 = tpu.vector_load %arg7[%get3A_1187, %get3A_1188] {strides = array<i32>} : memref<104x128xf32, #tpu.memory_space<vmem>>, vector<16xf32>,
        %mul3A_1190 = arith.mulf %get3A_1189, %get3A_629 : vector<16xf32>
        %get3A_1191 = arith.index_cast %add3A_1170 : i32 to index
        %get3A_1192 = arith.constant 80 : index
        %get3A_1193 = tpu.vector_load %arg7[%get3A_1191, %get3A_1192] {strides = array<i32>} : memref<104x128xf32, #tpu.memory_space<vmem>>, vector<16xf32>,
        %mul3A_1194 = arith.mulf %get3A_1193, %get3A_633 : vector<16xf32>
        %get3A_1195 = arith.index_cast %add3A_1170 : i32 to index
        %get3A_1196 = arith.constant 96 : index
        %get3A_1197 = tpu.vector_load %arg7[%get3A_1195, %get3A_1196] {strides = array<i32>} : memref<104x128xf32, #tpu.memory_space<vmem>>, vector<16xf32>,
        %mul3A_1198 = arith.mulf %get3A_1197, %get3A_637 : vector<16xf32>
        %get3A_1199 = arith.index_cast %add3A_1170 : i32 to index
        %get3A_1200 = arith.constant 112 : index
        %get3A_1201 = tpu.vector_load %arg7[%get3A_1199, %get3A_1200] {strides = array<i32>} : memref<104x128xf32, #tpu.memory_space<vmem>>, vector<16xf32>,
        %mul3A_1202 = arith.mulf %get3A_1201, %get3A_641 : vector<16xf32>
        %add3A_1203 = arith.addf %mul3A_1174, %mul3A_1178 : vector<16xf32>
        %add3A_1204 = arith.addf %mul3A_1182, %mul3A_1186 : vector<16xf32>
        %add3A_1205 = arith.addf %mul3A_1190, %mul3A_1194 : vector<16xf32>
        %add3A_1206 = arith.addf %mul3A_1198, %mul3A_1202 : vector<16xf32>
        %add3A_1207 = arith.addf %add3A_1203, %add3A_1204 : vector<16xf32>
        %add3A_1208 = arith.addf %add3A_1205, %add3A_1206 : vector<16xf32>
        %add3A_1209 = arith.addf %add3A_1207, %add3A_1208 : vector<16xf32>
        %swap3A_1210 = arith.index_cast %add3A_1170 : i32 to index
        %swap3A_1211 = arith.constant 0 : index
        %swap3A_1212 = tpu.vector_load %arg10[%swap3A_1210, %swap3A_1211] {strides = array<i32>} : memref<112x16xf32, #tpu.memory_space<vmem>>, vector<16xf32>,
        tpu.vector_store %arg10[%swap3A_1210, %swap3A_1211], %add3A_1209 {strides = array<i32>} : memref<112x16xf32, #tpu.memory_space<vmem>>, vector<16xf32>,
      }
      %scan3A_646 = arith.constant 52 : i32
      %get3A_647 = arith.constant 52 : i32
      %get3A_648 = arith.index_cast %get3A_647 : i32 to index
      %get3A_649 = arith.constant 0 : index
      %get3A_650 = tpu.vector_load %arg7[%get3A_648, %get3A_649] {strides = array<i32>} : memref<104x128xf32, #tpu.memory_space<vmem>>, vector<16xf32>,
      %get3A_651 = arith.constant 52 : i32
      %get3A_652 = arith.index_cast %get3A_651 : i32 to index
      %get3A_653 = arith.constant 16 : index
      %get3A_654 = tpu.vector_load %arg7[%get3A_652, %get3A_653] {strides = array<i32>} : memref<104x128xf32, #tpu.memory_space<vmem>>, vector<16xf32>,
      %get3A_655 = arith.constant 52 : i32
      %get3A_656 = arith.index_cast %get3A_655 : i32 to index
      %get3A_657 = arith.constant 32 : index
      %get3A_658 = tpu.vector_load %arg7[%get3A_656, %get3A_657] {strides = array<i32>} : memref<104x128xf32, #tpu.memory_space<vmem>>, vector<16xf32>,
      %get3A_659 = arith.constant 52 : i32
      %get3A_660 = arith.index_cast %get3A_659 : i32 to index
      %get3A_661 = arith.constant 48 : index
      %get3A_662 = tpu.vector_load %arg7[%get3A_660, %get3A_661] {strides = array<i32>} : memref<104x128xf32, #tpu.memory_space<vmem>>, vector<16xf32>,
      %get3A_663 = arith.constant 52 : i32
      %get3A_664 = arith.index_cast %get3A_663 : i32 to index
      %get3A_665 = arith.constant 64 : index
      %get3A_666 = tpu.vector_load %arg7[%get3A_664, %get3A_665] {strides = array<i32>} : memref<104x128xf32, #tpu.memory_space<vmem>>, vector<16xf32>,
      %get3A_667 = arith.constant 52 : i32
      %get3A_668 = arith.index_cast %get3A_667 : i32 to index
      %get3A_669 = arith.constant 80 : index
      %get3A_670 = tpu.vector_load %arg7[%get3A_668, %get3A_669] {strides = array<i32>} : memref<104x128xf32, #tpu.memory_space<vmem>>, vector<16xf32>,
      %get3A_671 = arith.constant 52 : i32
      %get3A_672 = arith.index_cast %get3A_671 : i32 to index
      %get3A_673 = arith.constant 96 : index
      %get3A_674 = tpu.vector_load %arg7[%get3A_672, %get3A_673] {strides = array<i32>} : memref<104x128xf32, #tpu.memory_space<vmem>>, vector<16xf32>,
      %get3A_675 = arith.constant 52 : i32
      %get3A_676 = arith.index_cast %get3A_675 : i32 to index
      %get3A_677 = arith.constant 112 : index
      %get3A_678 = tpu.vector_load %arg7[%get3A_676, %get3A_677] {strides = array<i32>} : memref<104x128xf32, #tpu.memory_space<vmem>>, vector<16xf32>,
      %scan3A_679 = arith.constant 0 : i32
      %scan3A_680 = arith.constant 52 : i32
      %scan3A_681 = arith.addi %scan3A_679, %scan3A_680 : i32
      %scan3A_682 = arith.constant 1 : i32
      scf.for %scan3A_1166 = %scan3A_679 to %scan3A_681 step %scan3A_682  : i32 {
        %mul3A_1167 = arith.constant 1 : i32
        %mul3A_1168 = arith.muli %scan3A_1166, %mul3A_1167 : i32
        %add3A_1169 = arith.constant 52 : i32
        %add3A_1170 = arith.addi %add3A_1169, %mul3A_1168 : i32
        %get3A_1171 = arith.index_cast %add3A_1170 : i32 to index
        %get3A_1172 = arith.constant 0 : index
        %get3A_1173 = tpu.vector_load %arg7[%get3A_1171, %get3A_1172] {strides = array<i32>} : memref<104x128xf32, #tpu.memory_space<vmem>>, vector<16xf32>,
        %mul3A_1174 = arith.mulf %get3A_1173, %get3A_650 : vector<16xf32>
        %get3A_1175 = arith.index_cast %add3A_1170 : i32 to index
        %get3A_1176 = arith.constant 16 : index
        %get3A_1177 = tpu.vector_load %arg7[%get3A_1175, %get3A_1176] {strides = array<i32>} : memref<104x128xf32, #tpu.memory_space<vmem>>, vector<16xf32>,
        %mul3A_1178 = arith.mulf %get3A_1177, %get3A_654 : vector<16xf32>
        %get3A_1179 = arith.index_cast %add3A_1170 : i32 to index
        %get3A_1180 = arith.constant 32 : index
        %get3A_1181 = tpu.vector_load %arg7[%get3A_1179, %get3A_1180] {strides = array<i32>} : memref<104x128xf32, #tpu.memory_space<vmem>>, vector<16xf32>,
        %mul3A_1182 = arith.mulf %get3A_1181, %get3A_658 : vector<16xf32>
        %get3A_1183 = arith.index_cast %add3A_1170 : i32 to index
        %get3A_1184 = arith.constant 48 : index
        %get3A_1185 = tpu.vector_load %arg7[%get3A_1183, %get3A_1184] {strides = array<i32>} : memref<104x128xf32, #tpu.memory_space<vmem>>, vector<16xf32>,
        %mul3A_1186 = arith.mulf %get3A_1185, %get3A_662 : vector<16xf32>
        %get3A_1187 = arith.index_cast %add3A_1170 : i32 to index
        %get3A_1188 = arith.constant 64 : index
        %get3A_1189 = tpu.vector_load %arg7[%get3A_1187, %get3A_1188] {strides = array<i32>} : memref<104x128xf32, #tpu.memory_space<vmem>>, vector<16xf32>,
        %mul3A_1190 = arith.mulf %get3A_1189, %get3A_666 : vector<16xf32>
        %get3A_1191 = arith.index_cast %add3A_1170 : i32 to index
        %get3A_1192 = arith.constant 80 : index
        %get3A_1193 = tpu.vector_load %arg7[%get3A_1191, %get3A_1192] {strides = array<i32>} : memref<104x128xf32, #tpu.memory_space<vmem>>, vector<16xf32>,
        %mul3A_1194 = arith.mulf %get3A_1193, %get3A_670 : vector<16xf32>
        %get3A_1195 = arith.index_cast %add3A_1170 : i32 to index
        %get3A_1196 = arith.constant 96 : index
        %get3A_1197 = tpu.vector_load %arg7[%get3A_1195, %get3A_1196] {strides = array<i32>} : memref<104x128xf32, #tpu.memory_space<vmem>>, vector<16xf32>,
        %mul3A_1198 = arith.mulf %get3A_1197, %get3A_674 : vector<16xf32>
        %get3A_1199 = arith.index_cast %add3A_1170 : i32 to index
        %get3A_1200 = arith.constant 112 : index
        %get3A_1201 = tpu.vector_load %arg7[%get3A_1199, %get3A_1200] {strides = array<i32>} : memref<104x128xf32, #tpu.memory_space<vmem>>, vector<16xf32>,
        %mul3A_1202 = arith.mulf %get3A_1201, %get3A_678 : vector<16xf32>
        %add3A_1203 = arith.addf %mul3A_1174, %mul3A_1178 : vector<16xf32>
        %add3A_1204 = arith.addf %mul3A_1182, %mul3A_1186 : vector<16xf32>
        %add3A_1205 = arith.addf %mul3A_1190, %mul3A_1194 : vector<16xf32>
        %add3A_1206 = arith.addf %mul3A_1198, %mul3A_1202 : vector<16xf32>
        %add3A_1207 = arith.addf %add3A_1203, %add3A_1204 : vector<16xf32>
        %add3A_1208 = arith.addf %add3A_1205, %add3A_1206 : vector<16xf32>
        %add3A_1209 = arith.addf %add3A_1207, %add3A_1208 : vector<16xf32>
        %swap3A_1210 = arith.index_cast %add3A_1170 : i32 to index
        %swap3A_1211 = arith.constant 0 : index
        %swap3A_1212 = tpu.vector_load %arg10[%swap3A_1210, %swap3A_1211] {strides = array<i32>} : memref<112x16xf32, #tpu.memory_space<vmem>>, vector<16xf32>,
        tpu.vector_store %arg10[%swap3A_1210, %swap3A_1211], %add3A_1209 {strides = array<i32>} : memref<112x16xf32, #tpu.memory_space<vmem>>, vector<16xf32>,
      }
      %scan3A_683 = arith.constant 52 : i32
      %iota3A_684 = tpu.iota {dimensions = array<i32: 0>} : vector<16xi32>
      %add3A_685 = arith.constant 0 : i32
      %add3A_686 = vector.broadcast %add3A_685 : i32 to vector<16xi32>
      %add3A_687 = arith.addi %iota3A_684, %add3A_686 : vector<16xi32>
      %broadcast_in_dim3A_688 = arith.constant 0 : i32
      %broadcast_in_dim3A_689 = vector.broadcast %broadcast_in_dim3A_688 : i32 to vector<16xi32>
      %gather3A_690 = tpu.vector_load_idx %arg10[%add3A_687, %broadcast_in_dim3A_689] : memref<112x16xf32, #tpu.memory_space<vmem>>[vector<16xi32>, vector<16xi32>], vector<16xf32>,
      %broadcast_in_dim3A_691 = arith.constant 1 : i32
      %broadcast_in_dim3A_692 = vector.broadcast %broadcast_in_dim3A_691 : i32 to vector<16xi32>
      %gather3A_693 = tpu.vector_load_idx %arg10[%add3A_687, %broadcast_in_dim3A_692] : memref<112x16xf32, #tpu.memory_space<vmem>>[vector<16xi32>, vector<16xi32>], vector<16xf32>,
      %add3A_694 = arith.addf %gather3A_690, %gather3A_693 : vector<16xf32>
      %broadcast_in_dim3A_695 = arith.constant 2 : i32
      %broadcast_in_dim3A_696 = vector.broadcast %broadcast_in_dim3A_695 : i32 to vector<16xi32>
      %gather3A_697 = tpu.vector_load_idx %arg10[%add3A_687, %broadcast_in_dim3A_696] : memref<112x16xf32, #tpu.memory_space<vmem>>[vector<16xi32>, vector<16xi32>], vector<16xf32>,
      %add3A_698 = arith.addf %add3A_694, %gather3A_697 : vector<16xf32>
      %broadcast_in_dim3A_699 = arith.constant 3 : i32
      %broadcast_in_dim3A_700 = vector.broadcast %broadcast_in_dim3A_699 : i32 to vector<16xi32>
      %gather3A_701 = tpu.vector_load_idx %arg10[%add3A_687, %broadcast_in_dim3A_700] : memref<112x16xf32, #tpu.memory_space<vmem>>[vector<16xi32>, vector<16xi32>], vector<16xf32>,
      %add3A_702 = arith.addf %add3A_698, %gather3A_701 : vector<16xf32>
      %broadcast_in_dim3A_703 = arith.constant 4 : i32
      %broadcast_in_dim3A_704 = vector.broadcast %broadcast_in_dim3A_703 : i32 to vector<16xi32>
      %gather3A_705 = tpu.vector_load_idx %arg10[%add3A_687, %broadcast_in_dim3A_704] : memref<112x16xf32, #tpu.memory_space<vmem>>[vector<16xi32>, vector<16xi32>], vector<16xf32>,
      %add3A_706 = arith.addf %add3A_702, %gather3A_705 : vector<16xf32>
      %broadcast_in_dim3A_707 = arith.constant 5 : i32
      %broadcast_in_dim3A_708 = vector.broadcast %broadcast_in_dim3A_707 : i32 to vector<16xi32>
      %gather3A_709 = tpu.vector_load_idx %arg10[%add3A_687, %broadcast_in_dim3A_708] : memref<112x16xf32, #tpu.memory_space<vmem>>[vector<16xi32>, vector<16xi32>], vector<16xf32>,
      %add3A_710 = arith.addf %add3A_706, %gather3A_709 : vector<16xf32>
      %broadcast_in_dim3A_711 = arith.constant 6 : i32
      %broadcast_in_dim3A_712 = vector.broadcast %broadcast_in_dim3A_711 : i32 to vector<16xi32>
      %gather3A_713 = tpu.vector_load_idx %arg10[%add3A_687, %broadcast_in_dim3A_712] : memref<112x16xf32, #tpu.memory_space<vmem>>[vector<16xi32>, vector<16xi32>], vector<16xf32>,
      %add3A_714 = arith.addf %add3A_710, %gather3A_713 : vector<16xf32>
      %broadcast_in_dim3A_715 = arith.constant 7 : i32
      %broadcast_in_dim3A_716 = vector.broadcast %broadcast_in_dim3A_715 : i32 to vector<16xi32>
      %gather3A_717 = tpu.vector_load_idx %arg10[%add3A_687, %broadcast_in_dim3A_716] : memref<112x16xf32, #tpu.memory_space<vmem>>[vector<16xi32>, vector<16xi32>], vector<16xf32>,
      %add3A_718 = arith.addf %add3A_714, %gather3A_717 : vector<16xf32>
      %broadcast_in_dim3A_719 = arith.constant 8 : i32
      %broadcast_in_dim3A_720 = vector.broadcast %broadcast_in_dim3A_719 : i32 to vector<16xi32>
      %gather3A_721 = tpu.vector_load_idx %arg10[%add3A_687, %broadcast_in_dim3A_720] : memref<112x16xf32, #tpu.memory_space<vmem>>[vector<16xi32>, vector<16xi32>], vector<16xf32>,
      %add3A_722 = arith.addf %add3A_718, %gather3A_721 : vector<16xf32>
      %broadcast_in_dim3A_723 = arith.constant 9 : i32
      %broadcast_in_dim3A_724 = vector.broadcast %broadcast_in_dim3A_723 : i32 to vector<16xi32>
      %gather3A_725 = tpu.vector_load_idx %arg10[%add3A_687, %broadcast_in_dim3A_724] : memref<112x16xf32, #tpu.memory_space<vmem>>[vector<16xi32>, vector<16xi32>], vector<16xf32>,
      %add3A_726 = arith.addf %add3A_722, %gather3A_725 : vector<16xf32>
      %broadcast_in_dim3A_727 = arith.constant 10 : i32
      %broadcast_in_dim3A_728 = vector.broadcast %broadcast_in_dim3A_727 : i32 to vector<16xi32>
      %gather3A_729 = tpu.vector_load_idx %arg10[%add3A_687, %broadcast_in_dim3A_728] : memref<112x16xf32, #tpu.memory_space<vmem>>[vector<16xi32>, vector<16xi32>], vector<16xf32>,
      %add3A_730 = arith.addf %add3A_726, %gather3A_729 : vector<16xf32>
      %broadcast_in_dim3A_731 = arith.constant 11 : i32
      %broadcast_in_dim3A_732 = vector.broadcast %broadcast_in_dim3A_731 : i32 to vector<16xi32>
      %gather3A_733 = tpu.vector_load_idx %arg10[%add3A_687, %broadcast_in_dim3A_732] : memref<112x16xf32, #tpu.memory_space<vmem>>[vector<16xi32>, vector<16xi32>], vector<16xf32>,
      %add3A_734 = arith.addf %add3A_730, %gather3A_733 : vector<16xf32>
      %broadcast_in_dim3A_735 = arith.constant 12 : i32
      %broadcast_in_dim3A_736 = vector.broadcast %broadcast_in_dim3A_735 : i32 to vector<16xi32>
      %gather3A_737 = tpu.vector_load_idx %arg10[%add3A_687, %broadcast_in_dim3A_736] : memref<112x16xf32, #tpu.memory_space<vmem>>[vector<16xi32>, vector<16xi32>], vector<16xf32>,
      %add3A_738 = arith.addf %add3A_734, %gather3A_737 : vector<16xf32>
      %broadcast_in_dim3A_739 = arith.constant 13 : i32
      %broadcast_in_dim3A_740 = vector.broadcast %broadcast_in_dim3A_739 : i32 to vector<16xi32>
      %gather3A_741 = tpu.vector_load_idx %arg10[%add3A_687, %broadcast_in_dim3A_740] : memref<112x16xf32, #tpu.memory_space<vmem>>[vector<16xi32>, vector<16xi32>], vector<16xf32>,
      %add3A_742 = arith.addf %add3A_738, %gather3A_741 : vector<16xf32>
      %broadcast_in_dim3A_743 = arith.constant 14 : i32
      %broadcast_in_dim3A_744 = vector.broadcast %broadcast_in_dim3A_743 : i32 to vector<16xi32>
      %gather3A_745 = tpu.vector_load_idx %arg10[%add3A_687, %broadcast_in_dim3A_744] : memref<112x16xf32, #tpu.memory_space<vmem>>[vector<16xi32>, vector<16xi32>], vector<16xf32>,
      %add3A_746 = arith.addf %add3A_742, %gather3A_745 : vector<16xf32>
      %broadcast_in_dim3A_747 = arith.constant 15 : i32
      %broadcast_in_dim3A_748 = vector.broadcast %broadcast_in_dim3A_747 : i32 to vector<16xi32>
      %gather3A_749 = tpu.vector_load_idx %arg10[%add3A_687, %broadcast_in_dim3A_748] : memref<112x16xf32, #tpu.memory_space<vmem>>[vector<16xi32>, vector<16xi32>], vector<16xf32>,
      %add3A_750 = arith.addf %add3A_746, %gather3A_749 : vector<16xf32>
      %swap3A_751 = arith.constant 0 : index
      %swap3A_752 = tpu.vector_load %arg9[%swap3A_751] {strides = array<i32>} : memref<112xf32, #tpu.memory_space<vmem>>, vector<16xf32>,
      tpu.vector_store %arg9[%swap3A_751], %add3A_750 {strides = array<i32>} : memref<112xf32, #tpu.memory_space<vmem>>, vector<16xf32>,
      %add3A_753 = arith.constant 16 : i32
      %add3A_754 = vector.broadcast %add3A_753 : i32 to vector<16xi32>
      %add3A_755 = arith.addi %iota3A_684, %add3A_754 : vector<16xi32>
      %broadcast_in_dim3A_756 = arith.constant 0 : i32
      %broadcast_in_dim3A_757 = vector.broadcast %broadcast_in_dim3A_756 : i32 to vector<16xi32>
      %gather3A_758 = tpu.vector_load_idx %arg10[%add3A_755, %broadcast_in_dim3A_757] : memref<112x16xf32, #tpu.memory_space<vmem>>[vector<16xi32>, vector<16xi32>], vector<16xf32>,
      %broadcast_in_dim3A_759 = arith.constant 1 : i32
      %broadcast_in_dim3A_760 = vector.broadcast %broadcast_in_dim3A_759 : i32 to vector<16xi32>
      %gather3A_761 = tpu.vector_load_idx %arg10[%add3A_755, %broadcast_in_dim3A_760] : memref<112x16xf32, #tpu.memory_space<vmem>>[vector<16xi32>, vector<16xi32>], vector<16xf32>,
      %add3A_762 = arith.addf %gather3A_758, %gather3A_761 : vector<16xf32>
      %broadcast_in_dim3A_763 = arith.constant 2 : i32
      %broadcast_in_dim3A_764 = vector.broadcast %broadcast_in_dim3A_763 : i32 to vector<16xi32>
      %gather3A_765 = tpu.vector_load_idx %arg10[%add3A_755, %broadcast_in_dim3A_764] : memref<112x16xf32, #tpu.memory_space<vmem>>[vector<16xi32>, vector<16xi32>], vector<16xf32>,
      %add3A_766 = arith.addf %add3A_762, %gather3A_765 : vector<16xf32>
      %broadcast_in_dim3A_767 = arith.constant 3 : i32
      %broadcast_in_dim3A_768 = vector.broadcast %broadcast_in_dim3A_767 : i32 to vector<16xi32>
      %gather3A_769 = tpu.vector_load_idx %arg10[%add3A_755, %broadcast_in_dim3A_768] : memref<112x16xf32, #tpu.memory_space<vmem>>[vector<16xi32>, vector<16xi32>], vector<16xf32>,
      %add3A_770 = arith.addf %add3A_766, %gather3A_769 : vector<16xf32>
      %broadcast_in_dim3A_771 = arith.constant 4 : i32
      %broadcast_in_dim3A_772 = vector.broadcast %broadcast_in_dim3A_771 : i32 to vector<16xi32>
      %gather3A_773 = tpu.vector_load_idx %arg10[%add3A_755, %broadcast_in_dim3A_772] : memref<112x16xf32, #tpu.memory_space<vmem>>[vector<16xi32>, vector<16xi32>], vector<16xf32>,
      %add3A_774 = arith.addf %add3A_770, %gather3A_773 : vector<16xf32>
      %broadcast_in_dim3A_775 = arith.constant 5 : i32
      %broadcast_in_dim3A_776 = vector.broadcast %broadcast_in_dim3A_775 : i32 to vector<16xi32>
      %gather3A_777 = tpu.vector_load_idx %arg10[%add3A_755, %broadcast_in_dim3A_776] : memref<112x16xf32, #tpu.memory_space<vmem>>[vector<16xi32>, vector<16xi32>], vector<16xf32>,
      %add3A_778 = arith.addf %add3A_774, %gather3A_777 : vector<16xf32>
      %broadcast_in_dim3A_779 = arith.constant 6 : i32
      %broadcast_in_dim3A_780 = vector.broadcast %broadcast_in_dim3A_779 : i32 to vector<16xi32>
      %gather3A_781 = tpu.vector_load_idx %arg10[%add3A_755, %broadcast_in_dim3A_780] : memref<112x16xf32, #tpu.memory_space<vmem>>[vector<16xi32>, vector<16xi32>], vector<16xf32>,
      %add3A_782 = arith.addf %add3A_778, %gather3A_781 : vector<16xf32>
      %broadcast_in_dim3A_783 = arith.constant 7 : i32
      %broadcast_in_dim3A_784 = vector.broadcast %broadcast_in_dim3A_783 : i32 to vector<16xi32>
      %gather3A_785 = tpu.vector_load_idx %arg10[%add3A_755, %broadcast_in_dim3A_784] : memref<112x16xf32, #tpu.memory_space<vmem>>[vector<16xi32>, vector<16xi32>], vector<16xf32>,
      %add3A_786 = arith.addf %add3A_782, %gather3A_785 : vector<16xf32>
      %broadcast_in_dim3A_787 = arith.constant 8 : i32
      %broadcast_in_dim3A_788 = vector.broadcast %broadcast_in_dim3A_787 : i32 to vector<16xi32>
      %gather3A_789 = tpu.vector_load_idx %arg10[%add3A_755, %broadcast_in_dim3A_788] : memref<112x16xf32, #tpu.memory_space<vmem>>[vector<16xi32>, vector<16xi32>], vector<16xf32>,
      %add3A_790 = arith.addf %add3A_786, %gather3A_789 : vector<16xf32>
      %broadcast_in_dim3A_791 = arith.constant 9 : i32
      %broadcast_in_dim3A_792 = vector.broadcast %broadcast_in_dim3A_791 : i32 to vector<16xi32>
      %gather3A_793 = tpu.vector_load_idx %arg10[%add3A_755, %broadcast_in_dim3A_792] : memref<112x16xf32, #tpu.memory_space<vmem>>[vector<16xi32>, vector<16xi32>], vector<16xf32>,
      %add3A_794 = arith.addf %add3A_790, %gather3A_793 : vector<16xf32>
      %broadcast_in_dim3A_795 = arith.constant 10 : i32
      %broadcast_in_dim3A_796 = vector.broadcast %broadcast_in_dim3A_795 : i32 to vector<16xi32>
      %gather3A_797 = tpu.vector_load_idx %arg10[%add3A_755, %broadcast_in_dim3A_796] : memref<112x16xf32, #tpu.memory_space<vmem>>[vector<16xi32>, vector<16xi32>], vector<16xf32>,
      %add3A_798 = arith.addf %add3A_794, %gather3A_797 : vector<16xf32>
      %broadcast_in_dim3A_799 = arith.constant 11 : i32
      %broadcast_in_dim3A_800 = vector.broadcast %broadcast_in_dim3A_799 : i32 to vector<16xi32>
      %gather3A_801 = tpu.vector_load_idx %arg10[%add3A_755, %broadcast_in_dim3A_800] : memref<112x16xf32, #tpu.memory_space<vmem>>[vector<16xi32>, vector<16xi32>], vector<16xf32>,
      %add3A_802 = arith.addf %add3A_798, %gather3A_801 : vector<16xf32>
      %broadcast_in_dim3A_803 = arith.constant 12 : i32
      %broadcast_in_dim3A_804 = vector.broadcast %broadcast_in_dim3A_803 : i32 to vector<16xi32>
      %gather3A_805 = tpu.vector_load_idx %arg10[%add3A_755, %broadcast_in_dim3A_804] : memref<112x16xf32, #tpu.memory_space<vmem>>[vector<16xi32>, vector<16xi32>], vector<16xf32>,
      %add3A_806 = arith.addf %add3A_802, %gather3A_805 : vector<16xf32>
      %broadcast_in_dim3A_807 = arith.constant 13 : i32
      %broadcast_in_dim3A_808 = vector.broadcast %broadcast_in_dim3A_807 : i32 to vector<16xi32>
      %gather3A_809 = tpu.vector_load_idx %arg10[%add3A_755, %broadcast_in_dim3A_808] : memref<112x16xf32, #tpu.memory_space<vmem>>[vector<16xi32>, vector<16xi32>], vector<16xf32>,
      %add3A_810 = arith.addf %add3A_806, %gather3A_809 : vector<16xf32>
      %broadcast_in_dim3A_811 = arith.constant 14 : i32
      %broadcast_in_dim3A_812 = vector.broadcast %broadcast_in_dim3A_811 : i32 to vector<16xi32>
      %gather3A_813 = tpu.vector_load_idx %arg10[%add3A_755, %broadcast_in_dim3A_812] : memref<112x16xf32, #tpu.memory_space<vmem>>[vector<16xi32>, vector<16xi32>], vector<16xf32>,
      %add3A_814 = arith.addf %add3A_810, %gather3A_813 : vector<16xf32>
      %broadcast_in_dim3A_815 = arith.constant 15 : i32
      %broadcast_in_dim3A_816 = vector.broadcast %broadcast_in_dim3A_815 : i32 to vector<16xi32>
      %gather3A_817 = tpu.vector_load_idx %arg10[%add3A_755, %broadcast_in_dim3A_816] : memref<112x16xf32, #tpu.memory_space<vmem>>[vector<16xi32>, vector<16xi32>], vector<16xf32>,
      %add3A_818 = arith.addf %add3A_814, %gather3A_817 : vector<16xf32>
      %swap3A_819 = arith.constant 16 : index
      %swap3A_820 = tpu.vector_load %arg9[%swap3A_819] {strides = array<i32>} : memref<112xf32, #tpu.memory_space<vmem>>, vector<16xf32>,
      tpu.vector_store %arg9[%swap3A_819], %add3A_818 {strides = array<i32>} : memref<112xf32, #tpu.memory_space<vmem>>, vector<16xf32>,
      %add3A_821 = arith.constant 32 : i32
      %add3A_822 = vector.broadcast %add3A_821 : i32 to vector<16xi32>
      %add3A_823 = arith.addi %iota3A_684, %add3A_822 : vector<16xi32>
      %broadcast_in_dim3A_824 = arith.constant 0 : i32
      %broadcast_in_dim3A_825 = vector.broadcast %broadcast_in_dim3A_824 : i32 to vector<16xi32>
      %gather3A_826 = tpu.vector_load_idx %arg10[%add3A_823, %broadcast_in_dim3A_825] : memref<112x16xf32, #tpu.memory_space<vmem>>[vector<16xi32>, vector<16xi32>], vector<16xf32>,
      %broadcast_in_dim3A_827 = arith.constant 1 : i32
      %broadcast_in_dim3A_828 = vector.broadcast %broadcast_in_dim3A_827 : i32 to vector<16xi32>
      %gather3A_829 = tpu.vector_load_idx %arg10[%add3A_823, %broadcast_in_dim3A_828] : memref<112x16xf32, #tpu.memory_space<vmem>>[vector<16xi32>, vector<16xi32>], vector<16xf32>,
      %add3A_830 = arith.addf %gather3A_826, %gather3A_829 : vector<16xf32>
      %broadcast_in_dim3A_831 = arith.constant 2 : i32
      %broadcast_in_dim3A_832 = vector.broadcast %broadcast_in_dim3A_831 : i32 to vector<16xi32>
      %gather3A_833 = tpu.vector_load_idx %arg10[%add3A_823, %broadcast_in_dim3A_832] : memref<112x16xf32, #tpu.memory_space<vmem>>[vector<16xi32>, vector<16xi32>], vector<16xf32>,
      %add3A_834 = arith.addf %add3A_830, %gather3A_833 : vector<16xf32>
      %broadcast_in_dim3A_835 = arith.constant 3 : i32
      %broadcast_in_dim3A_836 = vector.broadcast %broadcast_in_dim3A_835 : i32 to vector<16xi32>
      %gather3A_837 = tpu.vector_load_idx %arg10[%add3A_823, %broadcast_in_dim3A_836] : memref<112x16xf32, #tpu.memory_space<vmem>>[vector<16xi32>, vector<16xi32>], vector<16xf32>,
      %add3A_838 = arith.addf %add3A_834, %gather3A_837 : vector<16xf32>
      %broadcast_in_dim3A_839 = arith.constant 4 : i32
      %broadcast_in_dim3A_840 = vector.broadcast %broadcast_in_dim3A_839 : i32 to vector<16xi32>
      %gather3A_841 = tpu.vector_load_idx %arg10[%add3A_823, %broadcast_in_dim3A_840] : memref<112x16xf32, #tpu.memory_space<vmem>>[vector<16xi32>, vector<16xi32>], vector<16xf32>,
      %add3A_842 = arith.addf %add3A_838, %gather3A_841 : vector<16xf32>
      %broadcast_in_dim3A_843 = arith.constant 5 : i32
      %broadcast_in_dim3A_844 = vector.broadcast %broadcast_in_dim3A_843 : i32 to vector<16xi32>
      %gather3A_845 = tpu.vector_load_idx %arg10[%add3A_823, %broadcast_in_dim3A_844] : memref<112x16xf32, #tpu.memory_space<vmem>>[vector<16xi32>, vector<16xi32>], vector<16xf32>,
      %add3A_846 = arith.addf %add3A_842, %gather3A_845 : vector<16xf32>
      %broadcast_in_dim3A_847 = arith.constant 6 : i32
      %broadcast_in_dim3A_848 = vector.broadcast %broadcast_in_dim3A_847 : i32 to vector<16xi32>
      %gather3A_849 = tpu.vector_load_idx %arg10[%add3A_823, %broadcast_in_dim3A_848] : memref<112x16xf32, #tpu.memory_space<vmem>>[vector<16xi32>, vector<16xi32>], vector<16xf32>,
      %add3A_850 = arith.addf %add3A_846, %gather3A_849 : vector<16xf32>
      %broadcast_in_dim3A_851 = arith.constant 7 : i32
      %broadcast_in_dim3A_852 = vector.broadcast %broadcast_in_dim3A_851 : i32 to vector<16xi32>
      %gather3A_853 = tpu.vector_load_idx %arg10[%add3A_823, %broadcast_in_dim3A_852] : memref<112x16xf32, #tpu.memory_space<vmem>>[vector<16xi32>, vector<16xi32>], vector<16xf32>,
      %add3A_854 = arith.addf %add3A_850, %gather3A_853 : vector<16xf32>
      %broadcast_in_dim3A_855 = arith.constant 8 : i32
      %broadcast_in_dim3A_856 = vector.broadcast %broadcast_in_dim3A_855 : i32 to vector<16xi32>
      %gather3A_857 = tpu.vector_load_idx %arg10[%add3A_823, %broadcast_in_dim3A_856] : memref<112x16xf32, #tpu.memory_space<vmem>>[vector<16xi32>, vector<16xi32>], vector<16xf32>,
      %add3A_858 = arith.addf %add3A_854, %gather3A_857 : vector<16xf32>
      %broadcast_in_dim3A_859 = arith.constant 9 : i32
      %broadcast_in_dim3A_860 = vector.broadcast %broadcast_in_dim3A_859 : i32 to vector<16xi32>
      %gather3A_861 = tpu.vector_load_idx %arg10[%add3A_823, %broadcast_in_dim3A_860] : memref<112x16xf32, #tpu.memory_space<vmem>>[vector<16xi32>, vector<16xi32>], vector<16xf32>,
      %add3A_862 = arith.addf %add3A_858, %gather3A_861 : vector<16xf32>
      %broadcast_in_dim3A_863 = arith.constant 10 : i32
      %broadcast_in_dim3A_864 = vector.broadcast %broadcast_in_dim3A_863 : i32 to vector<16xi32>
      %gather3A_865 = tpu.vector_load_idx %arg10[%add3A_823, %broadcast_in_dim3A_864] : memref<112x16xf32, #tpu.memory_space<vmem>>[vector<16xi32>, vector<16xi32>], vector<16xf32>,
      %add3A_866 = arith.addf %add3A_862, %gather3A_865 : vector<16xf32>
      %broadcast_in_dim3A_867 = arith.constant 11 : i32
      %broadcast_in_dim3A_868 = vector.broadcast %broadcast_in_dim3A_867 : i32 to vector<16xi32>
      %gather3A_869 = tpu.vector_load_idx %arg10[%add3A_823, %broadcast_in_dim3A_868] : memref<112x16xf32, #tpu.memory_space<vmem>>[vector<16xi32>, vector<16xi32>], vector<16xf32>,
      %add3A_870 = arith.addf %add3A_866, %gather3A_869 : vector<16xf32>
      %broadcast_in_dim3A_871 = arith.constant 12 : i32
      %broadcast_in_dim3A_872 = vector.broadcast %broadcast_in_dim3A_871 : i32 to vector<16xi32>
      %gather3A_873 = tpu.vector_load_idx %arg10[%add3A_823, %broadcast_in_dim3A_872] : memref<112x16xf32, #tpu.memory_space<vmem>>[vector<16xi32>, vector<16xi32>], vector<16xf32>,
      %add3A_874 = arith.addf %add3A_870, %gather3A_873 : vector<16xf32>
      %broadcast_in_dim3A_875 = arith.constant 13 : i32
      %broadcast_in_dim3A_876 = vector.broadcast %broadcast_in_dim3A_875 : i32 to vector<16xi32>
      %gather3A_877 = tpu.vector_load_idx %arg10[%add3A_823, %broadcast_in_dim3A_876] : memref<112x16xf32, #tpu.memory_space<vmem>>[vector<16xi32>, vector<16xi32>], vector<16xf32>,
      %add3A_878 = arith.addf %add3A_874, %gather3A_877 : vector<16xf32>
      %broadcast_in_dim3A_879 = arith.constant 14 : i32
      %broadcast_in_dim3A_880 = vector.broadcast %broadcast_in_dim3A_879 : i32 to vector<16xi32>
      %gather3A_881 = tpu.vector_load_idx %arg10[%add3A_823, %broadcast_in_dim3A_880] : memref<112x16xf32, #tpu.memory_space<vmem>>[vector<16xi32>, vector<16xi32>], vector<16xf32>,
      %add3A_882 = arith.addf %add3A_878, %gather3A_881 : vector<16xf32>
      %broadcast_in_dim3A_883 = arith.constant 15 : i32
      %broadcast_in_dim3A_884 = vector.broadcast %broadcast_in_dim3A_883 : i32 to vector<16xi32>
      %gather3A_885 = tpu.vector_load_idx %arg10[%add3A_823, %broadcast_in_dim3A_884] : memref<112x16xf32, #tpu.memory_space<vmem>>[vector<16xi32>, vector<16xi32>], vector<16xf32>,
      %add3A_886 = arith.addf %add3A_882, %gather3A_885 : vector<16xf32>
      %swap3A_887 = arith.constant 32 : index
      %swap3A_888 = tpu.vector_load %arg9[%swap3A_887] {strides = array<i32>} : memref<112xf32, #tpu.memory_space<vmem>>, vector<16xf32>,
      tpu.vector_store %arg9[%swap3A_887], %add3A_886 {strides = array<i32>} : memref<112xf32, #tpu.memory_space<vmem>>, vector<16xf32>,
      %add3A_889 = arith.constant 48 : i32
      %add3A_890 = vector.broadcast %add3A_889 : i32 to vector<16xi32>
      %add3A_891 = arith.addi %iota3A_684, %add3A_890 : vector<16xi32>
      %broadcast_in_dim3A_892 = arith.constant 0 : i32
      %broadcast_in_dim3A_893 = vector.broadcast %broadcast_in_dim3A_892 : i32 to vector<16xi32>
      %gather3A_894 = tpu.vector_load_idx %arg10[%add3A_891, %broadcast_in_dim3A_893] : memref<112x16xf32, #tpu.memory_space<vmem>>[vector<16xi32>, vector<16xi32>], vector<16xf32>,
      %broadcast_in_dim3A_895 = arith.constant 1 : i32
      %broadcast_in_dim3A_896 = vector.broadcast %broadcast_in_dim3A_895 : i32 to vector<16xi32>
      %gather3A_897 = tpu.vector_load_idx %arg10[%add3A_891, %broadcast_in_dim3A_896] : memref<112x16xf32, #tpu.memory_space<vmem>>[vector<16xi32>, vector<16xi32>], vector<16xf32>,
      %add3A_898 = arith.addf %gather3A_894, %gather3A_897 : vector<16xf32>
      %broadcast_in_dim3A_899 = arith.constant 2 : i32
      %broadcast_in_dim3A_900 = vector.broadcast %broadcast_in_dim3A_899 : i32 to vector<16xi32>
      %gather3A_901 = tpu.vector_load_idx %arg10[%add3A_891, %broadcast_in_dim3A_900] : memref<112x16xf32, #tpu.memory_space<vmem>>[vector<16xi32>, vector<16xi32>], vector<16xf32>,
      %add3A_902 = arith.addf %add3A_898, %gather3A_901 : vector<16xf32>
      %broadcast_in_dim3A_903 = arith.constant 3 : i32
      %broadcast_in_dim3A_904 = vector.broadcast %broadcast_in_dim3A_903 : i32 to vector<16xi32>
      %gather3A_905 = tpu.vector_load_idx %arg10[%add3A_891, %broadcast_in_dim3A_904] : memref<112x16xf32, #tpu.memory_space<vmem>>[vector<16xi32>, vector<16xi32>], vector<16xf32>,
      %add3A_906 = arith.addf %add3A_902, %gather3A_905 : vector<16xf32>
      %broadcast_in_dim3A_907 = arith.constant 4 : i32
      %broadcast_in_dim3A_908 = vector.broadcast %broadcast_in_dim3A_907 : i32 to vector<16xi32>
      %gather3A_909 = tpu.vector_load_idx %arg10[%add3A_891, %broadcast_in_dim3A_908] : memref<112x16xf32, #tpu.memory_space<vmem>>[vector<16xi32>, vector<16xi32>], vector<16xf32>,
      %add3A_910 = arith.addf %add3A_906, %gather3A_909 : vector<16xf32>
      %broadcast_in_dim3A_911 = arith.constant 5 : i32
      %broadcast_in_dim3A_912 = vector.broadcast %broadcast_in_dim3A_911 : i32 to vector<16xi32>
      %gather3A_913 = tpu.vector_load_idx %arg10[%add3A_891, %broadcast_in_dim3A_912] : memref<112x16xf32, #tpu.memory_space<vmem>>[vector<16xi32>, vector<16xi32>], vector<16xf32>,
      %add3A_914 = arith.addf %add3A_910, %gather3A_913 : vector<16xf32>
      %broadcast_in_dim3A_915 = arith.constant 6 : i32
      %broadcast_in_dim3A_916 = vector.broadcast %broadcast_in_dim3A_915 : i32 to vector<16xi32>
      %gather3A_917 = tpu.vector_load_idx %arg10[%add3A_891, %broadcast_in_dim3A_916] : memref<112x16xf32, #tpu.memory_space<vmem>>[vector<16xi32>, vector<16xi32>], vector<16xf32>,
      %add3A_918 = arith.addf %add3A_914, %gather3A_917 : vector<16xf32>
      %broadcast_in_dim3A_919 = arith.constant 7 : i32
      %broadcast_in_dim3A_920 = vector.broadcast %broadcast_in_dim3A_919 : i32 to vector<16xi32>
      %gather3A_921 = tpu.vector_load_idx %arg10[%add3A_891, %broadcast_in_dim3A_920] : memref<112x16xf32, #tpu.memory_space<vmem>>[vector<16xi32>, vector<16xi32>], vector<16xf32>,
      %add3A_922 = arith.addf %add3A_918, %gather3A_921 : vector<16xf32>
      %broadcast_in_dim3A_923 = arith.constant 8 : i32
      %broadcast_in_dim3A_924 = vector.broadcast %broadcast_in_dim3A_923 : i32 to vector<16xi32>
      %gather3A_925 = tpu.vector_load_idx %arg10[%add3A_891, %broadcast_in_dim3A_924] : memref<112x16xf32, #tpu.memory_space<vmem>>[vector<16xi32>, vector<16xi32>], vector<16xf32>,
      %add3A_926 = arith.addf %add3A_922, %gather3A_925 : vector<16xf32>
      %broadcast_in_dim3A_927 = arith.constant 9 : i32
      %broadcast_in_dim3A_928 = vector.broadcast %broadcast_in_dim3A_927 : i32 to vector<16xi32>
      %gather3A_929 = tpu.vector_load_idx %arg10[%add3A_891, %broadcast_in_dim3A_928] : memref<112x16xf32, #tpu.memory_space<vmem>>[vector<16xi32>, vector<16xi32>], vector<16xf32>,
      %add3A_930 = arith.addf %add3A_926, %gather3A_929 : vector<16xf32>
      %broadcast_in_dim3A_931 = arith.constant 10 : i32
      %broadcast_in_dim3A_932 = vector.broadcast %broadcast_in_dim3A_931 : i32 to vector<16xi32>
      %gather3A_933 = tpu.vector_load_idx %arg10[%add3A_891, %broadcast_in_dim3A_932] : memref<112x16xf32, #tpu.memory_space<vmem>>[vector<16xi32>, vector<16xi32>], vector<16xf32>,
      %add3A_934 = arith.addf %add3A_930, %gather3A_933 : vector<16xf32>
      %broadcast_in_dim3A_935 = arith.constant 11 : i32
      %broadcast_in_dim3A_936 = vector.broadcast %broadcast_in_dim3A_935 : i32 to vector<16xi32>
      %gather3A_937 = tpu.vector_load_idx %arg10[%add3A_891, %broadcast_in_dim3A_936] : memref<112x16xf32, #tpu.memory_space<vmem>>[vector<16xi32>, vector<16xi32>], vector<16xf32>,
      %add3A_938 = arith.addf %add3A_934, %gather3A_937 : vector<16xf32>
      %broadcast_in_dim3A_939 = arith.constant 12 : i32
      %broadcast_in_dim3A_940 = vector.broadcast %broadcast_in_dim3A_939 : i32 to vector<16xi32>
      %gather3A_941 = tpu.vector_load_idx %arg10[%add3A_891, %broadcast_in_dim3A_940] : memref<112x16xf32, #tpu.memory_space<vmem>>[vector<16xi32>, vector<16xi32>], vector<16xf32>,
      %add3A_942 = arith.addf %add3A_938, %gather3A_941 : vector<16xf32>
      %broadcast_in_dim3A_943 = arith.constant 13 : i32
      %broadcast_in_dim3A_944 = vector.broadcast %broadcast_in_dim3A_943 : i32 to vector<16xi32>
      %gather3A_945 = tpu.vector_load_idx %arg10[%add3A_891, %broadcast_in_dim3A_944] : memref<112x16xf32, #tpu.memory_space<vmem>>[vector<16xi32>, vector<16xi32>], vector<16xf32>,
      %add3A_946 = arith.addf %add3A_942, %gather3A_945 : vector<16xf32>
      %broadcast_in_dim3A_947 = arith.constant 14 : i32
      %broadcast_in_dim3A_948 = vector.broadcast %broadcast_in_dim3A_947 : i32 to vector<16xi32>
      %gather3A_949 = tpu.vector_load_idx %arg10[%add3A_891, %broadcast_in_dim3A_948] : memref<112x16xf32, #tpu.memory_space<vmem>>[vector<16xi32>, vector<16xi32>], vector<16xf32>,
      %add3A_950 = arith.addf %add3A_946, %gather3A_949 : vector<16xf32>
      %broadcast_in_dim3A_951 = arith.constant 15 : i32
      %broadcast_in_dim3A_952 = vector.broadcast %broadcast_in_dim3A_951 : i32 to vector<16xi32>
      %gather3A_953 = tpu.vector_load_idx %arg10[%add3A_891, %broadcast_in_dim3A_952] : memref<112x16xf32, #tpu.memory_space<vmem>>[vector<16xi32>, vector<16xi32>], vector<16xf32>,
      %add3A_954 = arith.addf %add3A_950, %gather3A_953 : vector<16xf32>
      %swap3A_955 = arith.constant 48 : index
      %swap3A_956 = tpu.vector_load %arg9[%swap3A_955] {strides = array<i32>} : memref<112xf32, #tpu.memory_space<vmem>>, vector<16xf32>,
      tpu.vector_store %arg9[%swap3A_955], %add3A_954 {strides = array<i32>} : memref<112xf32, #tpu.memory_space<vmem>>, vector<16xf32>,
      %add3A_957 = arith.constant 64 : i32
      %add3A_958 = vector.broadcast %add3A_957 : i32 to vector<16xi32>
      %add3A_959 = arith.addi %iota3A_684, %add3A_958 : vector<16xi32>
      %broadcast_in_dim3A_960 = arith.constant 0 : i32
      %broadcast_in_dim3A_961 = vector.broadcast %broadcast_in_dim3A_960 : i32 to vector<16xi32>
      %gather3A_962 = tpu.vector_load_idx %arg10[%add3A_959, %broadcast_in_dim3A_961] : memref<112x16xf32, #tpu.memory_space<vmem>>[vector<16xi32>, vector<16xi32>], vector<16xf32>,
      %broadcast_in_dim3A_963 = arith.constant 1 : i32
      %broadcast_in_dim3A_964 = vector.broadcast %broadcast_in_dim3A_963 : i32 to vector<16xi32>
      %gather3A_965 = tpu.vector_load_idx %arg10[%add3A_959, %broadcast_in_dim3A_964] : memref<112x16xf32, #tpu.memory_space<vmem>>[vector<16xi32>, vector<16xi32>], vector<16xf32>,
      %add3A_966 = arith.addf %gather3A_962, %gather3A_965 : vector<16xf32>
      %broadcast_in_dim3A_967 = arith.constant 2 : i32
      %broadcast_in_dim3A_968 = vector.broadcast %broadcast_in_dim3A_967 : i32 to vector<16xi32>
      %gather3A_969 = tpu.vector_load_idx %arg10[%add3A_959, %broadcast_in_dim3A_968] : memref<112x16xf32, #tpu.memory_space<vmem>>[vector<16xi32>, vector<16xi32>], vector<16xf32>,
      %add3A_970 = arith.addf %add3A_966, %gather3A_969 : vector<16xf32>
      %broadcast_in_dim3A_971 = arith.constant 3 : i32
      %broadcast_in_dim3A_972 = vector.broadcast %broadcast_in_dim3A_971 : i32 to vector<16xi32>
      %gather3A_973 = tpu.vector_load_idx %arg10[%add3A_959, %broadcast_in_dim3A_972] : memref<112x16xf32, #tpu.memory_space<vmem>>[vector<16xi32>, vector<16xi32>], vector<16xf32>,
      %add3A_974 = arith.addf %add3A_970, %gather3A_973 : vector<16xf32>
      %broadcast_in_dim3A_975 = arith.constant 4 : i32
      %broadcast_in_dim3A_976 = vector.broadcast %broadcast_in_dim3A_975 : i32 to vector<16xi32>
      %gather3A_977 = tpu.vector_load_idx %arg10[%add3A_959, %broadcast_in_dim3A_976] : memref<112x16xf32, #tpu.memory_space<vmem>>[vector<16xi32>, vector<16xi32>], vector<16xf32>,
      %add3A_978 = arith.addf %add3A_974, %gather3A_977 : vector<16xf32>
      %broadcast_in_dim3A_979 = arith.constant 5 : i32
      %broadcast_in_dim3A_980 = vector.broadcast %broadcast_in_dim3A_979 : i32 to vector<16xi32>
      %gather3A_981 = tpu.vector_load_idx %arg10[%add3A_959, %broadcast_in_dim3A_980] : memref<112x16xf32, #tpu.memory_space<vmem>>[vector<16xi32>, vector<16xi32>], vector<16xf32>,
      %add3A_982 = arith.addf %add3A_978, %gather3A_981 : vector<16xf32>
      %broadcast_in_dim3A_983 = arith.constant 6 : i32
      %broadcast_in_dim3A_984 = vector.broadcast %broadcast_in_dim3A_983 : i32 to vector<16xi32>
      %gather3A_985 = tpu.vector_load_idx %arg10[%add3A_959, %broadcast_in_dim3A_984] : memref<112x16xf32, #tpu.memory_space<vmem>>[vector<16xi32>, vector<16xi32>], vector<16xf32>,
      %add3A_986 = arith.addf %add3A_982, %gather3A_985 : vector<16xf32>
      %broadcast_in_dim3A_987 = arith.constant 7 : i32
      %broadcast_in_dim3A_988 = vector.broadcast %broadcast_in_dim3A_987 : i32 to vector<16xi32>
      %gather3A_989 = tpu.vector_load_idx %arg10[%add3A_959, %broadcast_in_dim3A_988] : memref<112x16xf32, #tpu.memory_space<vmem>>[vector<16xi32>, vector<16xi32>], vector<16xf32>,
      %add3A_990 = arith.addf %add3A_986, %gather3A_989 : vector<16xf32>
      %broadcast_in_dim3A_991 = arith.constant 8 : i32
      %broadcast_in_dim3A_992 = vector.broadcast %broadcast_in_dim3A_991 : i32 to vector<16xi32>
      %gather3A_993 = tpu.vector_load_idx %arg10[%add3A_959, %broadcast_in_dim3A_992] : memref<112x16xf32, #tpu.memory_space<vmem>>[vector<16xi32>, vector<16xi32>], vector<16xf32>,
      %add3A_994 = arith.addf %add3A_990, %gather3A_993 : vector<16xf32>
      %broadcast_in_dim3A_995 = arith.constant 9 : i32
      %broadcast_in_dim3A_996 = vector.broadcast %broadcast_in_dim3A_995 : i32 to vector<16xi32>
      %gather3A_997 = tpu.vector_load_idx %arg10[%add3A_959, %broadcast_in_dim3A_996] : memref<112x16xf32, #tpu.memory_space<vmem>>[vector<16xi32>, vector<16xi32>], vector<16xf32>,
      %add3A_998 = arith.addf %add3A_994, %gather3A_997 : vector<16xf32>
      %broadcast_in_dim3A_999 = arith.constant 10 : i32
      %broadcast_in_dim3A_1000 = vector.broadcast %broadcast_in_dim3A_999 : i32 to vector<16xi32>
      %gather3A_1001 = tpu.vector_load_idx %arg10[%add3A_959, %broadcast_in_dim3A_1000] : memref<112x16xf32, #tpu.memory_space<vmem>>[vector<16xi32>, vector<16xi32>], vector<16xf32>,
      %add3A_1002 = arith.addf %add3A_998, %gather3A_1001 : vector<16xf32>
      %broadcast_in_dim3A_1003 = arith.constant 11 : i32
      %broadcast_in_dim3A_1004 = vector.broadcast %broadcast_in_dim3A_1003 : i32 to vector<16xi32>
      %gather3A_1005 = tpu.vector_load_idx %arg10[%add3A_959, %broadcast_in_dim3A_1004] : memref<112x16xf32, #tpu.memory_space<vmem>>[vector<16xi32>, vector<16xi32>], vector<16xf32>,
      %add3A_1006 = arith.addf %add3A_1002, %gather3A_1005 : vector<16xf32>
      %broadcast_in_dim3A_1007 = arith.constant 12 : i32
      %broadcast_in_dim3A_1008 = vector.broadcast %broadcast_in_dim3A_1007 : i32 to vector<16xi32>
      %gather3A_1009 = tpu.vector_load_idx %arg10[%add3A_959, %broadcast_in_dim3A_1008] : memref<112x16xf32, #tpu.memory_space<vmem>>[vector<16xi32>, vector<16xi32>], vector<16xf32>,
      %add3A_1010 = arith.addf %add3A_1006, %gather3A_1009 : vector<16xf32>
      %broadcast_in_dim3A_1011 = arith.constant 13 : i32
      %broadcast_in_dim3A_1012 = vector.broadcast %broadcast_in_dim3A_1011 : i32 to vector<16xi32>
      %gather3A_1013 = tpu.vector_load_idx %arg10[%add3A_959, %broadcast_in_dim3A_1012] : memref<112x16xf32, #tpu.memory_space<vmem>>[vector<16xi32>, vector<16xi32>], vector<16xf32>,
      %add3A_1014 = arith.addf %add3A_1010, %gather3A_1013 : vector<16xf32>
      %broadcast_in_dim3A_1015 = arith.constant 14 : i32
      %broadcast_in_dim3A_1016 = vector.broadcast %broadcast_in_dim3A_1015 : i32 to vector<16xi32>
      %gather3A_1017 = tpu.vector_load_idx %arg10[%add3A_959, %broadcast_in_dim3A_1016] : memref<112x16xf32, #tpu.memory_space<vmem>>[vector<16xi32>, vector<16xi32>], vector<16xf32>,
      %add3A_1018 = arith.addf %add3A_1014, %gather3A_1017 : vector<16xf32>
      %broadcast_in_dim3A_1019 = arith.constant 15 : i32
      %broadcast_in_dim3A_1020 = vector.broadcast %broadcast_in_dim3A_1019 : i32 to vector<16xi32>
      %gather3A_1021 = tpu.vector_load_idx %arg10[%add3A_959, %broadcast_in_dim3A_1020] : memref<112x16xf32, #tpu.memory_space<vmem>>[vector<16xi32>, vector<16xi32>], vector<16xf32>,
      %add3A_1022 = arith.addf %add3A_1018, %gather3A_1021 : vector<16xf32>
      %swap3A_1023 = arith.constant 64 : index
      %swap3A_1024 = tpu.vector_load %arg9[%swap3A_1023] {strides = array<i32>} : memref<112xf32, #tpu.memory_space<vmem>>, vector<16xf32>,
      tpu.vector_store %arg9[%swap3A_1023], %add3A_1022 {strides = array<i32>} : memref<112xf32, #tpu.memory_space<vmem>>, vector<16xf32>,
      %add3A_1025 = arith.constant 80 : i32
      %add3A_1026 = vector.broadcast %add3A_1025 : i32 to vector<16xi32>
      %add3A_1027 = arith.addi %iota3A_684, %add3A_1026 : vector<16xi32>
      %broadcast_in_dim3A_1028 = arith.constant 0 : i32
      %broadcast_in_dim3A_1029 = vector.broadcast %broadcast_in_dim3A_1028 : i32 to vector<16xi32>
      %gather3A_1030 = tpu.vector_load_idx %arg10[%add3A_1027, %broadcast_in_dim3A_1029] : memref<112x16xf32, #tpu.memory_space<vmem>>[vector<16xi32>, vector<16xi32>], vector<16xf32>,
      %broadcast_in_dim3A_1031 = arith.constant 1 : i32
      %broadcast_in_dim3A_1032 = vector.broadcast %broadcast_in_dim3A_1031 : i32 to vector<16xi32>
      %gather3A_1033 = tpu.vector_load_idx %arg10[%add3A_1027, %broadcast_in_dim3A_1032] : memref<112x16xf32, #tpu.memory_space<vmem>>[vector<16xi32>, vector<16xi32>], vector<16xf32>,
      %add3A_1034 = arith.addf %gather3A_1030, %gather3A_1033 : vector<16xf32>
      %broadcast_in_dim3A_1035 = arith.constant 2 : i32
      %broadcast_in_dim3A_1036 = vector.broadcast %broadcast_in_dim3A_1035 : i32 to vector<16xi32>
      %gather3A_1037 = tpu.vector_load_idx %arg10[%add3A_1027, %broadcast_in_dim3A_1036] : memref<112x16xf32, #tpu.memory_space<vmem>>[vector<16xi32>, vector<16xi32>], vector<16xf32>,
      %add3A_1038 = arith.addf %add3A_1034, %gather3A_1037 : vector<16xf32>
      %broadcast_in_dim3A_1039 = arith.constant 3 : i32
      %broadcast_in_dim3A_1040 = vector.broadcast %broadcast_in_dim3A_1039 : i32 to vector<16xi32>
      %gather3A_1041 = tpu.vector_load_idx %arg10[%add3A_1027, %broadcast_in_dim3A_1040] : memref<112x16xf32, #tpu.memory_space<vmem>>[vector<16xi32>, vector<16xi32>], vector<16xf32>,
      %add3A_1042 = arith.addf %add3A_1038, %gather3A_1041 : vector<16xf32>
      %broadcast_in_dim3A_1043 = arith.constant 4 : i32
      %broadcast_in_dim3A_1044 = vector.broadcast %broadcast_in_dim3A_1043 : i32 to vector<16xi32>
      %gather3A_1045 = tpu.vector_load_idx %arg10[%add3A_1027, %broadcast_in_dim3A_1044] : memref<112x16xf32, #tpu.memory_space<vmem>>[vector<16xi32>, vector<16xi32>], vector<16xf32>,
      %add3A_1046 = arith.addf %add3A_1042, %gather3A_1045 : vector<16xf32>
      %broadcast_in_dim3A_1047 = arith.constant 5 : i32
      %broadcast_in_dim3A_1048 = vector.broadcast %broadcast_in_dim3A_1047 : i32 to vector<16xi32>
      %gather3A_1049 = tpu.vector_load_idx %arg10[%add3A_1027, %broadcast_in_dim3A_1048] : memref<112x16xf32, #tpu.memory_space<vmem>>[vector<16xi32>, vector<16xi32>], vector<16xf32>,
      %add3A_1050 = arith.addf %add3A_1046, %gather3A_1049 : vector<16xf32>
      %broadcast_in_dim3A_1051 = arith.constant 6 : i32
      %broadcast_in_dim3A_1052 = vector.broadcast %broadcast_in_dim3A_1051 : i32 to vector<16xi32>
      %gather3A_1053 = tpu.vector_load_idx %arg10[%add3A_1027, %broadcast_in_dim3A_1052] : memref<112x16xf32, #tpu.memory_space<vmem>>[vector<16xi32>, vector<16xi32>], vector<16xf32>,
      %add3A_1054 = arith.addf %add3A_1050, %gather3A_1053 : vector<16xf32>
      %broadcast_in_dim3A_1055 = arith.constant 7 : i32
      %broadcast_in_dim3A_1056 = vector.broadcast %broadcast_in_dim3A_1055 : i32 to vector<16xi32>
      %gather3A_1057 = tpu.vector_load_idx %arg10[%add3A_1027, %broadcast_in_dim3A_1056] : memref<112x16xf32, #tpu.memory_space<vmem>>[vector<16xi32>, vector<16xi32>], vector<16xf32>,
      %add3A_1058 = arith.addf %add3A_1054, %gather3A_1057 : vector<16xf32>
      %broadcast_in_dim3A_1059 = arith.constant 8 : i32
      %broadcast_in_dim3A_1060 = vector.broadcast %broadcast_in_dim3A_1059 : i32 to vector<16xi32>
      %gather3A_1061 = tpu.vector_load_idx %arg10[%add3A_1027, %broadcast_in_dim3A_1060] : memref<112x16xf32, #tpu.memory_space<vmem>>[vector<16xi32>, vector<16xi32>], vector<16xf32>,
      %add3A_1062 = arith.addf %add3A_1058, %gather3A_1061 : vector<16xf32>
      %broadcast_in_dim3A_1063 = arith.constant 9 : i32
      %broadcast_in_dim3A_1064 = vector.broadcast %broadcast_in_dim3A_1063 : i32 to vector<16xi32>
      %gather3A_1065 = tpu.vector_load_idx %arg10[%add3A_1027, %broadcast_in_dim3A_1064] : memref<112x16xf32, #tpu.memory_space<vmem>>[vector<16xi32>, vector<16xi32>], vector<16xf32>,
      %add3A_1066 = arith.addf %add3A_1062, %gather3A_1065 : vector<16xf32>
      %broadcast_in_dim3A_1067 = arith.constant 10 : i32
      %broadcast_in_dim3A_1068 = vector.broadcast %broadcast_in_dim3A_1067 : i32 to vector<16xi32>
      %gather3A_1069 = tpu.vector_load_idx %arg10[%add3A_1027, %broadcast_in_dim3A_1068] : memref<112x16xf32, #tpu.memory_space<vmem>>[vector<16xi32>, vector<16xi32>], vector<16xf32>,
      %add3A_1070 = arith.addf %add3A_1066, %gather3A_1069 : vector<16xf32>
      %broadcast_in_dim3A_1071 = arith.constant 11 : i32
      %broadcast_in_dim3A_1072 = vector.broadcast %broadcast_in_dim3A_1071 : i32 to vector<16xi32>
      %gather3A_1073 = tpu.vector_load_idx %arg10[%add3A_1027, %broadcast_in_dim3A_1072] : memref<112x16xf32, #tpu.memory_space<vmem>>[vector<16xi32>, vector<16xi32>], vector<16xf32>,
      %add3A_1074 = arith.addf %add3A_1070, %gather3A_1073 : vector<16xf32>
      %broadcast_in_dim3A_1075 = arith.constant 12 : i32
      %broadcast_in_dim3A_1076 = vector.broadcast %broadcast_in_dim3A_1075 : i32 to vector<16xi32>
      %gather3A_1077 = tpu.vector_load_idx %arg10[%add3A_1027, %broadcast_in_dim3A_1076] : memref<112x16xf32, #tpu.memory_space<vmem>>[vector<16xi32>, vector<16xi32>], vector<16xf32>,
      %add3A_1078 = arith.addf %add3A_1074, %gather3A_1077 : vector<16xf32>
      %broadcast_in_dim3A_1079 = arith.constant 13 : i32
      %broadcast_in_dim3A_1080 = vector.broadcast %broadcast_in_dim3A_1079 : i32 to vector<16xi32>
      %gather3A_1081 = tpu.vector_load_idx %arg10[%add3A_1027, %broadcast_in_dim3A_1080] : memref<112x16xf32, #tpu.memory_space<vmem>>[vector<16xi32>, vector<16xi32>], vector<16xf32>,
      %add3A_1082 = arith.addf %add3A_1078, %gather3A_1081 : vector<16xf32>
      %broadcast_in_dim3A_1083 = arith.constant 14 : i32
      %broadcast_in_dim3A_1084 = vector.broadcast %broadcast_in_dim3A_1083 : i32 to vector<16xi32>
      %gather3A_1085 = tpu.vector_load_idx %arg10[%add3A_1027, %broadcast_in_dim3A_1084] : memref<112x16xf32, #tpu.memory_space<vmem>>[vector<16xi32>, vector<16xi32>], vector<16xf32>,
      %add3A_1086 = arith.addf %add3A_1082, %gather3A_1085 : vector<16xf32>
      %broadcast_in_dim3A_1087 = arith.constant 15 : i32
      %broadcast_in_dim3A_1088 = vector.broadcast %broadcast_in_dim3A_1087 : i32 to vector<16xi32>
      %gather3A_1089 = tpu.vector_load_idx %arg10[%add3A_1027, %broadcast_in_dim3A_1088] : memref<112x16xf32, #tpu.memory_space<vmem>>[vector<16xi32>, vector<16xi32>], vector<16xf32>,
      %add3A_1090 = arith.addf %add3A_1086, %gather3A_1089 : vector<16xf32>
      %swap3A_1091 = arith.constant 80 : index
      %swap3A_1092 = tpu.vector_load %arg9[%swap3A_1091] {strides = array<i32>} : memref<112xf32, #tpu.memory_space<vmem>>, vector<16xf32>,
      tpu.vector_store %arg9[%swap3A_1091], %add3A_1090 {strides = array<i32>} : memref<112xf32, #tpu.memory_space<vmem>>, vector<16xf32>,
      %add3A_1093 = arith.constant 96 : i32
      %add3A_1094 = vector.broadcast %add3A_1093 : i32 to vector<16xi32>
      %add3A_1095 = arith.addi %iota3A_684, %add3A_1094 : vector<16xi32>
      %broadcast_in_dim3A_1096 = arith.constant 0 : i32
      %broadcast_in_dim3A_1097 = vector.broadcast %broadcast_in_dim3A_1096 : i32 to vector<16xi32>
      %gather3A_1098 = tpu.vector_load_idx %arg10[%add3A_1095, %broadcast_in_dim3A_1097] : memref<112x16xf32, #tpu.memory_space<vmem>>[vector<16xi32>, vector<16xi32>], vector<16xf32>,
      %broadcast_in_dim3A_1099 = arith.constant 1 : i32
      %broadcast_in_dim3A_1100 = vector.broadcast %broadcast_in_dim3A_1099 : i32 to vector<16xi32>
      %gather3A_1101 = tpu.vector_load_idx %arg10[%add3A_1095, %broadcast_in_dim3A_1100] : memref<112x16xf32, #tpu.memory_space<vmem>>[vector<16xi32>, vector<16xi32>], vector<16xf32>,
      %add3A_1102 = arith.addf %gather3A_1098, %gather3A_1101 : vector<16xf32>
      %broadcast_in_dim3A_1103 = arith.constant 2 : i32
      %broadcast_in_dim3A_1104 = vector.broadcast %broadcast_in_dim3A_1103 : i32 to vector<16xi32>
      %gather3A_1105 = tpu.vector_load_idx %arg10[%add3A_1095, %broadcast_in_dim3A_1104] : memref<112x16xf32, #tpu.memory_space<vmem>>[vector<16xi32>, vector<16xi32>], vector<16xf32>,
      %add3A_1106 = arith.addf %add3A_1102, %gather3A_1105 : vector<16xf32>
      %broadcast_in_dim3A_1107 = arith.constant 3 : i32
      %broadcast_in_dim3A_1108 = vector.broadcast %broadcast_in_dim3A_1107 : i32 to vector<16xi32>
      %gather3A_1109 = tpu.vector_load_idx %arg10[%add3A_1095, %broadcast_in_dim3A_1108] : memref<112x16xf32, #tpu.memory_space<vmem>>[vector<16xi32>, vector<16xi32>], vector<16xf32>,
      %add3A_1110 = arith.addf %add3A_1106, %gather3A_1109 : vector<16xf32>
      %broadcast_in_dim3A_1111 = arith.constant 4 : i32
      %broadcast_in_dim3A_1112 = vector.broadcast %broadcast_in_dim3A_1111 : i32 to vector<16xi32>
      %gather3A_1113 = tpu.vector_load_idx %arg10[%add3A_1095, %broadcast_in_dim3A_1112] : memref<112x16xf32, #tpu.memory_space<vmem>>[vector<16xi32>, vector<16xi32>], vector<16xf32>,
      %add3A_1114 = arith.addf %add3A_1110, %gather3A_1113 : vector<16xf32>
      %broadcast_in_dim3A_1115 = arith.constant 5 : i32
      %broadcast_in_dim3A_1116 = vector.broadcast %broadcast_in_dim3A_1115 : i32 to vector<16xi32>
      %gather3A_1117 = tpu.vector_load_idx %arg10[%add3A_1095, %broadcast_in_dim3A_1116] : memref<112x16xf32, #tpu.memory_space<vmem>>[vector<16xi32>, vector<16xi32>], vector<16xf32>,
      %add3A_1118 = arith.addf %add3A_1114, %gather3A_1117 : vector<16xf32>
      %broadcast_in_dim3A_1119 = arith.constant 6 : i32
      %broadcast_in_dim3A_1120 = vector.broadcast %broadcast_in_dim3A_1119 : i32 to vector<16xi32>
      %gather3A_1121 = tpu.vector_load_idx %arg10[%add3A_1095, %broadcast_in_dim3A_1120] : memref<112x16xf32, #tpu.memory_space<vmem>>[vector<16xi32>, vector<16xi32>], vector<16xf32>,
      %add3A_1122 = arith.addf %add3A_1118, %gather3A_1121 : vector<16xf32>
      %broadcast_in_dim3A_1123 = arith.constant 7 : i32
      %broadcast_in_dim3A_1124 = vector.broadcast %broadcast_in_dim3A_1123 : i32 to vector<16xi32>
      %gather3A_1125 = tpu.vector_load_idx %arg10[%add3A_1095, %broadcast_in_dim3A_1124] : memref<112x16xf32, #tpu.memory_space<vmem>>[vector<16xi32>, vector<16xi32>], vector<16xf32>,
      %add3A_1126 = arith.addf %add3A_1122, %gather3A_1125 : vector<16xf32>
      %broadcast_in_dim3A_1127 = arith.constant 8 : i32
      %broadcast_in_dim3A_1128 = vector.broadcast %broadcast_in_dim3A_1127 : i32 to vector<16xi32>
      %gather3A_1129 = tpu.vector_load_idx %arg10[%add3A_1095, %broadcast_in_dim3A_1128] : memref<112x16xf32, #tpu.memory_space<vmem>>[vector<16xi32>, vector<16xi32>], vector<16xf32>,
      %add3A_1130 = arith.addf %add3A_1126, %gather3A_1129 : vector<16xf32>
      %broadcast_in_dim3A_1131 = arith.constant 9 : i32
      %broadcast_in_dim3A_1132 = vector.broadcast %broadcast_in_dim3A_1131 : i32 to vector<16xi32>
      %gather3A_1133 = tpu.vector_load_idx %arg10[%add3A_1095, %broadcast_in_dim3A_1132] : memref<112x16xf32, #tpu.memory_space<vmem>>[vector<16xi32>, vector<16xi32>], vector<16xf32>,
      %add3A_1134 = arith.addf %add3A_1130, %gather3A_1133 : vector<16xf32>
      %broadcast_in_dim3A_1135 = arith.constant 10 : i32
      %broadcast_in_dim3A_1136 = vector.broadcast %broadcast_in_dim3A_1135 : i32 to vector<16xi32>
      %gather3A_1137 = tpu.vector_load_idx %arg10[%add3A_1095, %broadcast_in_dim3A_1136] : memref<112x16xf32, #tpu.memory_space<vmem>>[vector<16xi32>, vector<16xi32>], vector<16xf32>,
      %add3A_1138 = arith.addf %add3A_1134, %gather3A_1137 : vector<16xf32>
      %broadcast_in_dim3A_1139 = arith.constant 11 : i32
      %broadcast_in_dim3A_1140 = vector.broadcast %broadcast_in_dim3A_1139 : i32 to vector<16xi32>
      %gather3A_1141 = tpu.vector_load_idx %arg10[%add3A_1095, %broadcast_in_dim3A_1140] : memref<112x16xf32, #tpu.memory_space<vmem>>[vector<16xi32>, vector<16xi32>], vector<16xf32>,
      %add3A_1142 = arith.addf %add3A_1138, %gather3A_1141 : vector<16xf32>
      %broadcast_in_dim3A_1143 = arith.constant 12 : i32
      %broadcast_in_dim3A_1144 = vector.broadcast %broadcast_in_dim3A_1143 : i32 to vector<16xi32>
      %gather3A_1145 = tpu.vector_load_idx %arg10[%add3A_1095, %broadcast_in_dim3A_1144] : memref<112x16xf32, #tpu.memory_space<vmem>>[vector<16xi32>, vector<16xi32>], vector<16xf32>,
      %add3A_1146 = arith.addf %add3A_1142, %gather3A_1145 : vector<16xf32>
      %broadcast_in_dim3A_1147 = arith.constant 13 : i32
      %broadcast_in_dim3A_1148 = vector.broadcast %broadcast_in_dim3A_1147 : i32 to vector<16xi32>
      %gather3A_1149 = tpu.vector_load_idx %arg10[%add3A_1095, %broadcast_in_dim3A_1148] : memref<112x16xf32, #tpu.memory_space<vmem>>[vector<16xi32>, vector<16xi32>], vector<16xf32>,
      %add3A_1150 = arith.addf %add3A_1146, %gather3A_1149 : vector<16xf32>
      %broadcast_in_dim3A_1151 = arith.constant 14 : i32
      %broadcast_in_dim3A_1152 = vector.broadcast %broadcast_in_dim3A_1151 : i32 to vector<16xi32>
      %gather3A_1153 = tpu.vector_load_idx %arg10[%add3A_1095, %broadcast_in_dim3A_1152] : memref<112x16xf32, #tpu.memory_space<vmem>>[vector<16xi32>, vector<16xi32>], vector<16xf32>,
      %add3A_1154 = arith.addf %add3A_1150, %gather3A_1153 : vector<16xf32>
      %broadcast_in_dim3A_1155 = arith.constant 15 : i32
      %broadcast_in_dim3A_1156 = vector.broadcast %broadcast_in_dim3A_1155 : i32 to vector<16xi32>
      %gather3A_1157 = tpu.vector_load_idx %arg10[%add3A_1095, %broadcast_in_dim3A_1156] : memref<112x16xf32, #tpu.memory_space<vmem>>[vector<16xi32>, vector<16xi32>], vector<16xf32>,
      %add3A_1158 = arith.addf %add3A_1154, %gather3A_1157 : vector<16xf32>
      %swap3A_1159 = arith.constant 96 : index
      %swap3A_1160 = tpu.vector_load %arg9[%swap3A_1159] {strides = array<i32>} : memref<112xf32, #tpu.memory_space<vmem>>, vector<16xf32>,
      tpu.vector_store %arg9[%swap3A_1159], %add3A_1158 {strides = array<i32>} : memref<112xf32, #tpu.memory_space<vmem>>, vector<16xf32>,
      %add3A_1161 = arith.addi %mul3A_2, %add3A_34 : i32
      %mul3A_1162 = arith.constant 112 : i32
      %mul3A_1163 = arith.muli %add3A_1161, %mul3A_1162 : i32
      %dma_start3A_1164 = tpu.memref_slice %arg4[%mul3A_1163] : memref<566272xf32, #tpu.memory_space<hbm>> -> memref<112xf32, #tpu.memory_space<hbm>>
      %dma_start3A_1165 = tpu.memref_slice %arg4[%mul3A_1163] : memref<566272xf32, #tpu.memory_space<hbm>> -> memref<112xf32, #tpu.memory_space<hbm>>
      tpu.enqueue_dma source(%arg9 : memref<112xf32, #tpu.memory_space<vmem>>) target(%dma_start3A_1165 : memref<112xf32, #tpu.memory_space<hbm>>) target_semaphore(%arg14 : memref<!tpu.dma_semaphore, #tpu.memory_space<semaphore_mem>>)
    }
    %scan3A_17 = arith.constant 79 : i32
    %mul3A_18 = arith.constant 112 : i32
    %mul3A_19 = arith.muli %mul3A_2, %mul3A_18 : i32
    %dma_wait3A_20 = tpu.memref_slice %arg4[%mul3A_19] : memref<566272xf32, #tpu.memory_space<hbm>> -> memref<112xf32, #tpu.memory_space<hbm>>
    %dma_wait3A_21 = tpu.memref_slice %arg4[%mul3A_19] : memref<566272xf32, #tpu.memory_space<hbm>> -> memref<112xf32, #tpu.memory_space<hbm>>
    tpu.wait_dma2 semaphore(%arg13 : memref<!tpu.dma_semaphore, #tpu.memory_space<semaphore_mem>>) src(%arg8 : memref<112xf32, #tpu.memory_space<vmem>>) dst(%dma_wait3A_21 : memref<112xf32, #tpu.memory_space<hbm>>)
    %mul3A_22 = arith.constant 112 : i32
    %mul3A_23 = arith.muli %mul3A_2, %mul3A_22 : i32
    %dma_wait3A_24 = tpu.memref_slice %arg4[%mul3A_23] : memref<566272xf32, #tpu.memory_space<hbm>> -> memref<112xf32, #tpu.memory_space<hbm>>
    %dma_wait3A_25 = tpu.memref_slice %arg4[%mul3A_23] : memref<566272xf32, #tpu.memory_space<hbm>> -> memref<112xf32, #tpu.memory_space<hbm>>
    tpu.wait_dma2 semaphore(%arg14 : memref<!tpu.dma_semaphore, #tpu.memory_space<semaphore_mem>>) src(%arg9 : memref<112xf32, #tpu.memory_space<vmem>>) dst(%dma_wait3A_25 : memref<112xf32, #tpu.memory_space<hbm>>)
    return
  }
}

module attributes {stable_mosaic.version = 14 : i64} {
  func.func @_normalize_body(%arg0: i32, %arg1: memref<1000x128xf32, #tpu.memory_space<vmem>>, %arg2: memref<1000x128xf32, #tpu.memory_space<vmem>>) attributes {dimension_semantics = [#tpu.dimension_semantics<arbitrary>], iteration_bounds = array<i64: 10>, scalar_prefetch = 0 : i64, scratch_operands = 0 : i64, tpu.core_type = #tpu.core_type<tc>, window_params = [{transform_indices = @transform_0, window_bounds = array<i64: 1000, 128>}, {transform_indices = @transform_1, window_bounds = array<i64: 1000, 128>}]} {
    %get3A = arith.constant 0 : index
    %get3A_0 = arith.constant 0 : index
    %get3A_1 = vector.load %arg1[%get3A, %get3A_0] : memref<1000x128xf32, #tpu.memory_space<vmem>>, vector<1000x128xf32>
    %mul3A = arith.mulf %get3A_1, %get3A_1 : vector<1000x128xf32>
    %reduce_sum3A = arith.constant dense<0.000000e+00> : vector<1000xf32>
    %reduce_sum3A_2 = vector.multi_reduction <add>, %mul3A, %reduce_sum3A [1] : vector<1000x128xf32> to vector<1000xf32>
    %broadcast_in_dim3A = vector.shape_cast %reduce_sum3A_2 : vector<1000xf32> to vector<1000x1xf32>
    %sqrt3A = math.sqrt %broadcast_in_dim3A : vector<1000x1xf32>
    %max3A = arith.constant 9.99999993E-9 : f32
    %max3A_3 = vector.broadcast %max3A : f32 to vector<1000x1xf32>
    %max3A_4 = arith.maximumf %sqrt3A, %max3A_3 : vector<1000x1xf32>
    %div3A = vector.broadcast %max3A_4 : vector<1000x1xf32> to vector<1000x128xf32>
    %div3A_5 = arith.divf %get3A_1, %div3A : vector<1000x128xf32>
    %swap3A = arith.constant 0 : index
    %swap3A_6 = arith.constant 0 : index
    %swap3A_7 = vector.load %arg2[%swap3A, %swap3A_6] : memref<1000x128xf32, #tpu.memory_space<vmem>>, vector<1000x128xf32>
    tpu.vector_store %arg2[%swap3A, %swap3A_6], %div3A_5 {strides = array<i32>} : memref<1000x128xf32, #tpu.memory_space<vmem>>, vector<1000x128xf32>,
    return
  }
  func.func @transform_0(%arg0: i32) -> (i32, i32) {
    %c0_i32 = arith.constant 0 : i32
    %c0_i32_0 = arith.constant 0 : i32
    return %arg0, %c0_i32 : i32, i32
  }
  func.func @transform_1(%arg0: i32) -> (i32, i32) {
    %c0_i32 = arith.constant 0 : i32
    %c0_i32_0 = arith.constant 0 : i32
    return %arg0, %c0_i32 : i32, i32
  }
}

module attributes {stable_mosaic.version = 14 : i64} {
  func.func @_loss_body(%arg0: i32, %arg1: memref<632x112xf32, #tpu.memory_space<vmem>>, %arg2: memref<1x1xf32, #tpu.memory_space<vmem>>) attributes {dimension_semantics = [#tpu.dimension_semantics<arbitrary>], iteration_bounds = array<i64: 8>, scalar_prefetch = 0 : i64, scratch_operands = 0 : i64, tpu.core_type = #tpu.core_type<tc>, window_params = [{transform_indices = @transform_0, window_bounds = array<i64: 632, 112>}, {pipeline_mode = #tpu.pipeline_mode<synchronous>, transform_indices = @transform_1, window_bounds = array<i64: 1, 1>}]} {
    %get3A = arith.constant 0 : index
    %get3A_0 = arith.constant 0 : index
    %get3A_1 = vector.load %arg1[%get3A, %get3A_0] : memref<632x112xf32, #tpu.memory_space<vmem>>, vector<632x112xf32>
    %mul3A = arith.constant 632 : i32
    %mul3A_2 = arith.muli %arg0, %mul3A : i32
    %iota3A = tpu.iota {dimensions = array<i32: 0>} : vector<632x1xi32>
    %add3A = vector.broadcast %mul3A_2 : i32 to vector<632x1xi32>
    %add3A_3 = arith.addi %add3A, %iota3A : vector<632x1xi32>
    %mul3A_4 = arith.constant 2 : i32
    %mul3A_5 = vector.broadcast %mul3A_4 : i32 to vector<632x1xi32>
    %mul3A_6 = arith.muli %mul3A_5, %add3A_3 : vector<632x1xi32>
    %slice3A = vector.extract_strided_slice %get3A_1 {offsets = [0, 1], sizes = [632, 1], strides = [1, 1]} : vector<632x112xf32> to vector<632x1xf32>
    %slice3A_7 = vector.extract_strided_slice %get3A_1 {offsets = [0, 2], sizes = [632, 50], strides = [1, 1]} : vector<632x112xf32> to vector<632x50xf32>
    %exp3A = math.exp %slice3A_7 : vector<632x50xf32>
    %reduce_sum3A = arith.constant dense<0.000000e+00> : vector<632xf32>
    %reduce_sum3A_8 = vector.multi_reduction <add>, %exp3A, %reduce_sum3A [1] : vector<632x50xf32> to vector<632xf32>
    %broadcast_in_dim3A = vector.shape_cast %reduce_sum3A_8 : vector<632xf32> to vector<632x1xf32>
    %add3A_9 = arith.constant 9.99999993E-9 : f32
    %add3A_10 = vector.broadcast %add3A_9 : f32 to vector<632x1xf32>
    %add3A_11 = arith.addf %broadcast_in_dim3A, %add3A_10 : vector<632x1xf32>
    %log3A = math.log %add3A_11 : vector<632x1xf32>
    %sub3A = arith.subf %log3A, %slice3A : vector<632x1xf32>
    %lt3A = arith.constant 10000 : i32
    %lt3A_12 = vector.broadcast %lt3A : i32 to vector<632x1xi32>
    %lt3A_13 = arith.cmpi slt, %mul3A_6, %lt3A_12 : vector<632x1xi32>
    %jit3A = arith.constant 0.000000e+00 : f32
    %broadcast_in_dim3A_14 = vector.broadcast %jit3A : f32 to vector<632x1xf32>
    %select_n3A = arith.select %lt3A_13, %sub3A, %broadcast_in_dim3A_14 : vector<632x1xi1>, vector<632x1xf32>
    %reduce_sum3A_15 = vector.shape_cast %select_n3A : vector<632x1xf32> to vector<1x632x1xf32>
    %reduce_sum3A_16 = arith.constant dense<0.000000e+00> : vector<1xf32>
    %reduce_sum3A_17 = vector.multi_reduction <add>, %reduce_sum3A_15, %reduce_sum3A_16 [1, 2] : vector<1x632x1xf32> to vector<1xf32>
    %reduce_sum3A_18 = vector.shape_cast %reduce_sum3A_17 : vector<1xf32> to vector<1x1x1xf32>
    %reduce_sum3A_19 = vector.extract %reduce_sum3A_18[0, 0, 0] : f32 from vector<1x1x1xf32>
    %mul3A_20 = arith.constant 2 : i32
    %mul3A_21 = vector.broadcast %mul3A_20 : i32 to vector<632x1xi32>
    %mul3A_22 = arith.muli %mul3A_21, %add3A_3 : vector<632x1xi32>
    %add3A_23 = arith.constant 1 : i32
    %add3A_24 = vector.broadcast %add3A_23 : i32 to vector<632x1xi32>
    %add3A_25 = arith.addi %mul3A_22, %add3A_24 : vector<632x1xi32>
    %slice3A_26 = vector.extract_strided_slice %get3A_1 {offsets = [0, 53], sizes = [632, 1], strides = [1, 1]} : vector<632x112xf32> to vector<632x1xf32>
    %slice3A_27 = vector.extract_strided_slice %get3A_1 {offsets = [0, 54], sizes = [632, 50], strides = [1, 1]} : vector<632x112xf32> to vector<632x50xf32>
    %exp3A_28 = math.exp %slice3A_27 : vector<632x50xf32>
    %reduce_sum3A_29 = arith.constant dense<0.000000e+00> : vector<632xf32>
    %reduce_sum3A_30 = vector.multi_reduction <add>, %exp3A_28, %reduce_sum3A_29 [1] : vector<632x50xf32> to vector<632xf32>
    %broadcast_in_dim3A_31 = vector.shape_cast %reduce_sum3A_30 : vector<632xf32> to vector<632x1xf32>
    %add3A_32 = arith.constant 9.99999993E-9 : f32
    %add3A_33 = vector.broadcast %add3A_32 : f32 to vector<632x1xf32>
    %add3A_34 = arith.addf %broadcast_in_dim3A_31, %add3A_33 : vector<632x1xf32>
    %log3A_35 = math.log %add3A_34 : vector<632x1xf32>
    %sub3A_36 = arith.subf %log3A_35, %slice3A_26 : vector<632x1xf32>
    %lt3A_37 = arith.constant 10000 : i32
    %lt3A_38 = vector.broadcast %lt3A_37 : i32 to vector<632x1xi32>
    %lt3A_39 = arith.cmpi slt, %add3A_25, %lt3A_38 : vector<632x1xi32>
    %jit3A_40 = arith.constant 0.000000e+00 : f32
    %broadcast_in_dim3A_41 = vector.broadcast %jit3A_40 : f32 to vector<632x1xf32>
    %select_n3A_42 = arith.select %lt3A_39, %sub3A_36, %broadcast_in_dim3A_41 : vector<632x1xi1>, vector<632x1xf32>
    %reduce_sum3A_43 = vector.shape_cast %select_n3A_42 : vector<632x1xf32> to vector<1x632x1xf32>
    %reduce_sum3A_44 = arith.constant dense<0.000000e+00> : vector<1xf32>
    %reduce_sum3A_45 = vector.multi_reduction <add>, %reduce_sum3A_43, %reduce_sum3A_44 [1, 2] : vector<1x632x1xf32> to vector<1xf32>
    %reduce_sum3A_46 = vector.shape_cast %reduce_sum3A_45 : vector<1xf32> to vector<1x1x1xf32>
    %reduce_sum3A_47 = vector.extract %reduce_sum3A_46[0, 0, 0] : f32 from vector<1x1x1xf32>
    %add3A_48 = arith.addf %reduce_sum3A_19, %reduce_sum3A_47 : f32
    %eq3A = arith.constant 0 : i32
    %eq3A_49 = arith.cmpi eq, %arg0, %eq3A : i32
    %convert_element_type3A = arith.extui %eq3A_49 : i1 to i32
    %cond3A = arith.constant 0 : i32
    %cond3A_50 = arith.cmpi ne, %convert_element_type3A, %cond3A : i32
    scf.if %cond3A_50 {
      %broadcast_in_dim3A_63 = arith.constant 0.000000e+00 : f32
      %broadcast_in_dim3A_64 = vector.broadcast %broadcast_in_dim3A_63 : f32 to vector<1x1xf32>
      %swap3A_65 = arith.constant 0 : index
      %swap3A_66 = arith.constant 0 : index
      %swap3A_67 = vector.load %arg2[%swap3A_65, %swap3A_66] : memref<1x1xf32, #tpu.memory_space<vmem>>, vector<1x1xf32>
      tpu.vector_store %arg2[%swap3A_65, %swap3A_66], %broadcast_in_dim3A_64 {strides = array<i32>} : memref<1x1xf32, #tpu.memory_space<vmem>>, vector<1x1xf32>,
    } else {
    }
    %get3A_51 = arith.constant 0 : index
    %get3A_52 = arith.constant 0 : index
    %get3A_53 = vector.load %arg2[%get3A_51, %get3A_52] : memref<1x1xf32, #tpu.memory_space<vmem>>, vector<1x1xf32>
    %add3A_54 = vector.broadcast %add3A_48 : f32 to vector<1x1xf32>
    %add3A_55 = arith.addf %get3A_53, %add3A_54 : vector<1x1xf32>
    %swap3A = arith.constant 0 : index
    %swap3A_56 = arith.constant 0 : index
    %swap3A_57 = vector.load %arg2[%swap3A, %swap3A_56] : memref<1x1xf32, #tpu.memory_space<vmem>>, vector<1x1xf32>
    tpu.vector_store %arg2[%swap3A, %swap3A_56], %add3A_55 {strides = array<i32>} : memref<1x1xf32, #tpu.memory_space<vmem>>, vector<1x1xf32>,
    %eq3A_58 = arith.constant 7 : i32
    %eq3A_59 = arith.cmpi eq, %arg0, %eq3A_58 : i32
    %convert_element_type3A_60 = arith.extui %eq3A_59 : i1 to i32
    %cond3A_61 = arith.constant 0 : i32
    %cond3A_62 = arith.cmpi ne, %convert_element_type3A_60, %cond3A_61 : i32
    scf.if %cond3A_62 {
      %get3A_63 = arith.constant 0 : index
      %get3A_64 = arith.constant 0 : index
      %get3A_65 = vector.load %arg2[%get3A_63, %get3A_64] : memref<1x1xf32, #tpu.memory_space<vmem>>, vector<1x1xf32>
      %div3A = arith.constant 1.000000e+04 : f32
      %div3A_66 = vector.broadcast %div3A : f32 to vector<1x1xf32>
      %div3A_67 = arith.divf %get3A_65, %div3A_66 : vector<1x1xf32>
      %swap3A_68 = arith.constant 0 : index
      %swap3A_69 = arith.constant 0 : index
      %swap3A_70 = vector.load %arg2[%swap3A_68, %swap3A_69] : memref<1x1xf32, #tpu.memory_space<vmem>>, vector<1x1xf32>
      tpu.vector_store %arg2[%swap3A_68, %swap3A_69], %div3A_67 {strides = array<i32>} : memref<1x1xf32, #tpu.memory_space<vmem>>, vector<1x1xf32>,
    } else {
    }
    return
  }
  func.func @transform_0(%arg0: i32) -> (i32, i32) {
    %c0_i32 = arith.constant 0 : i32
    %c0_i32_0 = arith.constant 0 : i32
    return %arg0, %c0_i32 : i32, i32
  }
  func.func @transform_1(%arg0: i32) -> (i32, i32) {
    %c0_i32 = arith.constant 0 : i32
    %c0_i32_0 = arith.constant 0 : i32
    %c0_i32_1 = arith.constant 0 : i32
    return %c0_i32, %c0_i32_0 : i32, i32
  }
}

</mosaic_0001>

<sc_bundles>
// kernel: kernel.5.cloned.1.call-start
scs
__scs_entry_jumppad:
0x0: {  	(pc) =	sbr.rel $0x88, $3  }
0x1: {  	(tag) =	ssettag $0x0;
	lr =	simm.s32 $0x1  }
0x2: {  	[smem:$0x3F9F] =	sst lr;
	_ =	strace $0xD0000000  }
0x3: {  	_ = 	snop  }
0x4: {  	_ = 	snop  }
0x5: {  	_ = 	snop  }
0x6: {  	_ = 	snop  }
0x7: {  	_ = 	snop  }
__scs_overlays_trampoline_lowered:
0x8: {  	[smem:$0x3FAE] =	sst s0  }
0x9: {  	[smem:$0x3FAF] =	sst s1  }
0xa: {  	[smem:$0x3FB0] =	sst s2  }
0xb: {  	[smem:$0x3FB1] =	sst s3  }
0xc: {  	[smem:$0x3FB2] =	sst s4  }
0xd: {  	[smem:$0x3FB3] =	sst s5  }
0xe: {  	[smem:$0x3FB4] =	sst s6  }
0xf: {  	[smem:$0x3FB5] =	sst s7  }
0x10: {  	[smem:$0x3FB6] =	sst s8  }
0x11: {  	[smem:$0x3FB7] =	sst s9;
	s0 =	simm.s32 @!p0 $0x0  }
0x12: {  	s1 =	sld [smem:$0x3F9D];
	s0 =	simm.s32 @p0 $0x1  }
0x13: {  	[smem:$0x3FB8] =	sst s0;
	s0 =	simm.s32 @!p1 $0x0  }
0x14: {  	s2 =	sld [smem:$0x3F9C];
	s0 =	simm.s32 @p1 $0x1  }
0x15: {  	[smem:$0x3FB9] =	sst s0;
	s0 =	simm.s32 @!p2 $0x0  }
0x16: {  	s3 =	sld [smem:$0x3FDB];
	s0 =	simm.s32 @p2 $0x1  }
0x17: {  	s4 =	simm.s32 $0x1BF5;
	[smem:$0x3FBB] =	sst s0  }
0x18: {  	s0 =	sld [smem:$0x3F9E];
	_ =	swait.ge [sflag:s4], $0x0  }
0x19: {  	s7 =	sld [smem:$0x3F9F]  }
0x1a: {  	s8 =	sadd.s32 $0xFFFFE003, lr  }
0x1b: {  	s9 =	sadd.s32 $0xFFFFFEF7, lr;
	s5 =	simm.s32 $0xFFFFFFFF;
	p2 =	slt.u32 s8, $0xFFFFF086  }
0x1c: {  	p1 =	slt.u32 s9, $0xF7A;
	s5 =	simm.s32 @!p2 $0x0  }
0x1d: {  	s5 =	simm.s32 @p1 $0x1;
	p0 =	seq.s32 s7, s2  }
0x1e: {  	s7 =	smul.u32 @!p0 $0xF7A, s2;
	p2 =	seq.s32 @!p0 s5, $0x0  }
0x1f: {  	s9 =	smul.u32 $0xF7A, s1;
	s8 =	simm.s32 @!p0 $0x1BF5;
	p2 =	por !p2, p0  }
0x20: {  	[sflag:s8] =	ssyncset.s32 @!p0 $0xFFFFF086;
	s6 =	sadd.s32 @!p0 s3, s7;
	s7 =	simm.s32 @!p0 $0x108  }
0x21: {  	s3 =	sadd.s32 s3, s9;
	s6 =	sadd.s32 @!p0 $0x88, s6;
	s7 =	simm.s32 @p2 $0x1082  }
0x22: {  	[simem:s7], [sflag:s8] =	dma.local @!p0 [hbm:s6], $0xF7A  }
0x23: {  	s9 =	sor.u32 $0xD0000000, s2;
	s6 =	simm.s32 $0x108;
	_ =	swait.ge @!p0 [sflag:s8], $0x0  }
0x24: {  	s3 =	sadd.s32 $0x88, s3;
	s6 =	simm.s32 @!p1 $0x1082;
	[sflag:s4] =	ssyncset.s32 $0xFFFFF086  }
0x25: {  	[simem:s6], [sflag:s4] =	dma.local [hbm:s3], $0xF7A  }
0x26: {  	[smem:$0x3F9F] =	sst s1;
	(tag) =	ssettag s2;
	_ =	strace s9  }
0x27: {  	s1 =	sld [smem:$0x3FAF]  }
0x28: {  	s2 =	sld [smem:$0x3FB0]  }
0x29: {  	s4 =	sld [smem:$0x3FB2]  }
0x2a: {  	p0 =	seq.s32 s5, $0x0;
	s5 =	sld [smem:$0x3FB3]  }
0x2b: {  	s6 =	sld [smem:$0x3FB4]  }
0x2c: {  	s7 =	sld [smem:$0x3FB5]  }
0x2d: {  	s3 =	simm.s32 $0x108;
	s8 =	sld [smem:$0x3FB6]  }
0x2e: {  	s3 =	simm.s32 @!p0 $0x1082;
	s9 =	sld [smem:$0x3FB7]  }
0x2f: {  	lr =	sadd.s32 s0, s3;
	s0 =	sld [smem:$0x3FAE]  }
0x30: {  	s3 =	sld [smem:$0x3FB1]  }
0x31: {  	[smem:$0x3FBA] =	sst s10  }
0x32: {  	s10 =	sld [smem:$0x3FB8];
	_ =	sdelay $0x3  }
0x33: {  	p0 =	seq.s32 s10, $0x1;
	s10 =	sld [smem:$0x3FBA];
	_ =	sdelay $0x3  }
0x34: {  	[smem:$0x3FBA] =	sst s10  }
0x35: {  	s10 =	sld [smem:$0x3FB9];
	_ =	sdelay $0x3  }
0x36: {  	p1 =	seq.s32 s10, $0x1;
	s10 =	sld [smem:$0x3FBA];
	_ =	sdelay $0x3  }
0x37: {  	[smem:$0x3FBA] =	sst s10  }
0x38: {  	s10 =	sld [smem:$0x3FBB]  }
0x39: {  	_ = 	snop;
	(pc) =	sbr.ind lr, $3  }
0x3a: {  	_ = 	snop  }
0x3b: {  	_ = 	snop  }
0x3c: {  	p2 =	seq.s32 s10, $0x1;
	s10 =	sld [smem:$0x3FBA]  }
0x3d: {  	_ =	shalt  }
0x3e: {  	_ =	shalt  }
0x3f: {  	_ =	shalt  }
0x40: {  	_ =	shalt  }
0x41: {  	_ =	shalt  }
0x42: {  	_ =	shalt  }
0x43: {  	_ =	shalt  }
0x44: {  	_ =	shalt  }
0x45: {  	_ =	shalt  }
0x46: {  	_ =	shalt  }
0x47: {  	_ =	shalt  }
0x48: {  	_ =	shalt  }
0x49: {  	_ =	shalt  }
0x4a: {  	_ =	shalt  }
0x4b: {  	_ =	shalt  }
0x4c: {  	_ =	shalt  }
0x4d: {  	_ =	shalt  }
0x4e: {  	_ =	shalt  }
0x4f: {  	_ =	shalt  }
0x50: {  	_ =	shalt  }
0x51: {  	_ =	shalt  }
0x52: {  	_ =	shalt  }
0x53: {  	_ =	shalt  }
0x54: {  	_ =	shalt  }
0x55: {  	_ =	shalt  }
0x56: {  	_ =	shalt  }
0x57: {  	_ =	shalt  }
0x58: {  	_ =	shalt  }
0x59: {  	_ =	shalt  }
0x5a: {  	_ =	shalt  }
0x5b: {  	_ =	shalt  }
0x5c: {  	_ =	shalt  }
0x5d: {  	_ =	shalt  }
0x5e: {  	_ =	shalt  }
0x5f: {  	_ =	shalt  }
0x60: {  	_ =	shalt  }
0x61: {  	_ =	shalt  }
0x62: {  	_ =	shalt  }
0x63: {  	_ =	shalt  }
0x64: {  	_ =	shalt  }
0x65: {  	_ =	shalt  }
0x66: {  	_ =	shalt  }
0x67: {  	_ =	shalt  }
0x68: {  	_ =	shalt  }
0x69: {  	_ =	shalt  }
0x6a: {  	_ =	shalt  }
0x6b: {  	_ =	shalt  }
0x6c: {  	_ =	shalt  }
0x6d: {  	_ =	shalt  }
0x6e: {  	_ =	shalt  }
0x6f: {  	_ =	shalt  }
0x70: {  	_ =	shalt  }
0x71: {  	_ =	shalt  }
0x72: {  	_ =	shalt  }
0x73: {  	_ =	shalt  }
0x74: {  	_ =	shalt  }
0x75: {  	_ =	shalt  }
0x76: {  	_ =	shalt  }
0x77: {  	_ =	shalt  }
0x78: {  	_ =	shalt  }
0x79: {  	_ =	shalt  }
0x7a: {  	_ =	shalt  }
0x7b: {  	_ =	shalt  }
0x7c: {  	_ =	shalt  }
0x7d: {  	_ =	shalt  }
0x7e: {  	_ =	shalt  }
0x7f: {  	_ =	shalt  }
0x80: {  	_ =	shalt  }
0x81: {  	_ =	shalt  }
0x82: {  	_ =	shalt  }
0x83: {  	_ =	shalt  }
0x84: {  	_ =	shalt  }
0x85: {  	_ =	shalt  }
0x86: {  	_ =	shalt  }
0x87: {  	_ =	shalt  }
.Lfunc_end0:
.L_simem_size_0:
called_computation_lowered:
.L_overlay_start_0:
0x88: {  	s2 =	sld [smem:$0x3FD9]  }
0x89: {  	s3 =	sld [smem:$0x3FFE];
	_ =	sdelay $0x1  }
0x8a: {  	s1 =	srdreg.scid  }
0x8b: {  	s0 =	sand.u32 $0x1, s1  }
0x8c: {  	s16 =	sshll.u32 s0, $0xA;
	s2 =	sadd.s32 s3, s2  }
0x8d: {  	s2 =	sadd.s32 s2, s16  }
0x8e: {  	[smem:$0x3FC6] =	sst s2  }
0x8f: {  	_ = 	snop  }
0x90: {  	(tm) =	ssettm $0x1  }
0x91: {  	s17 =	sld [smem:$0x3FFB];
	_ =	sdelay $0x3  }
0x92: {  	_ =	strace s17  }
0x93: {  	s2 =	sld [smem:$0x3FFC];
	_ =	sdelay $0x3  }
0x94: {  	_ =	strace s2  }
0x95: {  	s2 =	sld [smem:$0x3FFD];
	_ =	sdelay $0x3  }
0x96: {  	_ =	strace s2  }
0x97: {  	_ =	strace $0x8FFFFFFF  }
0x98: {  	s18 =	sld [smem:$0x3FDB];
	_ =	sdelay $0x1  }
0x99: {  	s19 =	simm.s32 $_scs_section_size  }
0x9a: {  	s4 =	simm.s32 $_size__tile_overlayer_lowered;
	s5 =	simm.s32 $_tile_overlayer_lowered  }
0x9b: {  	s22 =	simm.s32 $0x1BFF;
	s21 =	sshll.u32 s5, $0x1;
	s2 =	sadd.s32 s19, s18  }
0x9c: {  	s6 =	simm.s32 $0x0;
	s20 =	sshll.u32 s4, $0x1;
	s4 =	sadd.s32 s21, s2  }
0x9d: {  	[timem:s6], [sflag:s22] =	dma.local [hbm:s4], s20  }
0x9e: {  	_ =	swait.ge [sflag:s22], s20  }
0x9f: {  	s3 =	ssub.s32 $0x0, s20;
	[sflag:s22] =	ssyncset.done $0x0  }
0xa0: {  	[sflag:s22] =	ssyncadd.s32 s3;
	_ =	sdelay $0x1  }
0xa1: {  	s23 =	simm.s32 $0x1B8B  }
0xa2: {  	_ =	swait.ge [sflag:s23], $0x1  }
0xa3: {  	[sflag:s23] =	ssyncset.done $0x0  }
0xa4: {  	s25 =	simm.s32 $0x1B8E;
	s24 =	sld [smem:$0x3FFE];
	[sflag:s23] =	ssyncadd.s32 $0xFFFFFFFF  }
0xa5: {  	s26 =	simm.s32 $execute0_lowered;
	[smem:$0x3FD2] =	sst s25  }
0xa6: {  	s4 =	sshll.u32 s26, $0x1;
	_ =	strace $0x80000046;
	[dreg:$0x1] =	wrdreg $0xFFFFFFFF  }
0xa7: {  	s28 =	simm.s32 $_size_execute0_lowered;
	s2 =	sadd.s32 s2, s4;
	[dreg:$0x0] =	wrdreg $0x0  }
0xa8: {  	s4 =	sshll.u32 s28, $0x1;
	[dreg:$0x2] =	wrdreg s2  }
0xa9: {  	[dreg:$0x3] =	wrdreg s4  }
0xaa: {  	[dreg:$0x4] =	wrdreg $0xC0  }
0xab: {  	_ =	task [dreg:s6], $0x5FFFF  }
0xac: {  	[dreg:$0x1] =	wrdreg $0xFFFFFFFF  }
0xad: {  	[dreg:$0x0] =	wrdreg $0x60  }
0xae: {  	[dreg:$0x2] =	wrdreg s24  }
0xaf: {  	[dreg:$0x3] =	wrdreg $0x9  }
0xb0: {  	_ =	task.clear_ibuf [dreg:s6], $0x4FFFF;
	_ =	strace $0x90000046  }
0xb1: {  	s29 =	simm.s32 $0x9;
	_ =	strace $0x80000048  }
0xb2: {  	_ =	swait.ge [sflag:s29], $0x1  }
0xb3: {  	[sflag:s29] =	ssyncadd.s32 $0xFFFFFFFF  }
0xb4: {  	_ =	strace $0x90000048  }
0xb5: {  	_ =	sfence  }
0xb6: {  	s30 =	sld [smem:$0x0];
	_ =	sdelay $0x2  }
0xb7: {  	s31 =	sshll.u32 s1, $0xD;
	s1 =	sshrl.u32 s1, $0x2  }
0xb8: {  	s3 =	sand.u32 $0x4000, s31;
	s1 =	sadd.s32 s1, s30  }
0xb9: {  	s0 =	sor.u32 s3, s0;
	s1 =	sshll.u32 s1, $0x11  }
0xba: {  	s0 =	sor.u32 s1, s0  }
0xbb: {  	s0 =	sadd.s32 $0x8F2B, s0  }
0xbc: {  	[sflag:s0] =	ssyncadd.remote.s32 $0x1  }
0xbd: {  	_ =	sfence.sel $0xFFFF  }
0xbe: {  	[dreg:$0x0] =	wrdreg $0xFFFFFFFF;
	(pc) =	sbr.abs _section_cstart, $3  }
0xbf: {  	[dreg:$0x1] =	wrdreg $0xFFFFFFFF  }
0xc0: {  	_ =	task.clear_ibuf [dreg:s6], $0x2FFFF;
	_ =	strace $0x9FFFFFFF  }
0xc1: {  	(tm) =	ssettm $0x7FFFFFFF  }
tec
execute0_lowered:
.L_overlay_start_1:
0x0: {  	(tag) =	ssettag $0x1  }
0x1: {  	v0 =	vlaneseq.u32  }
0x2: {  	v0 =	vmul.u32 $0x80, v0;
	_ =	sdelay $0x1  }
0x3: {  	v1 =	vor.u32 $0x800, v0  }
0x4: {  	[tilespmem:$0x1FC90] =	vst v1;
	v1 =	vor.u32 $0x801, v0  }
0x5: {  	[tilespmem:$0x1FCA0] =	vst v1;
	v1 =	vor.u32 $0x802, v0  }
0x6: {  	[tilespmem:$0x1FCB0] =	vst v1;
	v1 =	vor.u32 $0x803, v0  }
0x7: {  	[tilespmem:$0x1FCC0] =	vst v1;
	v1 =	vor.u32 $0x804, v0  }
0x8: {  	[tilespmem:$0x1FCD0] =	vst v1;
	v1 =	vor.u32 $0x805, v0  }
0x9: {  	[tilespmem:$0x1FCE0] =	vst v1;
	v1 =	vor.u32 $0x806, v0  }
0xa: {  	[tilespmem:$0x1FCF0] =	vst v1;
	v1 =	vor.u32 $0x807, v0  }
0xb: {  	[tilespmem:$0x1FD00] =	vst v1;
	v1 =	vor.u32 $0x808, v0  }
0xc: {  	[tilespmem:$0x1FD10] =	vst v1;
	v1 =	vor.u32 $0x809, v0  }
0xd: {  	[tilespmem:$0x1FD20] =	vst v1;
	v1 =	vor.u32 $0x80A, v0  }
0xe: {  	[tilespmem:$0x1FD30] =	vst v1;
	v1 =	vor.u32 $0x80B, v0  }
0xf: {  	[tilespmem:$0x1FD40] =	vst v1;
	v1 =	vor.u32 $0x80C, v0  }
0x10: {  	[tilespmem:$0x1FD50] =	vst v1;
	v1 =	vor.u32 $0x80D, v0  }
0x11: {  	[tilespmem:$0x1FD60] =	vst v1;
	v1 =	vor.u32 $0x80E, v0  }
0x12: {  	[tilespmem:$0x1FD70] =	vst v1;
	v1 =	vor.u32 $0x80F, v0  }
0x13: {  	[tilespmem:$0x1FD80] =	vst v1;
	v1 =	vor.u32 $0x1000, v0  }
0x14: {  	[tilespmem:$0x1FD90] =	vst v1;
	v1 =	vor.u32 $0x1001, v0  }
0x15: {  	s4 =	rddreg [dreg:$0x0];
	s2 =	simm.s32 $0x0;
	[tilespmem:$0x1FDA0] =	vst v1;
	v1 =	vor.u32 $0x1002, v0  }
0x16: {  	s1 =	srdreg.scid;
	[smem:$0x7FF] =	sst s2;
	[tilespmem:$0x1FDB0] =	vst v1;
	v1 =	vor.u32 $0x1003, v0  }
0x17: {  	s5 =	sand.u32 $0x1, s1;
	s1 =	rddreg [dreg:$0x1];
	v49 =	vor.u32 $0x1, v0;
	_ =	strace $0x80000047;
	[tilespmem:$0x1FDC0] =	vst v1  }
0x18: {  	v50 =	vor.u32 $0x2, v0;
	[tilespmem:$0x1FF10] =	vst v49  }
0x19: {  	v51 =	vor.u32 $0x3, v0;
	[tilespmem:$0x1FF20] =	vst v50  }
0x1a: {  	v52 =	vor.u32 $0x4, v0;
	[tilespmem:$0x1FF30] =	vst v51  }
0x1b: {  	v53 =	vor.u32 $0x5, v0;
	[tilespmem:$0x1FF40] =	vst v52  }
0x1c: {  	v54 =	vor.u32 $0x6, v0;
	[tilespmem:$0x1FF50] =	vst v53  }
0x1d: {  	v55 =	vor.u32 $0x7, v0;
	[tilespmem:$0x1FF60] =	vst v54  }
0x1e: {  	v56 =	vor.u32 $0x8, v0;
	[tilespmem:$0x1FF70] =	vst v55  }
0x1f: {  	v57 =	vor.u32 $0x9, v0;
	[tilespmem:$0x1FF80] =	vst v56  }
0x20: {  	v58 =	vor.u32 $0xA, v0;
	[tilespmem:$0x1FF90] =	vst v57  }
0x21: {  	v59 =	vor.u32 $0xB, v0;
	[tilespmem:$0x1FFA0] =	vst v58  }
0x22: {  	v60 =	vor.u32 $0xC, v0;
	[tilespmem:$0x1FFB0] =	vst v59  }
0x23: {  	v61 =	vor.u32 $0xD, v0;
	[tilespmem:$0x1FFC0] =	vst v60  }
0x24: {  	v62 =	vor.u32 $0xE, v0;
	[tilespmem:$0x1FFD0] =	vst v61  }
0x25: {  	v63 =	vor.u32 $0xF, v0;
	[tilespmem:$0x1FFE0] =	vst v62  }
0x26: {  	v1 =	vor.u32 $0x1004, v0;
	[tilespmem:$0x1FFF0] =	vst v63  }
0x27: {  	[tilespmem:$0x1FDD0] =	vst v1;
	v1 =	vor.u32 $0x1005, v0  }
0x28: {  	[tilespmem:$0x1FDE0] =	vst v1;
	v1 =	vor.u32 $0x1006, v0  }
0x29: {  	[tilespmem:$0x1FDF0] =	vst v1;
	v1 =	vor.u32 $0x1007, v0  }
0x2a: {  	[tilespmem:$0x1FE00] =	vst v1;
	v1 =	vor.u32 $0x1008, v0  }
0x2b: {  	[tilespmem:$0x1FE10] =	vst v1;
	v1 =	vor.u32 $0x1009, v0  }
0x2c: {  	[tilespmem:$0x1FE20] =	vst v1;
	v1 =	vor.u32 $0x100A, v0  }
0x2d: {  	[tilespmem:$0x1FE30] =	vst v1;
	v1 =	vor.u32 $0x100B, v0  }
0x2e: {  	[tilespmem:$0x1FE40] =	vst v1;
	v1 =	vor.u32 $0x100C, v0  }
0x2f: {  	[tilespmem:$0x1FE50] =	vst v1;
	v1 =	vor.u32 $0x100D, v0  }
0x30: {  	[tilespmem:$0x1FE60] =	vst v1;
	v1 =	vor.u32 $0x100E, v0  }
0x31: {  	[tilespmem:$0x1FE70] =	vst v1;
	v1 =	vor.u32 $0x100F, v0  }
0x32: {  	[tilespmem:$0x1FE80] =	vst v1;
	v1 =	vor.u32 $0x1800, v0  }
0x33: {  	s0 =	stileid.u32;
	s9 =	simm.s32 $0x68;
	s10 =	simm.s32 $0x4080;
	[tilespmem:$0x1FE90] =	vst v1;
	v1 =	vor.u32 $0x1801, v0  }
0x34: {  	s11 =	simm.s32 $0x7480;
	s12 =	simm.s32 $0xA980;
	s13 =	simm.s32 $0xA880;
	[tilespmem:$0x1FEA0] =	vst v1;
	v1 =	vor.u32 $0x1802, v0  }
0x35: {  	s14 =	simm.s32 $0x2;
	s15 =	simm.s32 $0xA900;
	s3 =	sshll.u32 s0, $0x1;
	[tilespmem:$0x1FEB0] =	vst v1;
	v1 =	vor.u32 $0x1803, v0  }
0x36: {  	s16 =	simm.s32 $0x3;
	s6 =	sor.u32 s5, s3;
	s5 =	ssub.s32 $0x2, s5;
	[tilespmem:$0x1FEC0] =	vst v1;
	v1 =	vor.u32 $0x1804, v0  }
0x37: {  	s17 =	simm.s32 $0x4;
	s7 =	smul.u32 $0x806, s6;
	s8 =	sshrl.u32 s5, $0x1;
	[tilespmem:$0x1FED0] =	vst v1;
	v1 =	vor.u32 $0x1805, v0  }
0x38: {  	s18 =	simm.s32 $0x0;
	s3 =	sadd.s32 $0x11000, s4;
	s8 =	ssub.s32 s5, s8;
	[tilespmem:$0x1FEE0] =	vst v1;
	v1 =	vor.u32 $0x1806, v0  }
0x39: {  	s5 =	smul.u32 $0x9E, s6;
	s7 =	sadd.s32 s7, s4;
	s4 =	sadd.s32 $0x38200, s4;
	[tilespmem:$0x1FEF0] =	vst v1;
	v1 =	vor.u32 $0x1807, v0  }
0x3a: {  	s6 =	sadd.s32 $0xE00, s7;
	s7 =	smax.u32 s8, $0x1;
	s8 =	simm.s32 $0x1;
	[tilespmem:$0x1FF00] =	vst v1  }
.LBB2_1:
0x3b: {  	[tilespmem:s2], [sflag:$0x1] =	stream.linear.gather [hbm4b:s6+s2], $0x4030, $0x38;
	[tilespmem:$0xE180] =	vst v63  }
0x3c: {  	_ =	swait.ge [sflag:s8], $0x4030  }
0x3d: {  	[sflag:s8] =	ssyncset.done $0x0  }
0x3e: {  	s19 =	simm.s32 $0x0;
	[sflag:s8] =	ssyncadd.s32 $0xFFFFBFD0  }
0x3f: {  	[tilespmem:s10], [sflag:$0x1] =	stream.indirect.gather [hbm4b:s3+s9], $0x80, s2, s9, $0xb8;
	[tilespmem:$0xE180] =	vst v63  }
.LBB2_2:
0x40: {  	p0 =	seq.s32 s19, $0x0  }
0x41: {  	s20 =	simm.s32 @!p0 $0x3  }
0x42: {  	_ =	swait.ge @!p0 [sflag:s20], $0x70  }
0x43: {  	[sflag:s20] =	ssyncset.done @!p0 $0x0  }
0x44: {  	s21 =	simm.s32 @!p0 $0x4;
	[sflag:s20] =	ssyncadd.s32 @!p0 $0xFFFFFF90  }
0x45: {  	_ =	swait.ge @!p0 [sflag:s21], $0x70  }
0x46: {  	[sflag:s21] =	ssyncset.done @!p0 $0x0  }
0x47: {  	s20 =	sshllo.u32 s19, $0x1;
	[sflag:s21] =	ssyncadd.s32 @!p0 $0xFFFFFF90  }
0x48: {  	s31 =	smul.u32 $0x1A0, s20;
	_ =	swait.ge [sflag:s8], $0x3400  }
0x49: {  	[sflag:s8] =	ssyncset.done $0x0  }
0x4a: {  	s21 =	sshra.s32 s31, $0x2;
	[sflag:s8] =	ssyncadd.s32 $0xFFFFCC00  }
0x4b: {  	[tilespmem:s11], [sflag:$0x2] =	stream.indirect.gather [hbm4b:s3+s9], $0x80, s21, s9, $0xb8;
	[tilespmem:$0xE180] =	vst v63  }
0x4c: {  	v1 =	vld [tilespmem:$0x4080]  }
0x4d: {  	v2 =	vld [tilespmem:$0x4090]  }
0x4e: {  	v3 =	vld [tilespmem:$0x40A0]  }
0x4f: {  	v4 =	vld [tilespmem:$0x40B0]  }
0x50: {  	v5 =	vld [tilespmem:$0x40C0]  }
0x51: {  	v6 =	vld [tilespmem:$0x40D0]  }
0x52: {  	v7 =	vld [tilespmem:$0x40E0]  }
0x53: {  	s22 =	simm.s32 $0x0;
	v8 =	vld [tilespmem:$0x40F0]  }
0x54: {  	v10 =	vld [tilespmem:s22+$0x4080]  }
0x55: {  	v11 =	vld [tilespmem:s22+$0x4090]  }
0x56: {  	v12 =	vld [tilespmem:s22+$0x40A0]  }
0x57: {  	v13 =	vld [tilespmem:s22+$0x40B0]  }
0x58: {  	v14 =	vld [tilespmem:s22+$0x40C0]  }
0x59: {  	v16 =	vld [tilespmem:s22+$0x40D0]  }
0x5a: {  	v17 =	vld [tilespmem:s22+$0x40E0]  }
0x5b: {  	s23 =	simm.s32 $0x80;
	v18 =	vld [tilespmem:s22+$0x40F0]  }
0x5c: {  	v15 =	vld [tilespmem:s23+$0x4080]  }
0x5d: {  	v9 =	vld [tilespmem:s23+$0x4090];
	v19 =	vmul.f32 v10, v1;
	v20 =	vmul.f32 v11, v2  }
0x5e: {  	v10 =	vld [tilespmem:s23+$0x40A0];
	v21 =	vmul.f32 v12, v3;
	v22 =	vmul.f32 v13, v4  }
0x5f: {  	v11 =	vld [tilespmem:s23+$0x40B0];
	v23 =	vmul.f32 v14, v5;
	v24 =	vmul.f32 v16, v6  }
0x60: {  	v12 =	vld [tilespmem:s23+$0x40C0];
	v25 =	vmul.f32 v17, v7;
	v26 =	vmul.f32 v18, v8  }
0x61: {  	v13 =	vld [tilespmem:s23+$0x40D0];
	v16 =	vadd.f32 v20, v19;
	v17 =	vadd.f32 v22, v21  }
0x62: {  	s24 =	simm.s32 $0x400;
	s21 =	sshll.u32 s19, $0x1;
	v14 =	vld [tilespmem:s23+$0x40E0];
	v18 =	vadd.f32 v24, v23;
	v19 =	vadd.f32 v26, v25  }
.LBB2_3:
0x63: {  	s25 =	sshra.s32 s24, $0x2;
	p0 =	sne.s32 s24, $0x6600;
	v20 =	vld [tilespmem:s23+$0x40F0]  }
0x64: {  	v16 =	vadd.f32 v17, v16;
	v21 =	vld [tilespmem:s25+$0x4080];
	v17 =	vadd.f32 v19, v18  }
0x65: {  	v15 =	vmul.f32 v15, v1;
	v18 =	vmul.f32 v9, v2;
	v9 =	vld [tilespmem:s25+$0x4090]  }
.Ltmp0:
0x66: {  	v19 =	vmul.f32 v10, v3;
	v22 =	vmul.f32 v11, v4;
	v10 =	vld [tilespmem:s25+$0x40A0];
	v16 =	vadd.f32 v17, v16;
	(pc) =	sbr.rel @p0 .LBB2_3-.Ltmp0, $4  }
0x67: {  	v23 =	vmul.f32 v12, v5;
	v24 =	vmul.f32 v13, v6;
	v11 =	vld [tilespmem:s25+$0x40B0]  }
0x68: {  	v25 =	vmul.f32 v14, v7;
	v12 =	vld [tilespmem:s25+$0x40C0];
	v20 =	vmul.f32 v20, v8;
	[tilespmem:s22+$0xA980] =	vst v16;
	s22 =	smov.u32 s23;
	s23 =	smov.u32 s25  }
0x69: {  	v17 =	vadd.f32 v22, v19;
	v16 =	vadd.f32 v18, v15;
	v13 =	vld [tilespmem:s23+$0x40D0];
	v15 =	vmov v21  }
0x6a: {  	s24 =	sadd.s32 $0x200, s24;
	v18 =	vadd.f32 v24, v23;
	v14 =	vld [tilespmem:s23+$0x40E0];
	v19 =	vadd.f32 v20, v25  }
0x6b: {  	v20 =	vld [tilespmem:s23+$0x40F0];
	_ =	sdelay $0x1  }
0x6c: {  	v1 =	vmul.f32 v15, v1;
	v2 =	vmul.f32 v9, v2  }
0x6d: {  	v3 =	vmul.f32 v10, v3;
	v4 =	vmul.f32 v11, v4  }
0x6e: {  	v5 =	vmul.f32 v12, v5;
	v6 =	vmul.f32 v13, v6  }
0x6f: {  	v7 =	vmul.f32 v14, v7;
	v8 =	vmul.f32 v20, v8  }
0x70: {  	v1 =	vadd.f32 v2, v1;
	v2 =	vadd.f32 v4, v3  }
0x71: {  	v3 =	vadd.f32 v6, v5;
	v4 =	vadd.f32 v8, v7  }
0x72: {  	v5 =	vadd.f32 v17, v16;
	v6 =	vadd.f32 v19, v18  }
0x73: {  	v1 =	vadd.f32 v2, v1;
	v2 =	vadd.f32 v4, v3  }
0x74: {  	v3 =	vadd.f32 v6, v5  }
0x75: {  	v1 =	vadd.f32 v2, v1  }
0x76: {  	[tilespmem:s22+$0xA980] =	vst v3  }
0x77: {  	[tilespmem:s23+$0xA980] =	vst v1  }
0x78: {  	v1 =	vld [tilespmem:$0x5A80]  }
0x79: {  	v2 =	vld [tilespmem:$0x5A90]  }
0x7a: {  	v3 =	vld [tilespmem:$0x5AA0]  }
0x7b: {  	v4 =	vld [tilespmem:$0x5AB0]  }
0x7c: {  	v5 =	vld [tilespmem:$0x5AC0]  }
0x7d: {  	v6 =	vld [tilespmem:$0x5AD0]  }
0x7e: {  	v7 =	vld [tilespmem:$0x5AE0]  }
0x7f: {  	s22 =	simm.s32 $0x0;
	v8 =	vld [tilespmem:$0x5AF0]  }
0x80: {  	v10 =	vld [tilespmem:s22+$0x5A80]  }
0x81: {  	v11 =	vld [tilespmem:s22+$0x5A90]  }
0x82: {  	v12 =	vld [tilespmem:s22+$0x5AA0]  }
0x83: {  	v13 =	vld [tilespmem:s22+$0x5AB0]  }
0x84: {  	v14 =	vld [tilespmem:s22+$0x5AC0]  }
0x85: {  	v16 =	vld [tilespmem:s22+$0x5AD0]  }
0x86: {  	v17 =	vld [tilespmem:s22+$0x5AE0]  }
0x87: {  	s23 =	simm.s32 $0x80;
	v18 =	vld [tilespmem:s22+$0x5AF0]  }
0x88: {  	v15 =	vld [tilespmem:s23+$0x5A80]  }
0x89: {  	v9 =	vld [tilespmem:s23+$0x5A90];
	v19 =	vmul.f32 v10, v1;
	v20 =	vmul.f32 v11, v2  }
0x8a: {  	v10 =	vld [tilespmem:s23+$0x5AA0];
	v21 =	vmul.f32 v12, v3;
	v22 =	vmul.f32 v13, v4  }
0x8b: {  	v11 =	vld [tilespmem:s23+$0x5AB0];
	v23 =	vmul.f32 v14, v5;
	v24 =	vmul.f32 v16, v6  }
0x8c: {  	v12 =	vld [tilespmem:s23+$0x5AC0];
	v25 =	vmul.f32 v17, v7;
	v26 =	vmul.f32 v18, v8  }
0x8d: {  	v13 =	vld [tilespmem:s23+$0x5AD0];
	v16 =	vadd.f32 v20, v19;
	v17 =	vadd.f32 v22, v21  }
0x8e: {  	s24 =	simm.s32 $0x400;
	v14 =	vld [tilespmem:s23+$0x5AE0];
	v18 =	vadd.f32 v24, v23;
	v19 =	vadd.f32 v26, v25  }
.LBB2_5:
0x8f: {  	s25 =	sshra.s32 s24, $0x2;
	p0 =	sne.s32 s24, $0x6600;
	v20 =	vld [tilespmem:s23+$0x5AF0]  }
0x90: {  	v16 =	vadd.f32 v17, v16;
	v21 =	vld [tilespmem:s25+$0x5A80];
	v17 =	vadd.f32 v19, v18  }
0x91: {  	v15 =	vmul.f32 v15, v1;
	v18 =	vmul.f32 v9, v2;
	v9 =	vld [tilespmem:s25+$0x5A90]  }
.Ltmp1:
0x92: {  	v19 =	vmul.f32 v10, v3;
	v22 =	vmul.f32 v11, v4;
	v10 =	vld [tilespmem:s25+$0x5AA0];
	v16 =	vadd.f32 v17, v16;
	(pc) =	sbr.rel @p0 .LBB2_5-.Ltmp1, $4  }
0x93: {  	v23 =	vmul.f32 v12, v5;
	v24 =	vmul.f32 v13, v6;
	v11 =	vld [tilespmem:s25+$0x5AB0]  }
0x94: {  	v25 =	vmul.f32 v14, v7;
	v12 =	vld [tilespmem:s25+$0x5AC0];
	v20 =	vmul.f32 v20, v8;
	[tilespmem:s22+$0xC380] =	vst v16;
	s22 =	smov.u32 s23;
	s23 =	smov.u32 s25  }
0x95: {  	v17 =	vadd.f32 v22, v19;
	v16 =	vadd.f32 v18, v15;
	v13 =	vld [tilespmem:s23+$0x5AD0];
	v15 =	vmov v21  }
0x96: {  	s24 =	sadd.s32 $0x200, s24;
	v18 =	vadd.f32 v24, v23;
	v14 =	vld [tilespmem:s23+$0x5AE0];
	v19 =	vadd.f32 v20, v25  }
0x97: {  	v20 =	vld [tilespmem:s23+$0x5AF0];
	_ =	sdelay $0x1  }
0x98: {  	v1 =	vmul.f32 v15, v1;
	v2 =	vmul.f32 v9, v2  }
0x99: {  	v3 =	vmul.f32 v10, v3;
	v4 =	vmul.f32 v11, v4  }
0x9a: {  	v5 =	vmul.f32 v12, v5;
	v6 =	vmul.f32 v13, v6  }
0x9b: {  	v7 =	vmul.f32 v14, v7;
	v8 =	vmul.f32 v20, v8  }
0x9c: {  	v1 =	vadd.f32 v2, v1;
	v2 =	vadd.f32 v4, v3  }
0x9d: {  	v3 =	vadd.f32 v6, v5;
	v4 =	vadd.f32 v8, v7  }
0x9e: {  	v5 =	vadd.f32 v17, v16;
	v6 =	vadd.f32 v19, v18  }
0x9f: {  	v1 =	vadd.f32 v2, v1;
	v2 =	vadd.f32 v4, v3  }
0xa0: {  	v3 =	vadd.f32 v6, v5  }
0xa1: {  	v1 =	vadd.f32 v2, v1  }
0xa2: {  	[tilespmem:s22+$0xC380] =	vst v3  }
0xa3: {  	[tilespmem:s23+$0xC380] =	vst v1  }
0xa4: {  	v1 =	vld.idx.msk [tilespmem:v0+s12+$0x0], $0xffff  }
0xa5: {  	v2 =	vld.idx.msk [tilespmem:v49+s12+$0x0], $0xffff;
	_ =	sdelay $0x1  }
0xa6: {  	v3 =	vld.idx.msk [tilespmem:v50+s12+$0x0], $0xffff;
	_ =	sdelay $0x1  }
0xa7: {  	v4 =	vld.idx.msk [tilespmem:v51+s12+$0x0], $0xffff  }
0xa8: {  	v1 =	vadd.f32 v2, v1  }
0xa9: {  	v2 =	vld.idx.msk [tilespmem:v52+s12+$0x0], $0xffff  }
0xaa: {  	v1 =	vadd.f32 v3, v1  }
0xab: {  	v3 =	vld.idx.msk [tilespmem:v53+s12+$0x0], $0xffff  }
0xac: {  	v1 =	vadd.f32 v4, v1  }
0xad: {  	v4 =	vld.idx.msk [tilespmem:v54+s12+$0x0], $0xffff  }
0xae: {  	v1 =	vadd.f32 v2, v1  }
0xaf: {  	v2 =	vld.idx.msk [tilespmem:v55+s12+$0x0], $0xffff  }
0xb0: {  	v1 =	vadd.f32 v3, v1  }
0xb1: {  	v3 =	vld.idx.msk [tilespmem:v56+s12+$0x0], $0xffff  }
0xb2: {  	v1 =	vadd.f32 v4, v1  }
0xb3: {  	v4 =	vld.idx.msk [tilespmem:v57+s12+$0x0], $0xffff  }
0xb4: {  	v1 =	vadd.f32 v2, v1  }
0xb5: {  	v2 =	vld.idx.msk [tilespmem:v58+s12+$0x0], $0xffff  }
0xb6: {  	v1 =	vadd.f32 v3, v1  }
0xb7: {  	v3 =	vld.idx.msk [tilespmem:v59+s12+$0x0], $0xffff  }
0xb8: {  	v1 =	vadd.f32 v4, v1  }
0xb9: {  	v4 =	vld.idx.msk [tilespmem:v60+s12+$0x0], $0xffff  }
0xba: {  	v1 =	vadd.f32 v2, v1  }
0xbb: {  	v2 =	vld.idx.msk [tilespmem:v61+s12+$0x0], $0xffff  }
0xbc: {  	v1 =	vadd.f32 v3, v1  }
0xbd: {  	v3 =	vld.idx.msk [tilespmem:v62+s12+$0x0], $0xffff  }
0xbe: {  	v1 =	vadd.f32 v4, v1  }
0xbf: {  	v4 =	vld.idx.msk [tilespmem:v63+s12+$0x0], $0xffff  }
0xc0: {  	v1 =	vadd.f32 v2, v1;
	_ =	sdelay $0x1  }
0xc1: {  	v1 =	vadd.f32 v3, v1;
	_ =	sdelay $0x1  }
0xc2: {  	v1 =	vadd.f32 v4, v1  }
0xc3: {  	v2 =	vld [tilespmem:$0x1FCA0]  }
0xc4: {  	[tilespmem:$0xA880] =	vst v1;
	v1 =	vld [tilespmem:$0x1FC90];
	_ =	sdelay $0x1  }
0xc5: {  	v3 =	vld [tilespmem:$0x1FCB0];
	_ =	sdelay $0x1  }
0xc6: {  	v4 =	vld [tilespmem:$0x1FCC0];
	_ =	sdelay $0x2  }
0xc7: {  	v2 =	vld.idx.msk [tilespmem:v2+s12+$0x0], $0xffff  }
0xc8: {  	v1 =	vld.idx.msk [tilespmem:v1+s12+$0x0], $0xffff;
	_ =	sdelay $0x1  }
0xc9: {  	v3 =	vld.idx.msk [tilespmem:v3+s12+$0x0], $0xffff;
	_ =	sdelay $0x1  }
0xca: {  	v4 =	vld.idx.msk [tilespmem:v4+s12+$0x0], $0xffff  }
0xcb: {  	v1 =	vadd.f32 v2, v1;
	v2 =	vld [tilespmem:$0x1FCD0];
	_ =	sdelay $0x1  }
0xcc: {  	v1 =	vadd.f32 v3, v1;
	v3 =	vld [tilespmem:$0x1FCE0];
	_ =	sdelay $0x1  }
0xcd: {  	v1 =	vadd.f32 v4, v1;
	v4 =	vld [tilespmem:$0x1FCF0];
	_ =	sdelay $0x3  }
0xce: {  	v2 =	vld.idx.msk [tilespmem:v2+s12+$0x0], $0xffff;
	_ =	sdelay $0x1  }
0xcf: {  	v3 =	vld.idx.msk [tilespmem:v3+s12+$0x0], $0xffff;
	_ =	sdelay $0x1  }
0xd0: {  	v4 =	vld.idx.msk [tilespmem:v4+s12+$0x0], $0xffff  }
0xd1: {  	v1 =	vadd.f32 v2, v1;
	v2 =	vld [tilespmem:$0x1FD00];
	_ =	sdelay $0x1  }
0xd2: {  	v1 =	vadd.f32 v3, v1;
	v3 =	vld [tilespmem:$0x1FD10];
	_ =	sdelay $0x1  }
0xd3: {  	v1 =	vadd.f32 v4, v1;
	v4 =	vld [tilespmem:$0x1FD20];
	_ =	sdelay $0x3  }
0xd4: {  	v2 =	vld.idx.msk [tilespmem:v2+s12+$0x0], $0xffff;
	_ =	sdelay $0x1  }
0xd5: {  	v3 =	vld.idx.msk [tilespmem:v3+s12+$0x0], $0xffff;
	_ =	sdelay $0x1  }
0xd6: {  	v4 =	vld.idx.msk [tilespmem:v4+s12+$0x0], $0xffff  }
0xd7: {  	v1 =	vadd.f32 v2, v1;
	v2 =	vld [tilespmem:$0x1FD30];
	_ =	sdelay $0x1  }
0xd8: {  	v1 =	vadd.f32 v3, v1;
	v3 =	vld [tilespmem:$0x1FD40];
	_ =	sdelay $0x1  }
0xd9: {  	v1 =	vadd.f32 v4, v1;
	v4 =	vld [tilespmem:$0x1FD50];
	_ =	sdelay $0x3  }
0xda: {  	v2 =	vld.idx.msk [tilespmem:v2+s12+$0x0], $0xffff;
	_ =	sdelay $0x1  }
0xdb: {  	v3 =	vld.idx.msk [tilespmem:v3+s12+$0x0], $0xffff;
	_ =	sdelay $0x1  }
0xdc: {  	v4 =	vld.idx.msk [tilespmem:v4+s12+$0x0], $0xffff  }
0xdd: {  	v1 =	vadd.f32 v2, v1;
	v2 =	vld [tilespmem:$0x1FD60];
	_ =	sdelay $0x1  }
0xde: {  	v1 =	vadd.f32 v3, v1;
	v3 =	vld [tilespmem:$0x1FD70];
	_ =	sdelay $0x1  }
0xdf: {  	v1 =	vadd.f32 v4, v1;
	v4 =	vld [tilespmem:$0x1FD80];
	_ =	sdelay $0x3  }
0xe0: {  	v2 =	vld.idx.msk [tilespmem:v2+s12+$0x0], $0xffff;
	_ =	sdelay $0x1  }
0xe1: {  	v3 =	vld.idx.msk [tilespmem:v3+s12+$0x0], $0xffff;
	_ =	sdelay $0x1  }
0xe2: {  	v4 =	vld.idx.msk [tilespmem:v4+s12+$0x0], $0xffff  }
0xe3: {  	v1 =	vadd.f32 v2, v1;
	_ =	sdelay $0x1  }
0xe4: {  	v1 =	vadd.f32 v3, v1;
	_ =	sdelay $0x1  }
0xe5: {  	v1 =	vadd.f32 v4, v1  }
0xe6: {  	v2 =	vld [tilespmem:$0x1FDA0]  }
0xe7: {  	[tilespmem:$0xA890] =	vst v1;
	v1 =	vld [tilespmem:$0x1FD90];
	_ =	sdelay $0x1  }
0xe8: {  	v3 =	vld [tilespmem:$0x1FDB0];
	_ =	sdelay $0x1  }
0xe9: {  	v4 =	vld [tilespmem:$0x1FDC0];
	_ =	sdelay $0x2  }
0xea: {  	v2 =	vld.idx.msk [tilespmem:v2+s12+$0x0], $0xffff  }
0xeb: {  	v1 =	vld.idx.msk [tilespmem:v1+s12+$0x0], $0xffff;
	_ =	sdelay $0x1  }
0xec: {  	v3 =	vld.idx.msk [tilespmem:v3+s12+$0x0], $0xffff;
	_ =	sdelay $0x1  }
0xed: {  	v4 =	vld.idx.msk [tilespmem:v4+s12+$0x0], $0xffff  }
0xee: {  	v1 =	vadd.f32 v2, v1;
	v2 =	vld [tilespmem:$0x1FDD0];
	_ =	sdelay $0x1  }
0xef: {  	v1 =	vadd.f32 v3, v1;
	v3 =	vld [tilespmem:$0x1FDE0];
	_ =	sdelay $0x1  }
0xf0: {  	v1 =	vadd.f32 v4, v1;
	v4 =	vld [tilespmem:$0x1FDF0];
	_ =	sdelay $0x3  }
0xf1: {  	v2 =	vld.idx.msk [tilespmem:v2+s12+$0x0], $0xffff;
	_ =	sdelay $0x1  }
0xf2: {  	v3 =	vld.idx.msk [tilespmem:v3+s12+$0x0], $0xffff;
	_ =	sdelay $0x1  }
0xf3: {  	v4 =	vld.idx.msk [tilespmem:v4+s12+$0x0], $0xffff  }
0xf4: {  	v1 =	vadd.f32 v2, v1;
	v2 =	vld [tilespmem:$0x1FE00];
	_ =	sdelay $0x1  }
0xf5: {  	v1 =	vadd.f32 v3, v1;
	v3 =	vld [tilespmem:$0x1FE10];
	_ =	sdelay $0x1  }
0xf6: {  	v1 =	vadd.f32 v4, v1;
	v4 =	vld [tilespmem:$0x1FE20];
	_ =	sdelay $0x3  }
0xf7: {  	v2 =	vld.idx.msk [tilespmem:v2+s12+$0x0], $0xffff;
	_ =	sdelay $0x1  }
0xf8: {  	v3 =	vld.idx.msk [tilespmem:v3+s12+$0x0], $0xffff;
	_ =	sdelay $0x1  }
0xf9: {  	v4 =	vld.idx.msk [tilespmem:v4+s12+$0x0], $0xffff  }
0xfa: {  	v1 =	vadd.f32 v2, v1;
	v2 =	vld [tilespmem:$0x1FE30];
	_ =	sdelay $0x1  }
0xfb: {  	v1 =	vadd.f32 v3, v1;
	v3 =	vld [tilespmem:$0x1FE40];
	_ =	sdelay $0x1  }
0xfc: {  	v1 =	vadd.f32 v4, v1;
	v4 =	vld [tilespmem:$0x1FE50];
	_ =	sdelay $0x3  }
0xfd: {  	v2 =	vld.idx.msk [tilespmem:v2+s12+$0x0], $0xffff;
	_ =	sdelay $0x1  }
0xfe: {  	v3 =	vld.idx.msk [tilespmem:v3+s12+$0x0], $0xffff;
	_ =	sdelay $0x1  }
0xff: {  	v4 =	vld.idx.msk [tilespmem:v4+s12+$0x0], $0xffff  }
0x100: {  	v1 =	vadd.f32 v2, v1;
	v2 =	vld [tilespmem:$0x1FE60];
	_ =	sdelay $0x1  }
0x101: {  	v1 =	vadd.f32 v3, v1;
	v3 =	vld [tilespmem:$0x1FE70];
	_ =	sdelay $0x1  }
0x102: {  	v1 =	vadd.f32 v4, v1;
	v4 =	vld [tilespmem:$0x1FE80];
	_ =	sdelay $0x3  }
0x103: {  	v2 =	vld.idx.msk [tilespmem:v2+s12+$0x0], $0xffff;
	_ =	sdelay $0x1  }
0x104: {  	v3 =	vld.idx.msk [tilespmem:v3+s12+$0x0], $0xffff;
	_ =	sdelay $0x1  }
0x105: {  	v4 =	vld.idx.msk [tilespmem:v4+s12+$0x0], $0xffff  }
0x106: {  	v1 =	vadd.f32 v2, v1;
	_ =	sdelay $0x1  }
0x107: {  	v1 =	vadd.f32 v3, v1;
	_ =	sdelay $0x1  }
0x108: {  	v1 =	vadd.f32 v4, v1  }
0x109: {  	v2 =	vld [tilespmem:$0x1FEA0]  }
0x10a: {  	[tilespmem:$0xA8A0] =	vst v1;
	v1 =	vld [tilespmem:$0x1FE90];
	_ =	sdelay $0x6  }
0x10b: {  	v2 =	vld.idx.msk [tilespmem:v2+s12+$0x0], $0xffff  }
0x10c: {  	v1 =	vld.idx.msk [tilespmem:v1+s12+$0x0], $0xffff  }
0x10d: {  	v3 =	vld [tilespmem:$0x1FEB0];
	_ =	sdelay $0x1  }
0x10e: {  	v4 =	vld [tilespmem:$0x1FEC0];
	_ =	sdelay $0x1  }
0x10f: {  	v1 =	vadd.f32 v2, v1;
	v2 =	vld [tilespmem:$0x1FED0];
	_ =	sdelay $0x3  }
0x110: {  	v3 =	vld.idx.msk [tilespmem:v3+s12+$0x0], $0xffff;
	_ =	sdelay $0x1  }
0x111: {  	v4 =	vld.idx.msk [tilespmem:v4+s12+$0x0], $0xffff;
	_ =	sdelay $0x1  }
0x112: {  	v2 =	vld.idx.msk [tilespmem:v2+s12+$0x0], $0xffff  }
0x113: {  	v1 =	vadd.f32 v3, v1;
	v3 =	vld [tilespmem:$0x1FEE0];
	_ =	sdelay $0x1  }
0x114: {  	v1 =	vadd.f32 v4, v1;
	v4 =	vld [tilespmem:$0x1FEF0];
	_ =	sdelay $0x1  }
0x115: {  	v1 =	vadd.f32 v2, v1;
	v2 =	vld [tilespmem:$0x1FF00];
	_ =	sdelay $0x3  }
0x116: {  	v3 =	vld.idx.msk [tilespmem:v3+s12+$0x0], $0xffff  }
0x117: {  	v5 =	vor.u32 $0x1808, v0  }
0x118: {  	v4 =	vld.idx.msk [tilespmem:v4+s12+$0x0], $0xffff  }
0x119: {  	v6 =	vor.u32 $0x1809, v0  }
0x11a: {  	v2 =	vld.idx.msk [tilespmem:v2+s12+$0x0], $0xffff  }
0x11b: {  	v7 =	vor.u32 $0x180A, v0;
	v1 =	vadd.f32 v3, v1  }
0x11c: {  	v3 =	vld.idx.msk [tilespmem:v5+s12+$0x0], $0xffff  }
0x11d: {  	[tilespmem:$0x1FB60] =	vst v5;
	v5 =	vor.u32 $0x180B, v0;
	v1 =	vadd.f32 v4, v1  }
0x11e: {  	v4 =	vld.idx.msk [tilespmem:v6+s12+$0x0], $0xffff  }
0x11f: {  	[tilespmem:$0x1FB70] =	vst v6;
	v6 =	vor.u32 $0x180C, v0;
	v1 =	vadd.f32 v2, v1  }
0x120: {  	v2 =	vld.idx.msk [tilespmem:v7+s12+$0x0], $0xffff  }
0x121: {  	[tilespmem:$0x1FB80] =	vst v7;
	v7 =	vor.u32 $0x180D, v0;
	v1 =	vadd.f32 v3, v1  }
0x122: {  	v3 =	vld.idx.msk [tilespmem:v5+s12+$0x0], $0xffff  }
0x123: {  	[tilespmem:$0x1FB90] =	vst v5;
	v5 =	vor.u32 $0x180E, v0;
	v1 =	vadd.f32 v4, v1  }
0x124: {  	v4 =	vld.idx.msk [tilespmem:v6+s12+$0x0], $0xffff  }
0x125: {  	[tilespmem:$0x1FBA0] =	vst v6;
	v6 =	vor.u32 $0x180F, v0;
	v1 =	vadd.f32 v2, v1  }
0x126: {  	v2 =	vld.idx.msk [tilespmem:v7+s12+$0x0], $0xffff  }
0x127: {  	v1 =	vadd.f32 v3, v1  }
0x128: {  	v3 =	vld.idx.msk [tilespmem:v5+s12+$0x0], $0xffff  }
0x129: {  	v1 =	vadd.f32 v4, v1  }
0x12a: {  	v4 =	vld.idx.msk [tilespmem:v6+s12+$0x0], $0xffff  }
0x12b: {  	v1 =	vadd.f32 v2, v1;
	_ =	sdelay $0x1  }
0x12c: {  	v2 =	vor.u32 $0x2000, v0;
	v1 =	vadd.f32 v3, v1  }
0x12d: {  	v3 =	vor.u32 $0x2001, v0  }
0x12e: {  	v1 =	vadd.f32 v4, v1  }
0x12f: {  	v4 =	vor.u32 $0x2002, v0  }
0x130: {  	[tilespmem:$0xA8B0] =	vst v1  }
0x131: {  	[tilespmem:$0x1FBC0] =	vst v5;
	v5 =	vor.u32 $0x2003, v0;
	v1 =	vld.idx.msk [tilespmem:v2+s12+$0x0], $0xffff  }
0x132: {  	[tilespmem:$0x1FBE0] =	vst v2;
	v2 =	vld.idx.msk [tilespmem:v3+s12+$0x0], $0xffff  }
0x133: {  	[tilespmem:$0x1FBD0] =	vst v6;
	v6 =	vor.u32 $0x2004, v0  }
0x134: {  	[tilespmem:$0x1FBF0] =	vst v3;
	v3 =	vld.idx.msk [tilespmem:v4+s12+$0x0], $0xffff  }
0x135: {  	[tilespmem:$0x1FBB0] =	vst v7;
	v7 =	vor.u32 $0x2005, v0  }
0x136: {  	[tilespmem:$0x1FC00] =	vst v4;
	v4 =	vld.idx.msk [tilespmem:v5+s12+$0x0], $0xffff  }
0x137: {  	[tilespmem:$0x1FC10] =	vst v5;
	v5 =	vor.u32 $0x2006, v0;
	v1 =	vadd.f32 v2, v1  }
0x138: {  	v2 =	vld.idx.msk [tilespmem:v6+s12+$0x0], $0xffff  }
0x139: {  	[tilespmem:$0x1FC20] =	vst v6;
	v6 =	vor.u32 $0x2007, v0;
	v1 =	vadd.f32 v3, v1  }
0x13a: {  	v3 =	vld.idx.msk [tilespmem:v7+s12+$0x0], $0xffff  }
0x13b: {  	[tilespmem:$0x1FC30] =	vst v7;
	v7 =	vor.u32 $0x2008, v0;
	v1 =	vadd.f32 v4, v1  }
0x13c: {  	v4 =	vld.idx.msk [tilespmem:v5+s12+$0x0], $0xffff  }
0x13d: {  	[tilespmem:$0x1FC40] =	vst v5;
	v5 =	vor.u32 $0x2009, v0;
	v1 =	vadd.f32 v2, v1  }
0x13e: {  	v2 =	vld.idx.msk [tilespmem:v6+s12+$0x0], $0xffff  }
0x13f: {  	[tilespmem:$0x1FC50] =	vst v6;
	v6 =	vor.u32 $0x200A, v0;
	v1 =	vadd.f32 v3, v1  }
0x140: {  	v3 =	vld.idx.msk [tilespmem:v7+s12+$0x0], $0xffff  }
0x141: {  	v12 =	vor.u32 $0x200B, v0;
	v1 =	vadd.f32 v4, v1  }
0x142: {  	v4 =	vld.idx.msk [tilespmem:v5+s12+$0x0], $0xffff  }
0x143: {  	v13 =	vor.u32 $0x200C, v0;
	v1 =	vadd.f32 v2, v1  }
0x144: {  	v2 =	vld.idx.msk [tilespmem:v6+s12+$0x0], $0xffff  }
0x145: {  	v14 =	vor.u32 $0x200D, v0;
	v1 =	vadd.f32 v3, v1  }
0x146: {  	v3 =	vld.idx.msk [tilespmem:v12+s12+$0x0], $0xffff  }
0x147: {  	v15 =	vor.u32 $0x200E, v0;
	v1 =	vadd.f32 v4, v1  }
0x148: {  	v4 =	vld.idx.msk [tilespmem:v13+s12+$0x0], $0xffff  }
0x149: {  	v16 =	vor.u32 $0x200F, v0;
	v1 =	vadd.f32 v2, v1  }
0x14a: {  	v2 =	vld.idx.msk [tilespmem:v14+s12+$0x0], $0xffff  }
0x14b: {  	v1 =	vadd.f32 v3, v1  }
0x14c: {  	v3 =	vld.idx.msk [tilespmem:v15+s12+$0x0], $0xffff  }
0x14d: {  	v1 =	vadd.f32 v4, v1  }
0x14e: {  	v4 =	vld.idx.msk [tilespmem:v16+s12+$0x0], $0xffff  }
0x14f: {  	v1 =	vadd.f32 v2, v1;
	_ =	sdelay $0x1  }
0x150: {  	v17 =	vor.u32 $0x2800, v0;
	v1 =	vadd.f32 v3, v1  }
0x151: {  	v18 =	vor.u32 $0x2801, v0  }
0x152: {  	v1 =	vadd.f32 v4, v1  }
0x153: {  	v19 =	vor.u32 $0x2802, v0  }
0x154: {  	[tilespmem:$0xA8C0] =	vst v1  }
0x155: {  	v20 =	vor.u32 $0x2803, v0;
	v1 =	vld.idx.msk [tilespmem:v17+s12+$0x0], $0xffff  }
0x156: {  	v2 =	vld.idx.msk [tilespmem:v18+s12+$0x0], $0xffff  }
0x157: {  	v21 =	vor.u32 $0x2804, v0  }
0x158: {  	v3 =	vld.idx.msk [tilespmem:v19+s12+$0x0], $0xffff  }
0x159: {  	v22 =	vor.u32 $0x2805, v0  }
0x15a: {  	v4 =	vld.idx.msk [tilespmem:v20+s12+$0x0], $0xffff  }
0x15b: {  	v23 =	vor.u32 $0x2806, v0;
	v1 =	vadd.f32 v2, v1  }
0x15c: {  	v2 =	vld.idx.msk [tilespmem:v21+s12+$0x0], $0xffff  }
0x15d: {  	v24 =	vor.u32 $0x2807, v0;
	v1 =	vadd.f32 v3, v1  }
0x15e: {  	v3 =	vld.idx.msk [tilespmem:v22+s12+$0x0], $0xffff  }
0x15f: {  	v25 =	vor.u32 $0x2808, v0;
	v1 =	vadd.f32 v4, v1  }
0x160: {  	v4 =	vld.idx.msk [tilespmem:v23+s12+$0x0], $0xffff  }
0x161: {  	v26 =	vor.u32 $0x2809, v0;
	v1 =	vadd.f32 v2, v1  }
0x162: {  	v2 =	vld.idx.msk [tilespmem:v24+s12+$0x0], $0xffff  }
0x163: {  	v27 =	vor.u32 $0x280A, v0;
	v1 =	vadd.f32 v3, v1  }
0x164: {  	v3 =	vld.idx.msk [tilespmem:v25+s12+$0x0], $0xffff  }
0x165: {  	v28 =	vor.u32 $0x280B, v0;
	v1 =	vadd.f32 v4, v1  }
0x166: {  	v4 =	vld.idx.msk [tilespmem:v26+s12+$0x0], $0xffff  }
0x167: {  	v29 =	vor.u32 $0x280C, v0;
	v1 =	vadd.f32 v2, v1  }
0x168: {  	v2 =	vld.idx.msk [tilespmem:v27+s12+$0x0], $0xffff  }
0x169: {  	v30 =	vor.u32 $0x280D, v0;
	v1 =	vadd.f32 v3, v1  }
0x16a: {  	v3 =	vld.idx.msk [tilespmem:v28+s12+$0x0], $0xffff  }
0x16b: {  	v31 =	vor.u32 $0x280E, v0;
	v1 =	vadd.f32 v4, v1  }
0x16c: {  	v4 =	vld.idx.msk [tilespmem:v29+s12+$0x0], $0xffff  }
0x16d: {  	v32 =	vor.u32 $0x280F, v0;
	v1 =	vadd.f32 v2, v1  }
0x16e: {  	v2 =	vld.idx.msk [tilespmem:v30+s12+$0x0], $0xffff  }
0x16f: {  	v1 =	vadd.f32 v3, v1  }
0x170: {  	v3 =	vld.idx.msk [tilespmem:v31+s12+$0x0], $0xffff  }
0x171: {  	v1 =	vadd.f32 v4, v1  }
0x172: {  	v4 =	vld.idx.msk [tilespmem:v32+s12+$0x0], $0xffff  }
0x173: {  	v1 =	vadd.f32 v2, v1;
	_ =	sdelay $0x1  }
0x174: {  	v33 =	vor.u32 $0x3000, v0;
	v1 =	vadd.f32 v3, v1  }
0x175: {  	v34 =	vor.u32 $0x3001, v0  }
0x176: {  	v1 =	vadd.f32 v4, v1  }
0x177: {  	v35 =	vor.u32 $0x3002, v0  }
0x178: {  	[tilespmem:$0xA8D0] =	vst v1  }
0x179: {  	v36 =	vor.u32 $0x3003, v0;
	v1 =	vld.idx.msk [tilespmem:v33+s12+$0x0], $0xffff  }
0x17a: {  	v2 =	vld.idx.msk [tilespmem:v34+s12+$0x0], $0xffff  }
0x17b: {  	v37 =	vor.u32 $0x3004, v0  }
0x17c: {  	v3 =	vld.idx.msk [tilespmem:v35+s12+$0x0], $0xffff  }
0x17d: {  	v38 =	vor.u32 $0x3005, v0  }
0x17e: {  	v4 =	vld.idx.msk [tilespmem:v36+s12+$0x0], $0xffff  }
0x17f: {  	v39 =	vor.u32 $0x3006, v0;
	v1 =	vadd.f32 v2, v1  }
0x180: {  	v2 =	vld.idx.msk [tilespmem:v37+s12+$0x0], $0xffff  }
0x181: {  	v40 =	vor.u32 $0x3007, v0;
	v1 =	vadd.f32 v3, v1  }
0x182: {  	v3 =	vld.idx.msk [tilespmem:v38+s12+$0x0], $0xffff  }
0x183: {  	v41 =	vor.u32 $0x3008, v0;
	v1 =	vadd.f32 v4, v1  }
0x184: {  	v4 =	vld.idx.msk [tilespmem:v39+s12+$0x0], $0xffff  }
0x185: {  	v42 =	vor.u32 $0x3009, v0;
	v1 =	vadd.f32 v2, v1  }
0x186: {  	v2 =	vld.idx.msk [tilespmem:v40+s12+$0x0], $0xffff  }
0x187: {  	v43 =	vor.u32 $0x300A, v0;
	v1 =	vadd.f32 v3, v1  }
0x188: {  	v3 =	vld.idx.msk [tilespmem:v41+s12+$0x0], $0xffff  }
0x189: {  	v44 =	vor.u32 $0x300B, v0;
	v1 =	vadd.f32 v4, v1  }
0x18a: {  	v4 =	vld.idx.msk [tilespmem:v42+s12+$0x0], $0xffff  }
0x18b: {  	v45 =	vor.u32 $0x300C, v0;
	v1 =	vadd.f32 v2, v1  }
0x18c: {  	v2 =	vld.idx.msk [tilespmem:v43+s12+$0x0], $0xffff  }
0x18d: {  	v46 =	vor.u32 $0x300D, v0;
	v1 =	vadd.f32 v3, v1  }
0x18e: {  	v3 =	vld.idx.msk [tilespmem:v44+s12+$0x0], $0xffff  }
0x18f: {  	v47 =	vor.u32 $0x300E, v0;
	v1 =	vadd.f32 v4, v1  }
0x190: {  	v4 =	vld.idx.msk [tilespmem:v45+s12+$0x0], $0xffff  }
0x191: {  	v48 =	vor.u32 $0x300F, v0;
	v1 =	vadd.f32 v2, v1  }
0x192: {  	v2 =	vld.idx.msk [tilespmem:v46+s12+$0x0], $0xffff  }
0x193: {  	v1 =	vadd.f32 v3, v1  }
0x194: {  	v3 =	vld.idx.msk [tilespmem:v47+s12+$0x0], $0xffff  }
0x195: {  	v1 =	vadd.f32 v4, v1  }
0x196: {  	v4 =	vld.idx.msk [tilespmem:v48+s12+$0x0], $0xffff  }
0x197: {  	v1 =	vadd.f32 v2, v1;
	_ =	sdelay $0x1  }
0x198: {  	v1 =	vadd.f32 v3, v1  }
0x199: {  	s21 =	sadd.s32 s5, s21  }
0x19a: {  	s21 =	smul.u32 $0xE, s21;
	[tilespmem:$0x1FC60] =	vst v7;
	v1 =	vadd.f32 v4, v1  }
0x19b: {  	[tilespmem:$0x1FC70] =	vst v5  }
0x19c: {  	p0 =	seq.s32 s19, $0x4E;
	s21 =	sadd.s32 s4, s21;
	[tilespmem:$0xA8E0] =	vst v1  }
0x19d: {  	[hbm4b:s21+s2] =	stream.linear.scatter [tilespmem:s13], [sflag:$0x3], $0x70, $0x38;
	[tilespmem:$0xE180] =	vst v63  }
0x19e: {  	[tilespmem:$0x1FC80] =	vst v6;
	s21 =	smul.u32 @!p0 $0x340, s19  }
0x19f: {  	_ =	swait.ge [sflag:s14], $0x3400  }
0x1a0: {  	s22 =	simm.s32 @!p0 $0x68;
	[sflag:s14] =	ssyncset.done $0x0;
	s21 =	sshra.s32 @!p0 s21, $0x2  }
0x1a1: {  	s23 =	simm.s32 @!p0 $0x4080;
	[sflag:s14] =	ssyncadd.s32 $0xFFFFCC00;
	s21 =	sadd.s32 @!p0 $0xD0, s21  }
0x1a2: {  	[tilespmem:s23], [sflag:$0x1] =	stream.indirect.gather @!p0 [hbm4b:s3+s22], $0x80, s21, s22, $0xb8;
	[tilespmem:$0xE180] =	vst v63  }
0x1a3: {  	v49 =	vld [tilespmem:$0x7480]  }
0x1a4: {  	v50 =	vld [tilespmem:$0x7490]  }
0x1a5: {  	v51 =	vld [tilespmem:$0x74A0]  }
0x1a6: {  	v52 =	vld [tilespmem:$0x74B0]  }
0x1a7: {  	v53 =	vld [tilespmem:$0x74C0]  }
0x1a8: {  	v54 =	vld [tilespmem:$0x74D0]  }
0x1a9: {  	v55 =	vld [tilespmem:$0x74E0]  }
0x1aa: {  	s21 =	simm.s32 $0x0;
	v56 =	vld [tilespmem:$0x74F0]  }
0x1ab: {  	v1 =	vld [tilespmem:s21+$0x7480]  }
0x1ac: {  	v2 =	vld [tilespmem:s21+$0x7490]  }
0x1ad: {  	v3 =	vld [tilespmem:s21+$0x74A0]  }
0x1ae: {  	v4 =	vld [tilespmem:s21+$0x74B0]  }
0x1af: {  	v8 =	vld [tilespmem:s21+$0x74C0]  }
0x1b0: {  	v9 =	vld [tilespmem:s21+$0x74D0]  }
0x1b1: {  	v10 =	vld [tilespmem:s21+$0x74E0]  }
0x1b2: {  	s22 =	simm.s32 $0x80;
	v11 =	vld [tilespmem:s21+$0x74F0]  }
0x1b3: {  	v62 =	vld [tilespmem:s22+$0x7480]  }
0x1b4: {  	v57 =	vld [tilespmem:s22+$0x7490];
	v1 =	vmul.f32 v1, v49;
	v2 =	vmul.f32 v2, v50  }
0x1b5: {  	v58 =	vld [tilespmem:s22+$0x74A0];
	v3 =	vmul.f32 v3, v51;
	v4 =	vmul.f32 v4, v52  }
0x1b6: {  	v59 =	vld [tilespmem:s22+$0x74B0];
	v5 =	vmul.f32 v8, v53;
	v6 =	vmul.f32 v9, v54  }
0x1b7: {  	v60 =	vld [tilespmem:s22+$0x74C0];
	v7 =	vmul.f32 v10, v55;
	v63 =	vmul.f32 v11, v56  }
0x1b8: {  	v61 =	vld [tilespmem:s22+$0x74D0];
	v1 =	vadd.f32 v2, v1;
	v2 =	vadd.f32 v4, v3  }
0x1b9: {  	s23 =	simm.s32 $0x400;
	v3 =	vadd.f32 v6, v5;
	v4 =	vadd.f32 v63, v7;
	v63 =	vld [tilespmem:s22+$0x74E0]  }
.LBB2_7:
0x1ba: {  	s24 =	sshra.s32 s23, $0x2;
	p0 =	sne.s32 s23, $0x6600;
	v5 =	vld [tilespmem:s22+$0x74F0]  }
0x1bb: {  	v1 =	vadd.f32 v2, v1;
	v6 =	vld [tilespmem:s24+$0x7480];
	v2 =	vadd.f32 v4, v3  }
0x1bc: {  	v3 =	vmul.f32 v62, v49;
	v4 =	vmul.f32 v57, v50;
	v57 =	vld [tilespmem:s24+$0x7490]  }
.Ltmp2:
0x1bd: {  	v7 =	vmul.f32 v58, v51;
	v11 =	vmul.f32 v59, v52;
	v58 =	vld [tilespmem:s24+$0x74A0];
	v1 =	vadd.f32 v2, v1;
	(pc) =	sbr.rel @p0 .LBB2_7-.Ltmp2, $4  }
0x1be: {  	v8 =	vmul.f32 v60, v53;
	v9 =	vmul.f32 v61, v54;
	v59 =	vld [tilespmem:s24+$0x74B0]  }
0x1bf: {  	v10 =	vmul.f32 v63, v55;
	v60 =	vld [tilespmem:s24+$0x74C0];
	v5 =	vmul.f32 v5, v56;
	[tilespmem:s21+$0xA980] =	vst v1;
	s21 =	smov.u32 s22;
	s22 =	smov.u32 s24  }
0x1c0: {  	v2 =	vadd.f32 v11, v7;
	v1 =	vadd.f32 v4, v3;
	v61 =	vld [tilespmem:s22+$0x74D0];
	v62 =	vmov v6  }
0x1c1: {  	s23 =	sadd.s32 $0x200, s23;
	v3 =	vadd.f32 v9, v8;
	v63 =	vld [tilespmem:s22+$0x74E0];
	v4 =	vadd.f32 v5, v10  }
0x1c2: {  	v5 =	vld [tilespmem:s22+$0x74F0];
	_ =	sdelay $0x1  }
0x1c3: {  	v6 =	vmul.f32 v62, v49;
	v7 =	vmul.f32 v57, v50  }
0x1c4: {  	v8 =	vmul.f32 v58, v51;
	v9 =	vmul.f32 v59, v52  }
0x1c5: {  	v10 =	vmul.f32 v60, v53;
	v61 =	vmul.f32 v61, v54  }
0x1c6: {  	v62 =	vmul.f32 v63, v55;
	v5 =	vmul.f32 v5, v56  }
0x1c7: {  	v6 =	vadd.f32 v7, v6;
	v7 =	vadd.f32 v9, v8  }
0x1c8: {  	v63 =	vadd.f32 v61, v10;
	v5 =	vadd.f32 v5, v62  }
0x1c9: {  	v1 =	vadd.f32 v2, v1;
	v2 =	vadd.f32 v4, v3  }
0x1ca: {  	v3 =	vadd.f32 v7, v6;
	v4 =	vadd.f32 v5, v63  }
0x1cb: {  	v1 =	vadd.f32 v2, v1  }
0x1cc: {  	v2 =	vadd.f32 v4, v3  }
0x1cd: {  	[tilespmem:s21+$0xA980] =	vst v1  }
0x1ce: {  	[tilespmem:s22+$0xA980] =	vst v2  }
0x1cf: {  	v49 =	vld [tilespmem:$0x8E80]  }
0x1d0: {  	v50 =	vld [tilespmem:$0x8E90]  }
0x1d1: {  	v51 =	vld [tilespmem:$0x8EA0]  }
0x1d2: {  	v52 =	vld [tilespmem:$0x8EB0]  }
0x1d3: {  	v53 =	vld [tilespmem:$0x8EC0]  }
0x1d4: {  	v54 =	vld [tilespmem:$0x8ED0]  }
0x1d5: {  	v55 =	vld [tilespmem:$0x8EE0]  }
0x1d6: {  	s21 =	simm.s32 $0x0;
	v56 =	vld [tilespmem:$0x8EF0]  }
0x1d7: {  	v1 =	vld [tilespmem:s21+$0x8E80]  }
0x1d8: {  	v2 =	vld [tilespmem:s21+$0x8E90]  }
0x1d9: {  	v3 =	vld [tilespmem:s21+$0x8EA0]  }
0x1da: {  	v4 =	vld [tilespmem:s21+$0x8EB0]  }
0x1db: {  	v5 =	vld [tilespmem:s21+$0x8EC0]  }
0x1dc: {  	v6 =	vld [tilespmem:s21+$0x8ED0]  }
0x1dd: {  	v7 =	vld [tilespmem:s21+$0x8EE0]  }
0x1de: {  	s22 =	simm.s32 $0x80;
	v8 =	vld [tilespmem:s21+$0x8EF0]  }
0x1df: {  	v63 =	vld [tilespmem:s22+$0x8E80]  }
0x1e0: {  	v57 =	vld [tilespmem:s22+$0x8E90];
	v1 =	vmul.f32 v1, v49;
	v2 =	vmul.f32 v2, v50  }
0x1e1: {  	v58 =	vld [tilespmem:s22+$0x8EA0];
	v3 =	vmul.f32 v3, v51;
	v4 =	vmul.f32 v4, v52  }
0x1e2: {  	v59 =	vld [tilespmem:s22+$0x8EB0];
	v5 =	vmul.f32 v5, v53;
	v6 =	vmul.f32 v6, v54  }
0x1e3: {  	v60 =	vld [tilespmem:s22+$0x8EC0];
	v7 =	vmul.f32 v7, v55;
	v8 =	vmul.f32 v8, v56  }
0x1e4: {  	v61 =	vld [tilespmem:s22+$0x8ED0];
	v1 =	vadd.f32 v2, v1;
	v2 =	vadd.f32 v4, v3  }
0x1e5: {  	s23 =	simm.s32 $0x400;
	v62 =	vld [tilespmem:s22+$0x8EE0];
	v3 =	vadd.f32 v6, v5;
	v4 =	vadd.f32 v8, v7  }
.LBB2_9:
0x1e6: {  	s24 =	sshra.s32 s23, $0x2;
	p0 =	sne.s32 s23, $0x6600;
	v5 =	vld [tilespmem:s22+$0x8EF0]  }
0x1e7: {  	v1 =	vadd.f32 v2, v1;
	v6 =	vld [tilespmem:s24+$0x8E80];
	v2 =	vadd.f32 v4, v3  }
0x1e8: {  	v3 =	vmul.f32 v63, v49;
	v4 =	vmul.f32 v57, v50;
	v57 =	vld [tilespmem:s24+$0x8E90]  }
.Ltmp3:
0x1e9: {  	v7 =	vmul.f32 v58, v51;
	v8 =	vmul.f32 v59, v52;
	v58 =	vld [tilespmem:s24+$0x8EA0];
	v1 =	vadd.f32 v2, v1;
	(pc) =	sbr.rel @p0 .LBB2_9-.Ltmp3, $4  }
0x1ea: {  	v9 =	vmul.f32 v60, v53;
	v10 =	vmul.f32 v61, v54;
	v59 =	vld [tilespmem:s24+$0x8EB0]  }
0x1eb: {  	v11 =	vmul.f32 v62, v55;
	v60 =	vld [tilespmem:s24+$0x8EC0];
	v5 =	vmul.f32 v5, v56;
	[tilespmem:s21+$0xC380] =	vst v1;
	s21 =	smov.u32 s22;
	s22 =	smov.u32 s24  }
0x1ec: {  	v2 =	vadd.f32 v8, v7;
	v1 =	vadd.f32 v4, v3;
	v61 =	vld [tilespmem:s22+$0x8ED0];
	v63 =	vmov v6  }
0x1ed: {  	s23 =	sadd.s32 $0x200, s23;
	v3 =	vadd.f32 v10, v9;
	v62 =	vld [tilespmem:s22+$0x8EE0];
	v4 =	vadd.f32 v5, v11  }
0x1ee: {  	v5 =	vld [tilespmem:s22+$0x8EF0];
	_ =	sdelay $0x1  }
0x1ef: {  	v6 =	vmul.f32 v63, v49;
	v7 =	vmul.f32 v57, v50  }
0x1f0: {  	v8 =	vmul.f32 v58, v51;
	v9 =	vmul.f32 v59, v52  }
0x1f1: {  	v10 =	vmul.f32 v60, v53;
	v11 =	vmul.f32 v61, v54  }
0x1f2: {  	v57 =	vmul.f32 v62, v55;
	v5 =	vmul.f32 v5, v56  }
0x1f3: {  	v6 =	vadd.f32 v7, v6;
	v58 =	vadd.f32 v9, v8  }
0x1f4: {  	v49 =	vld [tilespmem:$0x1FF10];
	v59 =	vadd.f32 v11, v10;
	v5 =	vadd.f32 v5, v57  }
0x1f5: {  	v1 =	vadd.f32 v2, v1;
	v2 =	vadd.f32 v4, v3  }
0x1f6: {  	v50 =	vld [tilespmem:$0x1FF20];
	v3 =	vadd.f32 v58, v6;
	v60 =	vadd.f32 v5, v59  }
0x1f7: {  	v1 =	vadd.f32 v2, v1  }
0x1f8: {  	v51 =	vld [tilespmem:$0x1FF30];
	v2 =	vadd.f32 v60, v3  }
0x1f9: {  	v52 =	vld [tilespmem:$0x1FF40];
	[tilespmem:s21+$0xC380] =	vst v1  }
0x1fa: {  	v53 =	vld [tilespmem:$0x1FF50];
	[tilespmem:s22+$0xC380] =	vst v2  }
0x1fb: {  	v1 =	vld.idx.msk [tilespmem:v0+s12+$0x0], $0xffff  }
0x1fc: {  	v2 =	vld.idx.msk [tilespmem:v49+s12+$0x0], $0xffff  }
0x1fd: {  	v54 =	vld [tilespmem:$0x1FF60]  }
0x1fe: {  	v3 =	vld.idx.msk [tilespmem:v50+s12+$0x0], $0xffff  }
0x1ff: {  	v55 =	vld [tilespmem:$0x1FF70]  }
0x200: {  	v61 =	vld.idx.msk [tilespmem:v51+s12+$0x0], $0xffff  }
0x201: {  	v56 =	vld [tilespmem:$0x1FF80];
	v1 =	vadd.f32 v2, v1  }
0x202: {  	v2 =	vld.idx.msk [tilespmem:v52+s12+$0x0], $0xffff  }
0x203: {  	v57 =	vld [tilespmem:$0x1FF90];
	v1 =	vadd.f32 v3, v1  }
0x204: {  	v3 =	vld.idx.msk [tilespmem:v53+s12+$0x0], $0xffff  }
0x205: {  	v58 =	vld [tilespmem:$0x1FFA0];
	v1 =	vadd.f32 v61, v1  }
0x206: {  	v62 =	vld.idx.msk [tilespmem:v54+s12+$0x0], $0xffff  }
0x207: {  	v59 =	vld [tilespmem:$0x1FFB0];
	v1 =	vadd.f32 v2, v1  }
0x208: {  	v2 =	vld.idx.msk [tilespmem:v55+s12+$0x0], $0xffff  }
0x209: {  	v1 =	vadd.f32 v3, v1  }
0x20a: {  	v3 =	vld.idx.msk [tilespmem:v56+s12+$0x0], $0xffff  }
0x20b: {  	v60 =	vld [tilespmem:$0x1FFC0];
	v1 =	vadd.f32 v62, v1  }
0x20c: {  	v63 =	vld.idx.msk [tilespmem:v57+s12+$0x0], $0xffff  }
0x20d: {  	v61 =	vld [tilespmem:$0x1FFD0];
	v1 =	vadd.f32 v2, v1  }
0x20e: {  	v62 =	vld [tilespmem:$0x1FFE0]  }
0x20f: {  	v2 =	vld.idx.msk [tilespmem:v58+s12+$0x0], $0xffff;
	v1 =	vadd.f32 v3, v1  }
0x210: {  	v3 =	vld.idx.msk [tilespmem:v59+s12+$0x0], $0xffff  }
0x211: {  	v1 =	vadd.f32 v63, v1;
	v63 =	vld [tilespmem:$0x1FFF0];
	_ =	sdelay $0x1  }
0x212: {  	v8 =	vld.idx.msk [tilespmem:v60+s12+$0x0], $0xffff  }
0x213: {  	v1 =	vadd.f32 v2, v1  }
0x214: {  	v2 =	vld.idx.msk [tilespmem:v61+s12+$0x0], $0xffff  }
0x215: {  	v1 =	vadd.f32 v3, v1  }
0x216: {  	v3 =	vld.idx.msk [tilespmem:v62+s12+$0x0], $0xffff  }
0x217: {  	v1 =	vadd.f32 v8, v1  }
0x218: {  	v9 =	vld.idx.msk [tilespmem:v63+s12+$0x0], $0xffff  }
0x219: {  	v1 =	vadd.f32 v2, v1;
	_ =	sdelay $0x1  }
0x21a: {  	v1 =	vadd.f32 v3, v1;
	_ =	sdelay $0x1  }
0x21b: {  	v1 =	vadd.f32 v9, v1  }
0x21c: {  	v2 =	vld [tilespmem:$0x1FCA0]  }
0x21d: {  	[tilespmem:$0xA900] =	vst v1;
	v1 =	vld [tilespmem:$0x1FC90];
	_ =	sdelay $0x1  }
0x21e: {  	v3 =	vld [tilespmem:$0x1FCB0];
	_ =	sdelay $0x4  }
0x21f: {  	v2 =	vld.idx.msk [tilespmem:v2+s12+$0x0], $0xffff  }
0x220: {  	v1 =	vld.idx.msk [tilespmem:v1+s12+$0x0], $0xffff;
	_ =	sdelay $0x1  }
0x221: {  	v3 =	vld.idx.msk [tilespmem:v3+s12+$0x0], $0xffff  }
0x222: {  	v10 =	vld [tilespmem:$0x1FCC0];
	_ =	sdelay $0x1  }
0x223: {  	v1 =	vadd.f32 v2, v1;
	v2 =	vld [tilespmem:$0x1FCD0];
	_ =	sdelay $0x1  }
0x224: {  	v1 =	vadd.f32 v3, v1;
	v3 =	vld [tilespmem:$0x1FCE0];
	_ =	sdelay $0x3  }
0x225: {  	v4 =	vld.idx.msk [tilespmem:v10+s12+$0x0], $0xffff;
	_ =	sdelay $0x1  }
0x226: {  	v2 =	vld.idx.msk [tilespmem:v2+s12+$0x0], $0xffff;
	_ =	sdelay $0x1  }
0x227: {  	v3 =	vld.idx.msk [tilespmem:v3+s12+$0x0], $0xffff  }
0x228: {  	v11 =	vld [tilespmem:$0x1FCF0];
	v1 =	vadd.f32 v4, v1;
	_ =	sdelay $0x1  }
0x229: {  	v1 =	vadd.f32 v2, v1;
	v2 =	vld [tilespmem:$0x1FD00];
	_ =	sdelay $0x1  }
0x22a: {  	v1 =	vadd.f32 v3, v1;
	v3 =	vld [tilespmem:$0x1FD10];
	_ =	sdelay $0x3  }
0x22b: {  	v4 =	vld.idx.msk [tilespmem:v11+s12+$0x0], $0xffff;
	_ =	sdelay $0x1  }
0x22c: {  	v2 =	vld.idx.msk [tilespmem:v2+s12+$0x0], $0xffff;
	_ =	sdelay $0x1  }
0x22d: {  	v3 =	vld.idx.msk [tilespmem:v3+s12+$0x0], $0xffff  }
0x22e: {  	v8 =	vld [tilespmem:$0x1FD20];
	v1 =	vadd.f32 v4, v1;
	_ =	sdelay $0x1  }
0x22f: {  	v1 =	vadd.f32 v2, v1;
	v2 =	vld [tilespmem:$0x1FD30];
	_ =	sdelay $0x1  }
0x230: {  	v1 =	vadd.f32 v3, v1;
	v3 =	vld [tilespmem:$0x1FD40];
	_ =	sdelay $0x3  }
0x231: {  	v4 =	vld.idx.msk [tilespmem:v8+s12+$0x0], $0xffff;
	_ =	sdelay $0x1  }
0x232: {  	v2 =	vld.idx.msk [tilespmem:v2+s12+$0x0], $0xffff;
	_ =	sdelay $0x1  }
0x233: {  	v3 =	vld.idx.msk [tilespmem:v3+s12+$0x0], $0xffff  }
0x234: {  	v9 =	vld [tilespmem:$0x1FD50];
	v1 =	vadd.f32 v4, v1;
	_ =	sdelay $0x1  }
0x235: {  	v1 =	vadd.f32 v2, v1;
	v2 =	vld [tilespmem:$0x1FD60];
	_ =	sdelay $0x1  }
0x236: {  	v1 =	vadd.f32 v3, v1;
	v3 =	vld [tilespmem:$0x1FD70];
	_ =	sdelay $0x1  }
0x237: {  	v10 =	vld [tilespmem:$0x1FD80];
	_ =	sdelay $0x1  }
0x238: {  	v4 =	vld.idx.msk [tilespmem:v9+s12+$0x0], $0xffff;
	_ =	sdelay $0x1  }
0x239: {  	v2 =	vld.idx.msk [tilespmem:v2+s12+$0x0], $0xffff;
	_ =	sdelay $0x1  }
0x23a: {  	v3 =	vld.idx.msk [tilespmem:v3+s12+$0x0], $0xffff  }
0x23b: {  	v1 =	vadd.f32 v4, v1  }
0x23c: {  	v4 =	vld.idx.msk [tilespmem:v10+s12+$0x0], $0xffff  }
0x23d: {  	v1 =	vadd.f32 v2, v1;
	_ =	sdelay $0x1  }
0x23e: {  	v1 =	vadd.f32 v3, v1;
	_ =	sdelay $0x1  }
0x23f: {  	v1 =	vadd.f32 v4, v1  }
0x240: {  	v2 =	vld [tilespmem:$0x1FDA0]  }
0x241: {  	[tilespmem:$0xA910] =	vst v1;
	v1 =	vld [tilespmem:$0x1FD90];
	_ =	sdelay $0x1  }
0x242: {  	v3 =	vld [tilespmem:$0x1FDB0];
	_ =	sdelay $0x4  }
0x243: {  	v2 =	vld.idx.msk [tilespmem:v2+s12+$0x0], $0xffff  }
0x244: {  	v1 =	vld.idx.msk [tilespmem:v1+s12+$0x0], $0xffff;
	_ =	sdelay $0x1  }
0x245: {  	v3 =	vld.idx.msk [tilespmem:v3+s12+$0x0], $0xffff  }
0x246: {  	v11 =	vld [tilespmem:$0x1FDC0];
	_ =	sdelay $0x1  }
0x247: {  	v1 =	vadd.f32 v2, v1;
	v2 =	vld [tilespmem:$0x1FDD0];
	_ =	sdelay $0x1  }
0x248: {  	v1 =	vadd.f32 v3, v1;
	v3 =	vld [tilespmem:$0x1FDE0];
	_ =	sdelay $0x3  }
0x249: {  	v4 =	vld.idx.msk [tilespmem:v11+s12+$0x0], $0xffff;
	_ =	sdelay $0x1  }
0x24a: {  	v2 =	vld.idx.msk [tilespmem:v2+s12+$0x0], $0xffff;
	_ =	sdelay $0x1  }
0x24b: {  	v3 =	vld.idx.msk [tilespmem:v3+s12+$0x0], $0xffff  }
0x24c: {  	v8 =	vld [tilespmem:$0x1FDF0];
	v1 =	vadd.f32 v4, v1;
	_ =	sdelay $0x1  }
0x24d: {  	v1 =	vadd.f32 v2, v1;
	v2 =	vld [tilespmem:$0x1FE00];
	_ =	sdelay $0x1  }
0x24e: {  	v1 =	vadd.f32 v3, v1;
	v3 =	vld [tilespmem:$0x1FE10];
	_ =	sdelay $0x3  }
0x24f: {  	v4 =	vld.idx.msk [tilespmem:v8+s12+$0x0], $0xffff;
	_ =	sdelay $0x1  }
0x250: {  	v2 =	vld.idx.msk [tilespmem:v2+s12+$0x0], $0xffff;
	_ =	sdelay $0x1  }
0x251: {  	v3 =	vld.idx.msk [tilespmem:v3+s12+$0x0], $0xffff  }
0x252: {  	v9 =	vld [tilespmem:$0x1FE20];
	v1 =	vadd.f32 v4, v1;
	_ =	sdelay $0x1  }
0x253: {  	v1 =	vadd.f32 v2, v1;
	v2 =	vld [tilespmem:$0x1FE30];
	_ =	sdelay $0x1  }
0x254: {  	v1 =	vadd.f32 v3, v1;
	v3 =	vld [tilespmem:$0x1FE40];
	_ =	sdelay $0x3  }
0x255: {  	v4 =	vld.idx.msk [tilespmem:v9+s12+$0x0], $0xffff;
	_ =	sdelay $0x1  }
0x256: {  	v2 =	vld.idx.msk [tilespmem:v2+s12+$0x0], $0xffff;
	_ =	sdelay $0x1  }
0x257: {  	v3 =	vld.idx.msk [tilespmem:v3+s12+$0x0], $0xffff  }
0x258: {  	v10 =	vld [tilespmem:$0x1FE50];
	v1 =	vadd.f32 v4, v1;
	_ =	sdelay $0x1  }
0x259: {  	v1 =	vadd.f32 v2, v1;
	v2 =	vld [tilespmem:$0x1FE60];
	_ =	sdelay $0x1  }
0x25a: {  	v1 =	vadd.f32 v3, v1;
	v3 =	vld [tilespmem:$0x1FE70];
	_ =	sdelay $0x1  }
0x25b: {  	v11 =	vld [tilespmem:$0x1FE80];
	_ =	sdelay $0x1  }
0x25c: {  	v4 =	vld.idx.msk [tilespmem:v10+s12+$0x0], $0xffff;
	_ =	sdelay $0x1  }
0x25d: {  	v2 =	vld.idx.msk [tilespmem:v2+s12+$0x0], $0xffff;
	_ =	sdelay $0x1  }
0x25e: {  	v3 =	vld.idx.msk [tilespmem:v3+s12+$0x0], $0xffff  }
0x25f: {  	v1 =	vadd.f32 v4, v1  }
0x260: {  	v4 =	vld.idx.msk [tilespmem:v11+s12+$0x0], $0xffff  }
0x261: {  	v1 =	vadd.f32 v2, v1;
	_ =	sdelay $0x1  }
0x262: {  	v1 =	vadd.f32 v3, v1;
	_ =	sdelay $0x1  }
0x263: {  	v1 =	vadd.f32 v4, v1  }
0x264: {  	v2 =	vld [tilespmem:$0x1FEA0]  }
0x265: {  	[tilespmem:$0xA920] =	vst v1;
	v1 =	vld [tilespmem:$0x1FE90];
	_ =	sdelay $0x1  }
0x266: {  	v3 =	vld [tilespmem:$0x1FEB0];
	_ =	sdelay $0x4  }
0x267: {  	v2 =	vld.idx.msk [tilespmem:v2+s12+$0x0], $0xffff  }
0x268: {  	v1 =	vld.idx.msk [tilespmem:v1+s12+$0x0], $0xffff;
	_ =	sdelay $0x1  }
0x269: {  	v3 =	vld.idx.msk [tilespmem:v3+s12+$0x0], $0xffff  }
0x26a: {  	v8 =	vld [tilespmem:$0x1FEC0];
	_ =	sdelay $0x1  }
0x26b: {  	v1 =	vadd.f32 v2, v1;
	v2 =	vld [tilespmem:$0x1FED0];
	_ =	sdelay $0x1  }
0x26c: {  	v1 =	vadd.f32 v3, v1;
	v3 =	vld [tilespmem:$0x1FEE0];
	_ =	sdelay $0x3  }
0x26d: {  	v4 =	vld.idx.msk [tilespmem:v8+s12+$0x0], $0xffff;
	_ =	sdelay $0x1  }
0x26e: {  	v2 =	vld.idx.msk [tilespmem:v2+s12+$0x0], $0xffff;
	_ =	sdelay $0x1  }
0x26f: {  	v3 =	vld.idx.msk [tilespmem:v3+s12+$0x0], $0xffff  }
0x270: {  	v9 =	vld [tilespmem:$0x1FEF0];
	v1 =	vadd.f32 v4, v1;
	_ =	sdelay $0x1  }
0x271: {  	v1 =	vadd.f32 v2, v1;
	v2 =	vld [tilespmem:$0x1FF00];
	_ =	sdelay $0x1  }
0x272: {  	v1 =	vadd.f32 v3, v1;
	v3 =	vld [tilespmem:$0x1FB60];
	_ =	sdelay $0x3  }
0x273: {  	v4 =	vld.idx.msk [tilespmem:v9+s12+$0x0], $0xffff;
	_ =	sdelay $0x1  }
0x274: {  	v2 =	vld.idx.msk [tilespmem:v2+s12+$0x0], $0xffff;
	_ =	sdelay $0x1  }
0x275: {  	v3 =	vld.idx.msk [tilespmem:v3+s12+$0x0], $0xffff  }
0x276: {  	v10 =	vld [tilespmem:$0x1FB70];
	v1 =	vadd.f32 v4, v1;
	_ =	sdelay $0x1  }
0x277: {  	v1 =	vadd.f32 v2, v1;
	v2 =	vld [tilespmem:$0x1FB80];
	_ =	sdelay $0x1  }
0x278: {  	v1 =	vadd.f32 v3, v1;
	v3 =	vld [tilespmem:$0x1FB90];
	_ =	sdelay $0x3  }
0x279: {  	v4 =	vld.idx.msk [tilespmem:v10+s12+$0x0], $0xffff;
	_ =	sdelay $0x1  }
0x27a: {  	v2 =	vld.idx.msk [tilespmem:v2+s12+$0x0], $0xffff;
	_ =	sdelay $0x1  }
0x27b: {  	v3 =	vld.idx.msk [tilespmem:v3+s12+$0x0], $0xffff  }
0x27c: {  	v11 =	vld [tilespmem:$0x1FBA0];
	v1 =	vadd.f32 v4, v1;
	_ =	sdelay $0x1  }
0x27d: {  	v1 =	vadd.f32 v2, v1;
	v2 =	vld [tilespmem:$0x1FBB0];
	_ =	sdelay $0x1  }
0x27e: {  	v1 =	vadd.f32 v3, v1;
	v3 =	vld [tilespmem:$0x1FBC0];
	_ =	sdelay $0x1  }
0x27f: {  	v8 =	vld [tilespmem:$0x1FBD0];
	_ =	sdelay $0x1  }
0x280: {  	v4 =	vld.idx.msk [tilespmem:v11+s12+$0x0], $0xffff;
	_ =	sdelay $0x1  }
0x281: {  	v2 =	vld.idx.msk [tilespmem:v2+s12+$0x0], $0xffff;
	_ =	sdelay $0x1  }
0x282: {  	v3 =	vld.idx.msk [tilespmem:v3+s12+$0x0], $0xffff  }
0x283: {  	v1 =	vadd.f32 v4, v1  }
0x284: {  	v4 =	vld.idx.msk [tilespmem:v8+s12+$0x0], $0xffff  }
0x285: {  	v1 =	vadd.f32 v2, v1;
	_ =	sdelay $0x1  }
0x286: {  	v1 =	vadd.f32 v3, v1;
	_ =	sdelay $0x1  }
0x287: {  	v1 =	vadd.f32 v4, v1  }
0x288: {  	v2 =	vld [tilespmem:$0x1FBF0]  }
0x289: {  	[tilespmem:$0xA930] =	vst v1;
	v1 =	vld [tilespmem:$0x1FBE0];
	_ =	sdelay $0x6  }
0x28a: {  	v2 =	vld.idx.msk [tilespmem:v2+s12+$0x0], $0xffff  }
0x28b: {  	v1 =	vld.idx.msk [tilespmem:v1+s12+$0x0], $0xffff  }
0x28c: {  	v3 =	vld [tilespmem:$0x1FC00];
	_ =	sdelay $0x1  }
0x28d: {  	v9 =	vld [tilespmem:$0x1FC10];
	_ =	sdelay $0x1  }
0x28e: {  	v1 =	vadd.f32 v2, v1;
	v2 =	vld [tilespmem:$0x1FC20];
	_ =	sdelay $0x3  }
0x28f: {  	v3 =	vld.idx.msk [tilespmem:v3+s12+$0x0], $0xffff;
	_ =	sdelay $0x1  }
0x290: {  	v4 =	vld.idx.msk [tilespmem:v9+s12+$0x0], $0xffff;
	_ =	sdelay $0x1  }
0x291: {  	v2 =	vld.idx.msk [tilespmem:v2+s12+$0x0], $0xffff  }
0x292: {  	v1 =	vadd.f32 v3, v1;
	v3 =	vld [tilespmem:$0x1FC30];
	_ =	sdelay $0x1  }
0x293: {  	v10 =	vld [tilespmem:$0x1FC40];
	v1 =	vadd.f32 v4, v1;
	_ =	sdelay $0x1  }
0x294: {  	v1 =	vadd.f32 v2, v1;
	v2 =	vld [tilespmem:$0x1FC50];
	_ =	sdelay $0x3  }
0x295: {  	v3 =	vld.idx.msk [tilespmem:v3+s12+$0x0], $0xffff;
	_ =	sdelay $0x1  }
0x296: {  	v4 =	vld.idx.msk [tilespmem:v10+s12+$0x0], $0xffff;
	_ =	sdelay $0x1  }
0x297: {  	v2 =	vld.idx.msk [tilespmem:v2+s12+$0x0], $0xffff  }
0x298: {  	v1 =	vadd.f32 v3, v1;
	v3 =	vld [tilespmem:$0x1FC60];
	_ =	sdelay $0x1  }
0x299: {  	v11 =	vld [tilespmem:$0x1FC70];
	v1 =	vadd.f32 v4, v1;
	_ =	sdelay $0x1  }
0x29a: {  	v1 =	vadd.f32 v2, v1;
	v2 =	vld [tilespmem:$0x1FC80];
	_ =	sdelay $0x3  }
0x29b: {  	v3 =	vld.idx.msk [tilespmem:v3+s12+$0x0], $0xffff;
	_ =	sdelay $0x1  }
0x29c: {  	v4 =	vld.idx.msk [tilespmem:v11+s12+$0x0], $0xffff;
	_ =	sdelay $0x1  }
0x29d: {  	v2 =	vld.idx.msk [tilespmem:v2+s12+$0x0], $0xffff  }
0x29e: {  	v1 =	vadd.f32 v3, v1  }
0x29f: {  	v3 =	vld.idx.msk [tilespmem:v12+s12+$0x0], $0xffff  }
0x2a0: {  	v1 =	vadd.f32 v4, v1  }
0x2a1: {  	v13 =	vld.idx.msk [tilespmem:v13+s12+$0x0], $0xffff  }
0x2a2: {  	v1 =	vadd.f32 v2, v1  }
0x2a3: {  	v2 =	vld.idx.msk [tilespmem:v14+s12+$0x0], $0xffff  }
0x2a4: {  	v1 =	vadd.f32 v3, v1  }
0x2a5: {  	v3 =	vld.idx.msk [tilespmem:v15+s12+$0x0], $0xffff  }
0x2a6: {  	v1 =	vadd.f32 v13, v1  }
0x2a7: {  	v16 =	vld.idx.msk [tilespmem:v16+s12+$0x0], $0xffff  }
0x2a8: {  	v1 =	vadd.f32 v2, v1;
	_ =	sdelay $0x1  }
0x2a9: {  	v1 =	vadd.f32 v3, v1;
	_ =	sdelay $0x1  }
0x2aa: {  	v1 =	vadd.f32 v16, v1;
	_ =	sdelay $0x1  }
0x2ab: {  	[tilespmem:$0xA940] =	vst v1  }
0x2ac: {  	v1 =	vld.idx.msk [tilespmem:v17+s12+$0x0], $0xffff  }
0x2ad: {  	v2 =	vld.idx.msk [tilespmem:v18+s12+$0x0], $0xffff;
	_ =	sdelay $0x1  }
0x2ae: {  	v3 =	vld.idx.msk [tilespmem:v19+s12+$0x0], $0xffff;
	_ =	sdelay $0x1  }
0x2af: {  	v20 =	vld.idx.msk [tilespmem:v20+s12+$0x0], $0xffff  }
0x2b0: {  	v1 =	vadd.f32 v2, v1  }
0x2b1: {  	v2 =	vld.idx.msk [tilespmem:v21+s12+$0x0], $0xffff  }
0x2b2: {  	v1 =	vadd.f32 v3, v1  }
0x2b3: {  	v3 =	vld.idx.msk [tilespmem:v22+s12+$0x0], $0xffff  }
0x2b4: {  	v1 =	vadd.f32 v20, v1  }
0x2b5: {  	v23 =	vld.idx.msk [tilespmem:v23+s12+$0x0], $0xffff  }
0x2b6: {  	v1 =	vadd.f32 v2, v1  }
0x2b7: {  	v2 =	vld.idx.msk [tilespmem:v24+s12+$0x0], $0xffff  }
0x2b8: {  	v1 =	vadd.f32 v3, v1  }
0x2b9: {  	v3 =	vld.idx.msk [tilespmem:v25+s12+$0x0], $0xffff  }
0x2ba: {  	v1 =	vadd.f32 v23, v1  }
0x2bb: {  	v26 =	vld.idx.msk [tilespmem:v26+s12+$0x0], $0xffff  }
0x2bc: {  	v1 =	vadd.f32 v2, v1  }
0x2bd: {  	v2 =	vld.idx.msk [tilespmem:v27+s12+$0x0], $0xffff  }
0x2be: {  	v1 =	vadd.f32 v3, v1  }
0x2bf: {  	v3 =	vld.idx.msk [tilespmem:v28+s12+$0x0], $0xffff  }
0x2c0: {  	v1 =	vadd.f32 v26, v1  }
0x2c1: {  	v29 =	vld.idx.msk [tilespmem:v29+s12+$0x0], $0xffff  }
0x2c2: {  	v1 =	vadd.f32 v2, v1  }
0x2c3: {  	v2 =	vld.idx.msk [tilespmem:v30+s12+$0x0], $0xffff  }
0x2c4: {  	v1 =	vadd.f32 v3, v1  }
0x2c5: {  	v3 =	vld.idx.msk [tilespmem:v31+s12+$0x0], $0xffff  }
0x2c6: {  	v1 =	vadd.f32 v29, v1  }
0x2c7: {  	v32 =	vld.idx.msk [tilespmem:v32+s12+$0x0], $0xffff  }
0x2c8: {  	v1 =	vadd.f32 v2, v1;
	_ =	sdelay $0x1  }
0x2c9: {  	v1 =	vadd.f32 v3, v1;
	_ =	sdelay $0x1  }
0x2ca: {  	v1 =	vadd.f32 v32, v1;
	_ =	sdelay $0x1  }
0x2cb: {  	[tilespmem:$0xA950] =	vst v1  }
0x2cc: {  	v1 =	vld.idx.msk [tilespmem:v33+s12+$0x0], $0xffff  }
0x2cd: {  	v2 =	vld.idx.msk [tilespmem:v34+s12+$0x0], $0xffff;
	_ =	sdelay $0x1  }
0x2ce: {  	v3 =	vld.idx.msk [tilespmem:v35+s12+$0x0], $0xffff;
	_ =	sdelay $0x1  }
0x2cf: {  	v36 =	vld.idx.msk [tilespmem:v36+s12+$0x0], $0xffff  }
0x2d0: {  	v1 =	vadd.f32 v2, v1  }
0x2d1: {  	v2 =	vld.idx.msk [tilespmem:v37+s12+$0x0], $0xffff  }
0x2d2: {  	v1 =	vadd.f32 v3, v1  }
0x2d3: {  	v3 =	vld.idx.msk [tilespmem:v38+s12+$0x0], $0xffff  }
0x2d4: {  	v1 =	vadd.f32 v36, v1  }
0x2d5: {  	v39 =	vld.idx.msk [tilespmem:v39+s12+$0x0], $0xffff  }
0x2d6: {  	v1 =	vadd.f32 v2, v1  }
0x2d7: {  	v2 =	vld.idx.msk [tilespmem:v40+s12+$0x0], $0xffff  }
0x2d8: {  	v1 =	vadd.f32 v3, v1  }
0x2d9: {  	v3 =	vld.idx.msk [tilespmem:v41+s12+$0x0], $0xffff  }
0x2da: {  	v1 =	vadd.f32 v39, v1  }
0x2db: {  	v42 =	vld.idx.msk [tilespmem:v42+s12+$0x0], $0xffff  }
0x2dc: {  	v1 =	vadd.f32 v2, v1  }
0x2dd: {  	v2 =	vld.idx.msk [tilespmem:v43+s12+$0x0], $0xffff  }
0x2de: {  	v1 =	vadd.f32 v3, v1  }
0x2df: {  	v3 =	vld.idx.msk [tilespmem:v44+s12+$0x0], $0xffff  }
0x2e0: {  	v1 =	vadd.f32 v42, v1  }
0x2e1: {  	v45 =	vld.idx.msk [tilespmem:v45+s12+$0x0], $0xffff  }
0x2e2: {  	v1 =	vadd.f32 v2, v1  }
0x2e3: {  	v2 =	vld.idx.msk [tilespmem:v46+s12+$0x0], $0xffff  }
0x2e4: {  	v1 =	vadd.f32 v3, v1  }
0x2e5: {  	v3 =	vld.idx.msk [tilespmem:v47+s12+$0x0], $0xffff  }
0x2e6: {  	v1 =	vadd.f32 v45, v1  }
0x2e7: {  	v48 =	vld.idx.msk [tilespmem:v48+s12+$0x0], $0xffff  }
0x2e8: {  	v1 =	vadd.f32 v2, v1  }
0x2e9: {  	s19 =	sadd.s32 $0x1, s19  }
0x2ea: {  	p0 =	sne.s32 s19, $0x4F;
	v1 =	vadd.f32 v3, v1  }
.Ltmp4:
0x2eb: {  	s20 =	sadd.s32 s5, s20;
	(pc) =	sbr.rel @p0 .LBB2_2-.Ltmp4, $3  }
0x2ec: {  	s20 =	smul.u32 $0xE, s20;
	v1 =	vadd.f32 v48, v1;
	_ =	sdelay $0x1  }
0x2ed: {  	s20 =	sadd.s32 s4, s20;
	[tilespmem:$0xA960] =	vst v1  }
0x2ee: {  	[hbm4b:s20+s2] =	stream.linear.scatter [tilespmem:s15], [sflag:$0x4], $0x70, $0x38;
	[tilespmem:$0xE180] =	vst v63  }
0x2ef: {  	s18 =	sadd.s32 $0x1, s18  }
0x2f0: {  	_ =	swait.ge [sflag:s16], $0x70;
	p0 =	sne.s32 s18, s7  }
.Ltmp5:
0x2f1: {  	[sflag:s16] =	ssyncset.done $0x0;
	(pc) =	sbr.rel @p0 .LBB2_1-.Ltmp5, $4  }
0x2f2: {  	[sflag:s16] =	ssyncadd.s32 $0xFFFFFF90  }
0x2f3: {  	_ =	swait.ge [sflag:s17], $0x70  }
0x2f4: {  	[sflag:s17] =	ssyncset.done $0x0  }
0x2f5: {  	[sflag:s17] =	ssyncadd.s32 $0xFFFFFF90  }
0x2f6: {  	_ =	sfence.sel $0x180000  }
0x2f7: {  	[bflag:$0x0] =	sbarrier.arrive $0xFFFF  }
0x2f8: {  	p0 =	sne.s32 s0, $0x0;
	_ =	strace $0x90000047  }
0x2f9: {  	s0 =	sadd.s32 @!p0 $0x100000, s1;
	[bflag:$0x2] =	sbarrier.arrive $0xFFFF  }
0x2fa: {  	[sflag:s0] =	ssyncadd.tile.s32 @!p0 $0x1;
	_ =	shalt  }
.Lfunc_end2:
_tile_overlayer_lowered:
.L_overlay_start_2:
0x2fb: {  	(tag) =	ssettag $0x2  }
0x2fc: {  	s0 =	rddreg [dreg:$0x0];
	s2 =	stileid.u32  }
0x2fd: {  	s1 =	rddreg [dreg:$0x1];
	p0 =	sne.s32 s2, $0x0  }
0x2fe: {  	s3 =	rddreg [dreg:$0x2];
	[bflag:$0x3] =	sbarrier.arrive $0xFFFF;
	s2 =	simm.s32 @!p0 $0x1C05  }
0x2ff: {  	[timem:s3], [sflag:s2] =	dma.local @!p0 [hbm:s0], s1  }
0x300: {  	s0 =	simm.s32 @!p0 $0x5  }
0x301: {  	_ =	swait.ge @!p0 [sflag:s0], s1  }
0x302: {  	s1 =	ssub.s32 @!p0 $0x0, s1;
	[sflag:s0] =	ssyncset.done @!p0 $0x0  }
0x303: {  	[sflag:s0] =	ssyncadd.s32 @!p0 s1  }
0x304: {  	[bflag:$0x3] =	sbarrier.arrive $0xFFFF  }
0x305: {  	_ =	shalt  }

</sc_bundles>
